<compile_context>
chip_gen: v7x
topology: tpu7x:2x2x1
jax: 0.10.2.dev20260603
libtpu: 0.0.44.dev20260713+nightly
codegen_flags: <defaults>
</compile_context>

<pallas_src>
import functools

import jax
import jax.numpy as jnp
from jax import lax
from jax.experimental import pallas as pl
from jax.experimental.pallas import tpu as pltpu
from jax.experimental.pallas import tpu_sc as plsc

_N = 10000
_C = 4
_L = 1201
_E = 640000
_REP = 48
_HID = 128
_T2 = 298
_T3 = 48
_EPS = 1e-5

_NPAD = 10240
_NW = 32
_CHUNK = 128
_NCH = 160
_EW = _NCH * _CHUNK
_EPADDED = _NW * _EW
_RPT = _NPAD // 16

_BN1 = 16
_BN2 = 40
_BN3 = 40
_BVP = 1280
_BVF = 2000


def _moments_body(x_ref, out_ref):
    @pl.when(pl.program_id(0) == 0)
    def _init():
        out_ref[...] = jnp.zeros_like(out_ref)

    v = x_ref[...]
    out_ref[0:4, :] += jnp.sum(v, axis=0)
    for c in range(4):
        out_ref[4 + 4 * c:8 + 4 * c, :] += jnp.sum(v * v[:, c:c + 1, :], axis=0)


def _moments(x):
    return pl.pallas_call(
        _moments_body,
        grid=(_N // _BN1,),
        in_specs=[pl.BlockSpec((_BN1, _C, _L), lambda i: (i, 0, 0))],
        out_specs=pl.BlockSpec((20, _L), lambda i: (0, 0)),
        out_shape=jax.ShapeDtypeStruct((20, _L), jnp.float32),
    )(x)


def _conv2_body(x_ref, w_ref, b_ref, h2_ref, st_ref):
    @pl.when(pl.program_id(0) == 0)
    def _init():
        st_ref[...] = jnp.zeros_like(st_ref)

    accs = [None] * 4
    for c in range(4):
        for k in range(11):
            a, r = k // 4, k % 4
            xk = x_ref[:, 4 * r + c, a:a + _T2]
            for o in range(4):
                t = w_ref[o, c, k] * xk
                accs[o] = t if accs[o] is None else accs[o] + t
    for o in range(4):
        h = accs[o] + b_ref[o]
        h2_ref[:, o, 0:_T2] = h
        h2_ref[:, o, _T2:300] = jnp.zeros((_BN2, 2), jnp.float32)
        st_ref[o, :] += jnp.sum(h, axis=0)
        st_ref[4 + o, :] += jnp.sum(h * h, axis=0)


def _conv2(xs, w2f, b2f):
    return pl.pallas_call(
        _conv2_body,
        grid=(_N // _BN2,),
        in_specs=[
            pl.BlockSpec((_BN2, 16, 301), lambda i: (i, 0, 0)),
            pl.BlockSpec(memory_space=pltpu.SMEM),
            pl.BlockSpec(memory_space=pltpu.SMEM),
        ],
        out_specs=[
            pl.BlockSpec((_BN2, _C, 300), lambda i: (i, 0, 0)),
            pl.BlockSpec((8, _T2), lambda i: (0, 0)),
        ],
        out_shape=[
            jax.ShapeDtypeStruct((_N, _C, 300), jnp.float32),
            jax.ShapeDtypeStruct((8, _T2), jnp.float32),
        ],
    )(xs, w2f, b2f)


def _conv3_body(h2_ref, w3b_ref, sc_ref, hp_ref, st_ref):
    @pl.when(pl.program_id(0) == 0)
    def _init():
        st_ref[...] = jnp.zeros_like(st_ref)

    acc = None
    for c in range(4):
        rc = jnp.maximum(sc_ref[c] * h2_ref[:, c, :] + sc_ref[4 + c], 0.0)
        t = jnp.dot(rc[:, 0:_T2], w3b_ref[c],
                    preferred_element_type=jnp.float32)
        acc = t if acc is None else acc + t
    h3 = acc + sc_ref[8]
    hp_ref[...] = h3
    st_ref[0, :] += jnp.sum(h3, axis=0)
    st_ref[1, :] += jnp.sum(h3 * h3, axis=0)


def _conv3(h2, w3band, scal):
    return pl.pallas_call(
        _conv3_body,
        grid=(_N // _BN3,),
        in_specs=[
            pl.BlockSpec((_BN3, _C, 300), lambda i: (i, 0, 0)),
            pl.BlockSpec((_C, _T2, _T3), lambda i: (0, 0, 0)),
            pl.BlockSpec(memory_space=pltpu.SMEM),
        ],
        out_specs=[
            pl.BlockSpec((_BN3, _T3), lambda i: (i, 0)),
            pl.BlockSpec((2, _T3), lambda i: (0, 0)),
        ],
        out_shape=[
            jax.ShapeDtypeStruct((_N, _T3), jnp.float32),
            jax.ShapeDtypeStruct((2, _T3), jnp.float32),
        ],
    )(h2, w3band, scal)


def _deg_sc(dstp, z16, ones16):
    mesh = plsc.VectorSubcoreMesh(core_axis_name="c", subcore_axis_name="s")

    @functools.partial(
        pl.kernel,
        out_type=jax.ShapeDtypeStruct((2, _NPAD, 16), jnp.float32),
        mesh=mesh,
        compiler_params=pltpu.CompilerParams(use_tc_tiling_on_sc=False),
        scratch_types=[
            pltpu.VMEM((_NCH, _CHUNK), jnp.int32),
            pltpu.VMEM((_CHUNK, 16), jnp.float32),
            pltpu.VMEM_SHARED((_NPAD, 16), jnp.float32),
        ],
    )
    def k(dst_hbm, z_hbm, ones_hbm, out_hbm, dstv, onesv, accsh):
        ci = lax.axis_index("c")
        si = lax.axis_index("s")
        w = si * 2 + ci
        r0 = si * _RPT
        pltpu.sync_copy(z_hbm.at[pl.ds(r0, _RPT)], accsh.at[pl.ds(r0, _RPT)])
        pltpu.sync_copy(ones_hbm, onesv)
        pltpu.sync_copy(dst_hbm.at[w], dstv)
        plsc.subcore_barrier()

        def body(j):
            pltpu.sync_copy(onesv, accsh.at[dstv.at[j]], add=True)

        pl.loop(0, _NCH)(body)
        plsc.subcore_barrier()
        pltpu.sync_copy(accsh.at[pl.ds(r0, _RPT)],
                        out_hbm.at[ci, pl.ds(r0, _RPT)])

    return k(dstp, z16, ones16)


def _prop_sc(srcp, dstp, hp, z48):
    mesh = plsc.VectorSubcoreMesh(core_axis_name="c", subcore_axis_name="s")

    @functools.partial(
        pl.kernel,
        out_type=jax.ShapeDtypeStruct((2, _NPAD, _REP), jnp.float32),
        mesh=mesh,
        compiler_params=pltpu.CompilerParams(use_tc_tiling_on_sc=False),
        scratch_types=[
            pltpu.VMEM((_NCH, _CHUNK), jnp.int32),
            pltpu.VMEM((_NCH, _CHUNK), jnp.int32),
            pltpu.VMEM((_CHUNK, _REP), jnp.float32),
            pltpu.VMEM((_CHUNK, _REP), jnp.float32),
            pltpu.VMEM_SHARED((_NPAD, _REP), jnp.float32),
            pltpu.SemaphoreType.DMA,
            pltpu.SemaphoreType.DMA,
        ],
    )
    def k(src_hbm, dst_hbm, hp_hbm, z_hbm, out_hbm,
          srcv, dstv, rows0, rows1, accsh, sem0, sem1):
        ci = lax.axis_index("c")
        si = lax.axis_index("s")
        w = si * 2 + ci
        r0 = si * _RPT
        pltpu.sync_copy(z_hbm.at[pl.ds(r0, _RPT)], accsh.at[pl.ds(r0, _RPT)])
        pltpu.sync_copy(src_hbm.at[w], srcv)
        pltpu.sync_copy(dst_hbm.at[w], dstv)
        plsc.subcore_barrier()

        bufs = (rows0, rows1)
        sems = (sem0, sem1)

        def body(j):
            cps = [None, None]
            for b in range(2):
                cps[b] = pltpu.async_copy(
                    hp_hbm.at[srcv.at[j + b]], bufs[b], sems[b])
            for b in range(2):
                cps[b].wait()
                pltpu.sync_copy(bufs[b], accsh.at[dstv.at[j + b]], add=True)

        pl.loop(0, _NCH, step=2)(body)
        plsc.subcore_barrier()
        pltpu.sync_copy(accsh.at[pl.ds(r0, _RPT)],
                        out_hbm.at[ci, pl.ds(r0, _RPT)])

    return k(srcp, dstp, hp, z48)


def _prep_body(degp_ref, hpre_ref, sc_ref, h_ref, hp_ref, dinv_ref):
    d = degp_ref[0] + degp_ref[1] + 1.0
    dinv = lax.rsqrt(d)
    dcol = dinv[:, 0:1]
    h = sc_ref[0] * hpre_ref[...] + sc_ref[1]
    h_ref[...] = h
    hp_ref[...] = h * dcol
    dinv_ref[...] = dcol


def _prep(degp, hpre_pad, scal):
    return pl.pallas_call(
        _prep_body,
        grid=(_NPAD // _BVP,),
        in_specs=[
            pl.BlockSpec((2, _BVP, 16), lambda i: (0, i, 0)),
            pl.BlockSpec((_BVP, _REP), lambda i: (i, 0)),
            pl.BlockSpec(memory_space=pltpu.SMEM),
        ],
        out_specs=[
            pl.BlockSpec((_BVP, _REP), lambda i: (i, 0)),
            pl.BlockSpec((_BVP, _REP), lambda i: (i, 0)),
            pl.BlockSpec((_BVP, 1), lambda i: (i, 0)),
        ],
        out_shape=[
            jax.ShapeDtypeStruct((_NPAD, _REP), jnp.float32),
            jax.ShapeDtypeStruct((_NPAD, _REP), jnp.float32),
            jax.ShapeDtypeStruct((_NPAD, 1), jnp.float32),
        ],
    )(degp, hpre_pad, scal)


def _fuse_body(h_ref, acc_ref, dinv_ref, gw_ref, gb_ref, lw_ref, lb_ref,
               qw_ref, qb_ref, o_ref, st_ref):
    @pl.when(pl.program_id(0) == 0)
    def _init():
        st_ref[...] = jnp.zeros_like(st_ref)

    dinv = dinv_ref[...]
    h = h_ref[...]
    a = (acc_ref[0] + acc_ref[1]) * dinv + (dinv * dinv) * h
    z = jnp.tanh(jnp.dot(a, gw_ref[...], preferred_element_type=jnp.float32)
                 + gb_ref[...])
    g = jax.nn.sigmoid(
        jnp.dot(z, qw_ref[...], preferred_element_type=jnp.float32)
        + qb_ref[...])
    xl = jnp.dot(h, lw_ref[...], preferred_element_type=jnp.float32) \
        + lb_ref[...]
    o = jnp.maximum((1.0 - g) * xl + g * z, 0.0)
    o_ref[...] = o
    st_ref[0, :] += jnp.sum(o, axis=0)
    st_ref[1, :] += jnp.sum(o * o, axis=0)


def _fuse(h, accp, dinv, gcn_w, gcn_b, lin1_w, lin1_b, gate_w, gate_b):
    return pl.pallas_call(
        _fuse_body,
        grid=(_N // _BVF,),
        in_specs=[
            pl.BlockSpec((_BVF, _REP), lambda i: (i, 0)),
            pl.BlockSpec((2, _BVF, _REP), lambda i: (0, i, 0)),
            pl.BlockSpec((_BVF, 1), lambda i: (i, 0)),
            pl.BlockSpec((_REP, _HID), lambda i: (0, 0)),
            pl.BlockSpec((1, _HID), lambda i: (0, 0)),
            pl.BlockSpec((_REP, _HID), lambda i: (0, 0)),
            pl.BlockSpec((1, _HID), lambda i: (0, 0)),
            pl.BlockSpec((_HID, _HID), lambda i: (0, 0)),
            pl.BlockSpec((1, _HID), lambda i: (0, 0)),
        ],
        out_specs=[
            pl.BlockSpec((_BVF, _HID), lambda i: (i, 0)),
            pl.BlockSpec((2, _HID), lambda i: (0, 0)),
        ],
        out_shape=[
            jax.ShapeDtypeStruct((_N, _HID), jnp.float32),
            jax.ShapeDtypeStruct((2, _HID), jnp.float32),
        ],
    )(h, accp, dinv, gcn_w, gcn_b, lin1_w, lin1_b, gate_w, gate_b)


def _bn4_body(o_ref, ac_ref, out_ref):
    out_ref[...] = ac_ref[0:1, :] * o_ref[...] + ac_ref[1:2, :]


def _bn4(o, a4c4):
    return pl.pallas_call(
        _bn4_body,
        grid=(_N // _BVF,),
        in_specs=[
            pl.BlockSpec((_BVF, _HID), lambda i: (i, 0)),
            pl.BlockSpec((2, _HID), lambda i: (0, 0)),
        ],
        out_specs=pl.BlockSpec((_BVF, _HID), lambda i: (i, 0)),
        out_shape=jax.ShapeDtypeStruct((_N, _HID), jnp.float32),
    )(o, a4c4)


def kernel(x, edge_index, w1, b1, g1, be1, w2, b2, g2, be2, w3, b3, g3, be3,
           gcn_w, gcn_b, lin1_w, lin1_b, gate_w, gate_b, g4, be4):
    f32 = jnp.float32
    x = x.astype(f32)

    src = edge_index[0].astype(jnp.int32)
    dst = edge_index[1].astype(jnp.int32)
    npadidx = (_N + jnp.arange(_EPADDED - _E, dtype=jnp.int32)
               % (_NPAD - _N)).astype(jnp.int32)
    srcp = jnp.concatenate([src, npadidx]).reshape(_NW, _NCH, _CHUNK)
    dstp = jnp.concatenate([dst, npadidx]).reshape(_NW, _NCH, _CHUNK)
    z16 = jnp.zeros((_NPAD, 16), f32)
    z48 = jnp.zeros((_NPAD, _REP), f32)
    ones16 = jnp.ones((_CHUNK, 16), f32)

    degp = _deg_sc(dstp, z16, ones16)

    mom = _moments(x)
    cnt1 = float(_N * _L)
    s1 = jnp.sum(mom[0:4, :], axis=1)
    s2 = jnp.sum(mom[4:20, :], axis=1).reshape(4, 4)
    mu = s1 / cnt1
    cov = s2 / cnt1 - mu[:, None] * mu[None, :]
    w1m = w1[:, :, 0]
    mean1 = w1m @ mu + b1
    var1 = jnp.sum((w1m @ cov) * w1m, axis=1)
    a1 = g1 * lax.rsqrt(var1 + _EPS)
    c1 = be1 - a1 * mean1
    a1w = a1[:, None] * w1m
    d1 = a1 * b1 + c1
    w2f = jnp.einsum('oik,ic->ock', w2, a1w)
    b2f = b2 + jnp.einsum('oik,i->o', w2, d1)

    x_pad = jnp.pad(x, ((0, 0), (0, 0), (0, 3)))
    xs = x_pad.reshape(_N, _C, 301, 4).transpose(0, 3, 1, 2) \
        .reshape(_N, 16, 301)
    h2, st2 = _conv2(xs, w2f, b2f)
    cnt2 = float(_N * _T2)
    m2 = jnp.sum(st2[0:4, :], axis=1) / cnt2
    v2 = jnp.sum(st2[4:8, :], axis=1) / cnt2 - m2 * m2
    a2 = g2 * lax.rsqrt(v2 + _EPS)
    c2 = be2 - a2 * m2

    kk = jnp.arange(_T2)[:, None] - 6 * jnp.arange(_T3)[None, :]
    band = (kk >= 0) & (kk < 11)
    w3band = jnp.where(band[None, :, :],
                       w3[0][:, jnp.clip(kk, 0, 10)], 0.0).astype(f32)
    scal3 = jnp.concatenate([a2, c2, b3]).astype(f32)
    hpre, st3 = _conv3(h2, w3band, scal3)
    cnt3 = float(_N * _T3)
    m3 = jnp.sum(st3[0, :]) / cnt3
    v3 = jnp.sum(st3[1, :]) / cnt3 - m3 * m3
    a3 = g3[0] * lax.rsqrt(v3 + _EPS)
    c3 = be3[0] - a3 * m3

    hpre_pad = jnp.pad(hpre, ((0, _NPAD - _N), (0, 0)))
    scal_p = jnp.stack([a3, c3]).astype(f32)
    h, hp, dinv = _prep(degp, hpre_pad, scal_p)

    accp = _prop_sc(srcp, dstp, hp, z48)

    o, st4 = _fuse(h, accp, dinv, gcn_w, gcn_b.reshape(1, _HID),
                   lin1_w, lin1_b.reshape(1, _HID),
                   gate_w, gate_b.reshape(1, _HID))
    m4 = st4[0, :] / float(_N)
    v4 = st4[1, :] / float(_N) - m4 * m4
    a4 = g4 * lax.rsqrt(v4 + _EPS)
    c4 = be4 - a4 * m4
    a4c4 = jnp.stack([a4, c4])

    return _bn4(o, a4c4)

# --- scband reference (transcript-rebuilt; emitter-appended) ---
"""Pipeline reference for scband-splice-graph-25572235281101 (READ-ONLY COPY).

The authoritative reference and input builder live on the scoring server;
editing this copy changes nothing except your own understanding.
"""

import jax, jax.numpy as jnp
import numpy as np

N = 10000
C = 4
L = 1201
E = 640000
REP = 48
HID = 128


def setup_inputs(seed: int = 0) -> dict:
    key = jax.random.key(seed)
    ks = jax.random.split(key, 24)
    def w(k, shape, scale=0.05):
        return jax.random.normal(k, shape, jnp.float32) * scale
    inp = {}
    inp["x"] = jax.random.normal(ks[0], (N, C, L), jnp.float32)
    inp["edge_index"] = jax.random.randint(ks[1], (2, E), 0, N, dtype=jnp.int32)
    inp["w1"] = w(ks[2], (4, C, 1)); inp["b1"] = w(ks[3], (4,))
    inp["g1"] = jnp.ones((4,), jnp.float32); inp["be1"] = jnp.zeros((4,), jnp.float32)
    inp["w2"] = w(ks[4], (4, 4, 11)); inp["b2"] = w(ks[5], (4,))
    inp["g2"] = jnp.ones((4,), jnp.float32); inp["be2"] = jnp.zeros((4,), jnp.float32)
    inp["w3"] = w(ks[6], (1, 4, 11)); inp["b3"] = w(ks[7], (1,))
    inp["g3"] = jnp.ones((1,), jnp.float32); inp["be3"] = jnp.zeros((1,), jnp.float32)
    inp["gcn_w"] = w(ks[8], (REP, HID)); inp["gcn_b"] = w(ks[9], (HID,))
    inp["lin1_w"] = w(ks[10], (REP, HID)); inp["lin1_b"] = w(ks[11], (HID,))
    inp["gate_w"] = w(ks[12], (HID, HID)); inp["gate_b"] = w(ks[13], (HID,))
    inp["g4"] = jnp.ones((HID,), jnp.float32); inp["be4"] = jnp.zeros((HID,), jnp.float32)
    return inp


def _conv1d(x, w, b, stride):
    out = jax.lax.conv_general_dilated(x, w, (stride,), 'VALID', dimension_numbers=('NCH', 'OIH', 'NCH'))
    return out + b[None, :, None]


def _bn(x, gamma, beta, eps=1e-5):
    if x.ndim == 3:
        mean = x.mean(axis=(0, 2), keepdims=True)
        var = x.var(axis=(0, 2), keepdims=True)
        return gamma[None, :, None] * (x - mean) / jnp.sqrt(var + eps) + beta[None, :, None]
    mean = x.mean(axis=0, keepdims=True)
    var = x.var(axis=0, keepdims=True)
    return gamma[None, :] * (x - mean) / jnp.sqrt(var + eps) + beta[None, :]


def _gcn(x, edge_index, w, b, n):
    # GCNConv: linear -> symmetric-normalized propagate with self loops -> bias
    h = x @ w
    self_loops = jnp.arange(n, dtype=edge_index.dtype)
    src = jnp.concatenate([edge_index[0], self_loops])
    dst = jnp.concatenate([edge_index[1], self_loops])
    deg = jax.ops.segment_sum(jnp.ones_like(dst, dtype=h.dtype), dst, num_segments=n)
    dinv = jnp.where(deg > 0, 1.0 / jnp.sqrt(deg), 0.0)
    norm = dinv[src] * dinv[dst]
    msg = h[src] * norm[:, None]
    out = jax.ops.segment_sum(msg, dst, num_segments=n)
    return out + b[None, :]


def reference(x, edge_index, w1, b1, g1, be1, w2, b2, g2, be2, w3, b3, g3, be3,
              gcn_w, gcn_b, lin1_w, lin1_b, gate_w, gate_b, g4, be4):
    h = _conv1d(x, w1, b1, 1)
    h = _bn(h, g1, be1)
    h = _conv1d(h, w2, b2, 4)
    h = _bn(h, g2, be2)
    h = jax.nn.relu(h)
    h = _conv1d(h, w3, b3, 6)
    h = _bn(h, g3, be3)
    h = jnp.squeeze(h, axis=1)  # [N, REP]
    z = _gcn(h, edge_index, gcn_w, gcn_b, h.shape[0])
    z = jnp.tanh(z)
    g = jax.nn.sigmoid(z @ gate_w + gate_b[None, :])
    xl = h @ lin1_w + lin1_b[None, :]
    out = (1 - g) * xl + g * z
    out = jax.nn.relu(out)
    out = _bn(out, g4, be4)
    # dropout is identity in eval / a no-op for the reference math
    return out

if __name__ == "__main__":
    import jax
    _d = setup_inputs()
    print(jax.jit(kernel)(*tuple(_d.values())))

</pallas_src>

<mosaic_0001>
#map = affine_map<(d0, d1) -> (0, 0, 0)>
#map1 = affine_map<(d0, d1) -> (0, 0)>
module attributes {stable_mosaic.version = 14 : i64} {
  func.func @k(%arg0: i32, %arg1: i32, %arg2: memref<32x160x128xi32, #tpu.memory_space<hbm>>, %arg3: memref<10240x16xf32, #tpu.memory_space<hbm>>, %arg4: memref<128x16xf32, #tpu.memory_space<hbm>>, %arg5: memref<2x10240x16xf32, #tpu.memory_space<hbm>>, %arg6: memref<160x128xi32, #tpu.memory_space<vmem>>, %arg7: memref<128x16xf32, #tpu.memory_space<vmem>>, %arg8: memref<10240x16xf32, #tpu.memory_space<vmem_shared>>) attributes {dimension_semantics = [#tpu.dimension_semantics<core_parallel>, #tpu.dimension_semantics<subcore_parallel>], iteration_bounds = array<i64: 2, 16>, scalar_prefetch = 0 : i64, scratch_operands = 3 : i64, tpu.core_type = #tpu.core_type<sc_vector_subcore>, window_params = [{transform_indices = #map}, {transform_indices = #map1}, {transform_indices = #map1}, {transform_indices = #map}]} {
    %mul3A = arith.constant 2 : i32
    %mul3A_0 = arith.muli %arg1, %mul3A : i32
    %add3A = arith.addi %mul3A_0, %arg0 : i32
    %mul3A_1 = arith.constant 640 : i32
    %mul3A_2 = arith.muli %arg1, %mul3A_1 : i32
    "tpu.region"() ({
      %run_scoped3A = tpu.sem_alloc : memref<!tpu.dma_semaphore, #tpu.memory_space<semaphore_mem>>
      %dma_start3A = arith.constant 0 : i32
      %dma_start3A_8 = tpu.memref_slice %arg8[%mul3A_2, %dma_start3A] : memref<10240x16xf32, #tpu.memory_space<vmem_shared>> -> memref<640x16xf32, #tpu.memory_space<vmem_shared>>
      %dma_start3A_9 = arith.constant 0 : i32
      %dma_start3A_10 = tpu.memref_slice %arg3[%mul3A_2, %dma_start3A_9] : memref<10240x16xf32, #tpu.memory_space<hbm>> -> memref<640x16xf32, #tpu.memory_space<hbm>>
      tpu.enqueue_dma source(%dma_start3A_10 : memref<640x16xf32, #tpu.memory_space<hbm>>) target(%dma_start3A_8 : memref<640x16xf32, #tpu.memory_space<vmem_shared>>) target_semaphore(%run_scoped3A : memref<!tpu.dma_semaphore, #tpu.memory_space<semaphore_mem>>)
      %dma_wait3A = arith.constant 0 : i32
      %dma_wait3A_11 = tpu.memref_slice %arg8[%mul3A_2, %dma_wait3A] : memref<10240x16xf32, #tpu.memory_space<vmem_shared>> -> memref<640x16xf32, #tpu.memory_space<vmem_shared>>
      %dma_wait3A_12 = arith.constant 0 : i32
      %dma_wait3A_13 = tpu.memref_slice %arg3[%mul3A_2, %dma_wait3A_12] : memref<10240x16xf32, #tpu.memory_space<hbm>> -> memref<640x16xf32, #tpu.memory_space<hbm>>
      tpu.wait_dma2 semaphore(%run_scoped3A : memref<!tpu.dma_semaphore, #tpu.memory_space<semaphore_mem>>) src(%dma_wait3A_13 : memref<640x16xf32, #tpu.memory_space<hbm>>) dst(%dma_wait3A_11 : memref<640x16xf32, #tpu.memory_space<vmem_shared>>)
      tpu.yield
    }) : () -> ()
    "tpu.region"() ({
      %run_scoped3A = tpu.sem_alloc : memref<!tpu.dma_semaphore, #tpu.memory_space<semaphore_mem>>
      tpu.enqueue_dma source(%arg4 : memref<128x16xf32, #tpu.memory_space<hbm>>) target(%arg7 : memref<128x16xf32, #tpu.memory_space<vmem>>) target_semaphore(%run_scoped3A : memref<!tpu.dma_semaphore, #tpu.memory_space<semaphore_mem>>)
      tpu.wait_dma2 semaphore(%run_scoped3A : memref<!tpu.dma_semaphore, #tpu.memory_space<semaphore_mem>>) src(%arg4 : memref<128x16xf32, #tpu.memory_space<hbm>>) dst(%arg7 : memref<128x16xf32, #tpu.memory_space<vmem>>)
      tpu.yield
    }) : () -> ()
    "tpu.region"() ({
      %run_scoped3A = tpu.sem_alloc : memref<!tpu.dma_semaphore, #tpu.memory_space<semaphore_mem>>
      %dma_start3A = arith.constant 0 : i32
      %dma_start3A_8 = arith.constant 0 : i32
      %dma_start3A_9 = tpu.memref_slice %arg2[%add3A, %dma_start3A, %dma_start3A_8] : memref<32x160x128xi32, #tpu.memory_space<hbm>> -> memref<1x160x128xi32, #tpu.memory_space<hbm>>
      %dma_start3A_10 = tpu.memref_squeeze %dma_start3A_9 : memref<1x160x128xi32, #tpu.memory_space<hbm>> -> memref<160x128xi32, #tpu.memory_space<hbm>>
      %dma_start3A_11 = arith.constant 0 : i32
      %dma_start3A_12 = arith.constant 0 : i32
      %dma_start3A_13 = tpu.memref_slice %arg2[%add3A, %dma_start3A_11, %dma_start3A_12] : memref<32x160x128xi32, #tpu.memory_space<hbm>> -> memref<1x160x128xi32, #tpu.memory_space<hbm>>
      %dma_start3A_14 = tpu.memref_squeeze %dma_start3A_13 : memref<1x160x128xi32, #tpu.memory_space<hbm>> -> memref<160x128xi32, #tpu.memory_space<hbm>>
      tpu.enqueue_dma source(%dma_start3A_14 : memref<160x128xi32, #tpu.memory_space<hbm>>) target(%arg6 : memref<160x128xi32, #tpu.memory_space<vmem>>) target_semaphore(%run_scoped3A : memref<!tpu.dma_semaphore, #tpu.memory_space<semaphore_mem>>)
      %dma_wait3A = arith.constant 0 : i32
      %dma_wait3A_15 = arith.constant 0 : i32
      %dma_wait3A_16 = tpu.memref_slice %arg2[%add3A, %dma_wait3A, %dma_wait3A_15] : memref<32x160x128xi32, #tpu.memory_space<hbm>> -> memref<1x160x128xi32, #tpu.memory_space<hbm>>
      %dma_wait3A_17 = tpu.memref_squeeze %dma_wait3A_16 : memref<1x160x128xi32, #tpu.memory_space<hbm>> -> memref<160x128xi32, #tpu.memory_space<hbm>>
      %dma_wait3A_18 = arith.constant 0 : i32
      %dma_wait3A_19 = arith.constant 0 : i32
      %dma_wait3A_20 = tpu.memref_slice %arg2[%add3A, %dma_wait3A_18, %dma_wait3A_19] : memref<32x160x128xi32, #tpu.memory_space<hbm>> -> memref<1x160x128xi32, #tpu.memory_space<hbm>>
      %dma_wait3A_21 = tpu.memref_squeeze %dma_wait3A_20 : memref<1x160x128xi32, #tpu.memory_space<hbm>> -> memref<160x128xi32, #tpu.memory_space<hbm>>
      tpu.wait_dma2 semaphore(%run_scoped3A : memref<!tpu.dma_semaphore, #tpu.memory_space<semaphore_mem>>) src(%dma_wait3A_21 : memref<160x128xi32, #tpu.memory_space<hbm>>) dst(%arg6 : memref<160x128xi32, #tpu.memory_space<vmem>>)
      tpu.yield
    }) : () -> ()
    %barrier3A = arith.constant 0 : index
    tpu.barrier barrier_id(%barrier3A)
    %scan3A = arith.constant 0 : i32
    %scan3A_3 = arith.constant 160 : i32
    %scan3A_4 = arith.addi %scan3A, %scan3A_3 : i32
    %scan3A_5 = arith.constant 1 : i32
    scf.for %scan3A_8 = %scan3A to %scan3A_4 step %scan3A_5  : i32 {
      %mul3A_9 = arith.constant 1 : i32
      %mul3A_10 = arith.muli %scan3A_8, %mul3A_9 : i32
      %add3A_11 = arith.constant 0 : i32
      %add3A_12 = arith.addi %add3A_11, %mul3A_10 : i32
      "tpu.region"() ({
        %run_scoped3A = tpu.sem_alloc : memref<!tpu.dma_semaphore, #tpu.memory_space<semaphore_mem>>
        %dma_start3A = arith.constant 0 : i32
        %dma_start3A_13 = tpu.memref_slice %arg6[%add3A_12, %dma_start3A] : memref<160x128xi32, #tpu.memory_space<vmem>> -> memref<1x128xi32, #tpu.memory_space<vmem>>
        %dma_start3A_14 = tpu.memref_squeeze %dma_start3A_13 : memref<1x128xi32, #tpu.memory_space<vmem>> -> memref<128xi32, #tpu.memory_space<vmem>>
        %dma_start3A_15 = arith.constant 0 : i32
        %dma_start3A_16 = arith.constant 0 : i32
        %dma_start3A_17 = tpu.memref_slice %arg8[%dma_start3A_15, %dma_start3A_16] : memref<10240x16xf32, #tpu.memory_space<vmem_shared>> -> memref<10240x16xf32, #tpu.memory_space<vmem_shared>>
        tpu.enqueue_indirect_dma source(%arg7 : memref<128x16xf32, #tpu.memory_space<vmem>>) target(%dma_start3A_17 : memref<10240x16xf32, #tpu.memory_space<vmem_shared>>) offsets(%dma_start3A_14 : memref<128xi32, #tpu.memory_space<vmem>>) semaphore(%run_scoped3A : memref<!tpu.dma_semaphore, #tpu.memory_space<semaphore_mem>>) {add = true}
        %dma_wait3A = arith.constant 0 : i32
        %dma_wait3A_18 = tpu.memref_slice %arg6[%add3A_12, %dma_wait3A] : memref<160x128xi32, #tpu.memory_space<vmem>> -> memref<1x128xi32, #tpu.memory_space<vmem>>
        %dma_wait3A_19 = tpu.memref_squeeze %dma_wait3A_18 : memref<1x128xi32, #tpu.memory_space<vmem>> -> memref<128xi32, #tpu.memory_space<vmem>>
        %dma_wait3A_20 = arith.constant 0 : i32
        %dma_wait3A_21 = arith.constant 0 : i32
        %dma_wait3A_22 = tpu.memref_slice %arg8[%dma_wait3A_20, %dma_wait3A_21] : memref<10240x16xf32, #tpu.memory_space<vmem_shared>> -> memref<10240x16xf32, #tpu.memory_space<vmem_shared>>
        tpu.wait_indirect_dma semaphore(%run_scoped3A : memref<!tpu.dma_semaphore, #tpu.memory_space<semaphore_mem>>) src(%arg7 : memref<128x16xf32, #tpu.memory_space<vmem>>) dst(%dma_wait3A_22 : memref<10240x16xf32, #tpu.memory_space<vmem_shared>>)
        tpu.yield
      }) : () -> ()
    }
    %scan3A_6 = arith.constant 160 : i32
    %barrier3A_7 = arith.constant 0 : index
    tpu.barrier barrier_id(%barrier3A_7)
    "tpu.region"() ({
      %run_scoped3A = tpu.sem_alloc : memref<!tpu.dma_semaphore, #tpu.memory_space<semaphore_mem>>
      %dma_start3A = arith.constant 0 : i32
      %dma_start3A_8 = tpu.memref_slice %arg5[%arg0, %mul3A_2, %dma_start3A] : memref<2x10240x16xf32, #tpu.memory_space<hbm>> -> memref<1x640x16xf32, #tpu.memory_space<hbm>>
      %dma_start3A_9 = tpu.memref_squeeze %dma_start3A_8 : memref<1x640x16xf32, #tpu.memory_space<hbm>> -> memref<640x16xf32, #tpu.memory_space<hbm>>
      %dma_start3A_10 = arith.constant 0 : i32
      %dma_start3A_11 = tpu.memref_slice %arg8[%mul3A_2, %dma_start3A_10] : memref<10240x16xf32, #tpu.memory_space<vmem_shared>> -> memref<640x16xf32, #tpu.memory_space<vmem_shared>>
      tpu.enqueue_dma source(%dma_start3A_11 : memref<640x16xf32, #tpu.memory_space<vmem_shared>>) target(%dma_start3A_9 : memref<640x16xf32, #tpu.memory_space<hbm>>) target_semaphore(%run_scoped3A : memref<!tpu.dma_semaphore, #tpu.memory_space<semaphore_mem>>)
      %dma_wait3A = arith.constant 0 : i32
      %dma_wait3A_12 = tpu.memref_slice %arg5[%arg0, %mul3A_2, %dma_wait3A] : memref<2x10240x16xf32, #tpu.memory_space<hbm>> -> memref<1x640x16xf32, #tpu.memory_space<hbm>>
      %dma_wait3A_13 = tpu.memref_squeeze %dma_wait3A_12 : memref<1x640x16xf32, #tpu.memory_space<hbm>> -> memref<640x16xf32, #tpu.memory_space<hbm>>
      %dma_wait3A_14 = arith.constant 0 : i32
      %dma_wait3A_15 = tpu.memref_slice %arg8[%mul3A_2, %dma_wait3A_14] : memref<10240x16xf32, #tpu.memory_space<vmem_shared>> -> memref<640x16xf32, #tpu.memory_space<vmem_shared>>
      tpu.wait_dma2 semaphore(%run_scoped3A : memref<!tpu.dma_semaphore, #tpu.memory_space<semaphore_mem>>) src(%dma_wait3A_15 : memref<640x16xf32, #tpu.memory_space<vmem_shared>>) dst(%dma_wait3A_13 : memref<640x16xf32, #tpu.memory_space<hbm>>)
      tpu.yield
    }) : () -> ()
    return
  }
}

#map = affine_map<(d0, d1) -> (0, 0, 0)>
#map1 = affine_map<(d0, d1) -> (0, 0)>
module attributes {stable_mosaic.version = 14 : i64} {
  func.func @k(%arg0: i32, %arg1: i32, %arg2: memref<32x160x128xi32, #tpu.memory_space<hbm>>, %arg3: memref<32x160x128xi32, #tpu.memory_space<hbm>>, %arg4: memref<10240x48xf32, #tpu.memory_space<hbm>>, %arg5: memref<10240x48xf32, #tpu.memory_space<hbm>>, %arg6: memref<2x10240x48xf32, #tpu.memory_space<hbm>>, %arg7: memref<160x128xi32, #tpu.memory_space<vmem>>, %arg8: memref<160x128xi32, #tpu.memory_space<vmem>>, %arg9: memref<128x48xf32, #tpu.memory_space<vmem>>, %arg10: memref<128x48xf32, #tpu.memory_space<vmem>>, %arg11: memref<10240x48xf32, #tpu.memory_space<vmem_shared>>, %arg12: memref<!tpu.dma_semaphore, #tpu.memory_space<semaphore_mem>>, %arg13: memref<!tpu.dma_semaphore, #tpu.memory_space<semaphore_mem>>) attributes {dimension_semantics = [#tpu.dimension_semantics<core_parallel>, #tpu.dimension_semantics<subcore_parallel>], iteration_bounds = array<i64: 2, 16>, scalar_prefetch = 0 : i64, scratch_operands = 7 : i64, tpu.core_type = #tpu.core_type<sc_vector_subcore>, window_params = [{transform_indices = #map}, {transform_indices = #map}, {transform_indices = #map1}, {transform_indices = #map1}, {transform_indices = #map}]} {
    %mul3A = arith.constant 2 : i32
    %mul3A_0 = arith.muli %arg1, %mul3A : i32
    %add3A = arith.addi %mul3A_0, %arg0 : i32
    %mul3A_1 = arith.constant 640 : i32
    %mul3A_2 = arith.muli %arg1, %mul3A_1 : i32
    "tpu.region"() ({
      %run_scoped3A = tpu.sem_alloc : memref<!tpu.dma_semaphore, #tpu.memory_space<semaphore_mem>>
      %dma_start3A = arith.constant 0 : i32
      %dma_start3A_8 = tpu.memref_slice %arg11[%mul3A_2, %dma_start3A] : memref<10240x48xf32, #tpu.memory_space<vmem_shared>> -> memref<640x48xf32, #tpu.memory_space<vmem_shared>>
      %dma_start3A_9 = arith.constant 0 : i32
      %dma_start3A_10 = tpu.memref_slice %arg5[%mul3A_2, %dma_start3A_9] : memref<10240x48xf32, #tpu.memory_space<hbm>> -> memref<640x48xf32, #tpu.memory_space<hbm>>
      tpu.enqueue_dma source(%dma_start3A_10 : memref<640x48xf32, #tpu.memory_space<hbm>>) target(%dma_start3A_8 : memref<640x48xf32, #tpu.memory_space<vmem_shared>>) target_semaphore(%run_scoped3A : memref<!tpu.dma_semaphore, #tpu.memory_space<semaphore_mem>>)
      %dma_wait3A = arith.constant 0 : i32
      %dma_wait3A_11 = tpu.memref_slice %arg11[%mul3A_2, %dma_wait3A] : memref<10240x48xf32, #tpu.memory_space<vmem_shared>> -> memref<640x48xf32, #tpu.memory_space<vmem_shared>>
      %dma_wait3A_12 = arith.constant 0 : i32
      %dma_wait3A_13 = tpu.memref_slice %arg5[%mul3A_2, %dma_wait3A_12] : memref<10240x48xf32, #tpu.memory_space<hbm>> -> memref<640x48xf32, #tpu.memory_space<hbm>>
      tpu.wait_dma2 semaphore(%run_scoped3A : memref<!tpu.dma_semaphore, #tpu.memory_space<semaphore_mem>>) src(%dma_wait3A_13 : memref<640x48xf32, #tpu.memory_space<hbm>>) dst(%dma_wait3A_11 : memref<640x48xf32, #tpu.memory_space<vmem_shared>>)
      tpu.yield
    }) : () -> ()
    "tpu.region"() ({
      %run_scoped3A = tpu.sem_alloc : memref<!tpu.dma_semaphore, #tpu.memory_space<semaphore_mem>>
      %dma_start3A = arith.constant 0 : i32
      %dma_start3A_8 = arith.constant 0 : i32
      %dma_start3A_9 = tpu.memref_slice %arg2[%add3A, %dma_start3A, %dma_start3A_8] : memref<32x160x128xi32, #tpu.memory_space<hbm>> -> memref<1x160x128xi32, #tpu.memory_space<hbm>>
      %dma_start3A_10 = tpu.memref_squeeze %dma_start3A_9 : memref<1x160x128xi32, #tpu.memory_space<hbm>> -> memref<160x128xi32, #tpu.memory_space<hbm>>
      %dma_start3A_11 = arith.constant 0 : i32
      %dma_start3A_12 = arith.constant 0 : i32
      %dma_start3A_13 = tpu.memref_slice %arg2[%add3A, %dma_start3A_11, %dma_start3A_12] : memref<32x160x128xi32, #tpu.memory_space<hbm>> -> memref<1x160x128xi32, #tpu.memory_space<hbm>>
      %dma_start3A_14 = tpu.memref_squeeze %dma_start3A_13 : memref<1x160x128xi32, #tpu.memory_space<hbm>> -> memref<160x128xi32, #tpu.memory_space<hbm>>
      tpu.enqueue_dma source(%dma_start3A_14 : memref<160x128xi32, #tpu.memory_space<hbm>>) target(%arg7 : memref<160x128xi32, #tpu.memory_space<vmem>>) target_semaphore(%run_scoped3A : memref<!tpu.dma_semaphore, #tpu.memory_space<semaphore_mem>>)
      %dma_wait3A = arith.constant 0 : i32
      %dma_wait3A_15 = arith.constant 0 : i32
      %dma_wait3A_16 = tpu.memref_slice %arg2[%add3A, %dma_wait3A, %dma_wait3A_15] : memref<32x160x128xi32, #tpu.memory_space<hbm>> -> memref<1x160x128xi32, #tpu.memory_space<hbm>>
      %dma_wait3A_17 = tpu.memref_squeeze %dma_wait3A_16 : memref<1x160x128xi32, #tpu.memory_space<hbm>> -> memref<160x128xi32, #tpu.memory_space<hbm>>
      %dma_wait3A_18 = arith.constant 0 : i32
      %dma_wait3A_19 = arith.constant 0 : i32
      %dma_wait3A_20 = tpu.memref_slice %arg2[%add3A, %dma_wait3A_18, %dma_wait3A_19] : memref<32x160x128xi32, #tpu.memory_space<hbm>> -> memref<1x160x128xi32, #tpu.memory_space<hbm>>
      %dma_wait3A_21 = tpu.memref_squeeze %dma_wait3A_20 : memref<1x160x128xi32, #tpu.memory_space<hbm>> -> memref<160x128xi32, #tpu.memory_space<hbm>>
      tpu.wait_dma2 semaphore(%run_scoped3A : memref<!tpu.dma_semaphore, #tpu.memory_space<semaphore_mem>>) src(%dma_wait3A_21 : memref<160x128xi32, #tpu.memory_space<hbm>>) dst(%arg7 : memref<160x128xi32, #tpu.memory_space<vmem>>)
      tpu.yield
    }) : () -> ()
    "tpu.region"() ({
      %run_scoped3A = tpu.sem_alloc : memref<!tpu.dma_semaphore, #tpu.memory_space<semaphore_mem>>
      %dma_start3A = arith.constant 0 : i32
      %dma_start3A_8 = arith.constant 0 : i32
      %dma_start3A_9 = tpu.memref_slice %arg3[%add3A, %dma_start3A, %dma_start3A_8] : memref<32x160x128xi32, #tpu.memory_space<hbm>> -> memref<1x160x128xi32, #tpu.memory_space<hbm>>
      %dma_start3A_10 = tpu.memref_squeeze %dma_start3A_9 : memref<1x160x128xi32, #tpu.memory_space<hbm>> -> memref<160x128xi32, #tpu.memory_space<hbm>>
      %dma_start3A_11 = arith.constant 0 : i32
      %dma_start3A_12 = arith.constant 0 : i32
      %dma_start3A_13 = tpu.memref_slice %arg3[%add3A, %dma_start3A_11, %dma_start3A_12] : memref<32x160x128xi32, #tpu.memory_space<hbm>> -> memref<1x160x128xi32, #tpu.memory_space<hbm>>
      %dma_start3A_14 = tpu.memref_squeeze %dma_start3A_13 : memref<1x160x128xi32, #tpu.memory_space<hbm>> -> memref<160x128xi32, #tpu.memory_space<hbm>>
      tpu.enqueue_dma source(%dma_start3A_14 : memref<160x128xi32, #tpu.memory_space<hbm>>) target(%arg8 : memref<160x128xi32, #tpu.memory_space<vmem>>) target_semaphore(%run_scoped3A : memref<!tpu.dma_semaphore, #tpu.memory_space<semaphore_mem>>)
      %dma_wait3A = arith.constant 0 : i32
      %dma_wait3A_15 = arith.constant 0 : i32
      %dma_wait3A_16 = tpu.memref_slice %arg3[%add3A, %dma_wait3A, %dma_wait3A_15] : memref<32x160x128xi32, #tpu.memory_space<hbm>> -> memref<1x160x128xi32, #tpu.memory_space<hbm>>
      %dma_wait3A_17 = tpu.memref_squeeze %dma_wait3A_16 : memref<1x160x128xi32, #tpu.memory_space<hbm>> -> memref<160x128xi32, #tpu.memory_space<hbm>>
      %dma_wait3A_18 = arith.constant 0 : i32
      %dma_wait3A_19 = arith.constant 0 : i32
      %dma_wait3A_20 = tpu.memref_slice %arg3[%add3A, %dma_wait3A_18, %dma_wait3A_19] : memref<32x160x128xi32, #tpu.memory_space<hbm>> -> memref<1x160x128xi32, #tpu.memory_space<hbm>>
      %dma_wait3A_21 = tpu.memref_squeeze %dma_wait3A_20 : memref<1x160x128xi32, #tpu.memory_space<hbm>> -> memref<160x128xi32, #tpu.memory_space<hbm>>
      tpu.wait_dma2 semaphore(%run_scoped3A : memref<!tpu.dma_semaphore, #tpu.memory_space<semaphore_mem>>) src(%dma_wait3A_21 : memref<160x128xi32, #tpu.memory_space<hbm>>) dst(%arg8 : memref<160x128xi32, #tpu.memory_space<vmem>>)
      tpu.yield
    }) : () -> ()
    %barrier3A = arith.constant 0 : index
    tpu.barrier barrier_id(%barrier3A)
    %scan3A = arith.constant 0 : i32
    %scan3A_3 = arith.constant 80 : i32
    %scan3A_4 = arith.addi %scan3A, %scan3A_3 : i32
    %scan3A_5 = arith.constant 1 : i32
    scf.for %scan3A_8 = %scan3A to %scan3A_4 step %scan3A_5  : i32 {
      %mul3A_9 = arith.constant 2 : i32
      %mul3A_10 = arith.muli %scan3A_8, %mul3A_9 : i32
      %add3A_11 = arith.constant 0 : i32
      %add3A_12 = arith.addi %add3A_11, %mul3A_10 : i32
      %add3A_13 = arith.constant 0 : i32
      %add3A_14 = arith.addi %add3A_12, %add3A_13 : i32
      %dma_start3A = arith.constant 0 : i32
      %dma_start3A_15 = tpu.memref_slice %arg7[%add3A_14, %dma_start3A] : memref<160x128xi32, #tpu.memory_space<vmem>> -> memref<1x128xi32, #tpu.memory_space<vmem>>
      %dma_start3A_16 = tpu.memref_squeeze %dma_start3A_15 : memref<1x128xi32, #tpu.memory_space<vmem>> -> memref<128xi32, #tpu.memory_space<vmem>>
      %dma_start3A_17 = arith.constant 0 : i32
      %dma_start3A_18 = arith.constant 0 : i32
      %dma_start3A_19 = tpu.memref_slice %arg4[%dma_start3A_17, %dma_start3A_18] : memref<10240x48xf32, #tpu.memory_space<hbm>> -> memref<10240x48xf32, #tpu.memory_space<hbm>>
      tpu.enqueue_indirect_dma source(%dma_start3A_19 : memref<10240x48xf32, #tpu.memory_space<hbm>>) target(%arg9 : memref<128x48xf32, #tpu.memory_space<vmem>>) offsets(%dma_start3A_16 : memref<128xi32, #tpu.memory_space<vmem>>) semaphore(%arg12 : memref<!tpu.dma_semaphore, #tpu.memory_space<semaphore_mem>>)
      %add3A_20 = arith.constant 1 : i32
      %add3A_21 = arith.addi %add3A_12, %add3A_20 : i32
      %dma_start3A_22 = arith.constant 0 : i32
      %dma_start3A_23 = tpu.memref_slice %arg7[%add3A_21, %dma_start3A_22] : memref<160x128xi32, #tpu.memory_space<vmem>> -> memref<1x128xi32, #tpu.memory_space<vmem>>
      %dma_start3A_24 = tpu.memref_squeeze %dma_start3A_23 : memref<1x128xi32, #tpu.memory_space<vmem>> -> memref<128xi32, #tpu.memory_space<vmem>>
      %dma_start3A_25 = arith.constant 0 : i32
      %dma_start3A_26 = arith.constant 0 : i32
      %dma_start3A_27 = tpu.memref_slice %arg4[%dma_start3A_25, %dma_start3A_26] : memref<10240x48xf32, #tpu.memory_space<hbm>> -> memref<10240x48xf32, #tpu.memory_space<hbm>>
      tpu.enqueue_indirect_dma source(%dma_start3A_27 : memref<10240x48xf32, #tpu.memory_space<hbm>>) target(%arg10 : memref<128x48xf32, #tpu.memory_space<vmem>>) offsets(%dma_start3A_24 : memref<128xi32, #tpu.memory_space<vmem>>) semaphore(%arg13 : memref<!tpu.dma_semaphore, #tpu.memory_space<semaphore_mem>>)
      %dma_wait3A = arith.constant 0 : i32
      %dma_wait3A_28 = tpu.memref_slice %arg7[%add3A_14, %dma_wait3A] : memref<160x128xi32, #tpu.memory_space<vmem>> -> memref<1x128xi32, #tpu.memory_space<vmem>>
      %dma_wait3A_29 = tpu.memref_squeeze %dma_wait3A_28 : memref<1x128xi32, #tpu.memory_space<vmem>> -> memref<128xi32, #tpu.memory_space<vmem>>
      %dma_wait3A_30 = arith.constant 0 : i32
      %dma_wait3A_31 = arith.constant 0 : i32
      %dma_wait3A_32 = tpu.memref_slice %arg4[%dma_wait3A_30, %dma_wait3A_31] : memref<10240x48xf32, #tpu.memory_space<hbm>> -> memref<10240x48xf32, #tpu.memory_space<hbm>>
      tpu.wait_indirect_dma semaphore(%arg12 : memref<!tpu.dma_semaphore, #tpu.memory_space<semaphore_mem>>) src(%dma_wait3A_32 : memref<10240x48xf32, #tpu.memory_space<hbm>>) dst(%arg9 : memref<128x48xf32, #tpu.memory_space<vmem>>)
      %add3A_33 = arith.constant 0 : i32
      %add3A_34 = arith.addi %add3A_12, %add3A_33 : i32
      "tpu.region"() ({
        %run_scoped3A = tpu.sem_alloc : memref<!tpu.dma_semaphore, #tpu.memory_space<semaphore_mem>>
        %dma_start3A_43 = arith.constant 0 : i32
        %dma_start3A_44 = tpu.memref_slice %arg8[%add3A_34, %dma_start3A_43] : memref<160x128xi32, #tpu.memory_space<vmem>> -> memref<1x128xi32, #tpu.memory_space<vmem>>
        %dma_start3A_45 = tpu.memref_squeeze %dma_start3A_44 : memref<1x128xi32, #tpu.memory_space<vmem>> -> memref<128xi32, #tpu.memory_space<vmem>>
        %dma_start3A_46 = arith.constant 0 : i32
        %dma_start3A_47 = arith.constant 0 : i32
        %dma_start3A_48 = tpu.memref_slice %arg11[%dma_start3A_46, %dma_start3A_47] : memref<10240x48xf32, #tpu.memory_space<vmem_shared>> -> memref<10240x48xf32, #tpu.memory_space<vmem_shared>>
        tpu.enqueue_indirect_dma source(%arg9 : memref<128x48xf32, #tpu.memory_space<vmem>>) target(%dma_start3A_48 : memref<10240x48xf32, #tpu.memory_space<vmem_shared>>) offsets(%dma_start3A_45 : memref<128xi32, #tpu.memory_space<vmem>>) semaphore(%run_scoped3A : memref<!tpu.dma_semaphore, #tpu.memory_space<semaphore_mem>>) {add = true}
        %dma_wait3A_49 = arith.constant 0 : i32
        %dma_wait3A_50 = tpu.memref_slice %arg8[%add3A_34, %dma_wait3A_49] : memref<160x128xi32, #tpu.memory_space<vmem>> -> memref<1x128xi32, #tpu.memory_space<vmem>>
        %dma_wait3A_51 = tpu.memref_squeeze %dma_wait3A_50 : memref<1x128xi32, #tpu.memory_space<vmem>> -> memref<128xi32, #tpu.memory_space<vmem>>
        %dma_wait3A_52 = arith.constant 0 : i32
        %dma_wait3A_53 = arith.constant 0 : i32
        %dma_wait3A_54 = tpu.memref_slice %arg11[%dma_wait3A_52, %dma_wait3A_53] : memref<10240x48xf32, #tpu.memory_space<vmem_shared>> -> memref<10240x48xf32, #tpu.memory_space<vmem_shared>>
        tpu.wait_indirect_dma semaphore(%run_scoped3A : memref<!tpu.dma_semaphore, #tpu.memory_space<semaphore_mem>>) src(%arg9 : memref<128x48xf32, #tpu.memory_space<vmem>>) dst(%dma_wait3A_54 : memref<10240x48xf32, #tpu.memory_space<vmem_shared>>)
        tpu.yield
      }) : () -> ()
      %dma_wait3A_35 = arith.constant 0 : i32
      %dma_wait3A_36 = tpu.memref_slice %arg7[%add3A_21, %dma_wait3A_35] : memref<160x128xi32, #tpu.memory_space<vmem>> -> memref<1x128xi32, #tpu.memory_space<vmem>>
      %dma_wait3A_37 = tpu.memref_squeeze %dma_wait3A_36 : memref<1x128xi32, #tpu.memory_space<vmem>> -> memref<128xi32, #tpu.memory_space<vmem>>
      %dma_wait3A_38 = arith.constant 0 : i32
      %dma_wait3A_39 = arith.constant 0 : i32
      %dma_wait3A_40 = tpu.memref_slice %arg4[%dma_wait3A_38, %dma_wait3A_39] : memref<10240x48xf32, #tpu.memory_space<hbm>> -> memref<10240x48xf32, #tpu.memory_space<hbm>>
      tpu.wait_indirect_dma semaphore(%arg13 : memref<!tpu.dma_semaphore, #tpu.memory_space<semaphore_mem>>) src(%dma_wait3A_40 : memref<10240x48xf32, #tpu.memory_space<hbm>>) dst(%arg10 : memref<128x48xf32, #tpu.memory_space<vmem>>)
      %add3A_41 = arith.constant 1 : i32
      %add3A_42 = arith.addi %add3A_12, %add3A_41 : i32
      "tpu.region"() ({
        %run_scoped3A = tpu.sem_alloc : memref<!tpu.dma_semaphore, #tpu.memory_space<semaphore_mem>>
        %dma_start3A_43 = arith.constant 0 : i32
        %dma_start3A_44 = tpu.memref_slice %arg8[%add3A_42, %dma_start3A_43] : memref<160x128xi32, #tpu.memory_space<vmem>> -> memref<1x128xi32, #tpu.memory_space<vmem>>
        %dma_start3A_45 = tpu.memref_squeeze %dma_start3A_44 : memref<1x128xi32, #tpu.memory_space<vmem>> -> memref<128xi32, #tpu.memory_space<vmem>>
        %dma_start3A_46 = arith.constant 0 : i32
        %dma_start3A_47 = arith.constant 0 : i32
        %dma_start3A_48 = tpu.memref_slice %arg11[%dma_start3A_46, %dma_start3A_47] : memref<10240x48xf32, #tpu.memory_space<vmem_shared>> -> memref<10240x48xf32, #tpu.memory_space<vmem_shared>>
        tpu.enqueue_indirect_dma source(%arg10 : memref<128x48xf32, #tpu.memory_space<vmem>>) target(%dma_start3A_48 : memref<10240x48xf32, #tpu.memory_space<vmem_shared>>) offsets(%dma_start3A_45 : memref<128xi32, #tpu.memory_space<vmem>>) semaphore(%run_scoped3A : memref<!tpu.dma_semaphore, #tpu.memory_space<semaphore_mem>>) {add = true}
        %dma_wait3A_49 = arith.constant 0 : i32
        %dma_wait3A_50 = tpu.memref_slice %arg8[%add3A_42, %dma_wait3A_49] : memref<160x128xi32, #tpu.memory_space<vmem>> -> memref<1x128xi32, #tpu.memory_space<vmem>>
        %dma_wait3A_51 = tpu.memref_squeeze %dma_wait3A_50 : memref<1x128xi32, #tpu.memory_space<vmem>> -> memref<128xi32, #tpu.memory_space<vmem>>
        %dma_wait3A_52 = arith.constant 0 : i32
        %dma_wait3A_53 = arith.constant 0 : i32
        %dma_wait3A_54 = tpu.memref_slice %arg11[%dma_wait3A_52, %dma_wait3A_53] : memref<10240x48xf32, #tpu.memory_space<vmem_shared>> -> memref<10240x48xf32, #tpu.memory_space<vmem_shared>>
        tpu.wait_indirect_dma semaphore(%run_scoped3A : memref<!tpu.dma_semaphore, #tpu.memory_space<semaphore_mem>>) src(%arg10 : memref<128x48xf32, #tpu.memory_space<vmem>>) dst(%dma_wait3A_54 : memref<10240x48xf32, #tpu.memory_space<vmem_shared>>)
        tpu.yield
      }) : () -> ()
    }
    %scan3A_6 = arith.constant 80 : i32
    %barrier3A_7 = arith.constant 0 : index
    tpu.barrier barrier_id(%barrier3A_7)
    "tpu.region"() ({
      %run_scoped3A = tpu.sem_alloc : memref<!tpu.dma_semaphore, #tpu.memory_space<semaphore_mem>>
      %dma_start3A = arith.constant 0 : i32
      %dma_start3A_8 = tpu.memref_slice %arg6[%arg0, %mul3A_2, %dma_start3A] : memref<2x10240x48xf32, #tpu.memory_space<hbm>> -> memref<1x640x48xf32, #tpu.memory_space<hbm>>
      %dma_start3A_9 = tpu.memref_squeeze %dma_start3A_8 : memref<1x640x48xf32, #tpu.memory_space<hbm>> -> memref<640x48xf32, #tpu.memory_space<hbm>>
      %dma_start3A_10 = arith.constant 0 : i32
      %dma_start3A_11 = tpu.memref_slice %arg11[%mul3A_2, %dma_start3A_10] : memref<10240x48xf32, #tpu.memory_space<vmem_shared>> -> memref<640x48xf32, #tpu.memory_space<vmem_shared>>
      tpu.enqueue_dma source(%dma_start3A_11 : memref<640x48xf32, #tpu.memory_space<vmem_shared>>) target(%dma_start3A_9 : memref<640x48xf32, #tpu.memory_space<hbm>>) target_semaphore(%run_scoped3A : memref<!tpu.dma_semaphore, #tpu.memory_space<semaphore_mem>>)
      %dma_wait3A = arith.constant 0 : i32
      %dma_wait3A_12 = tpu.memref_slice %arg6[%arg0, %mul3A_2, %dma_wait3A] : memref<2x10240x48xf32, #tpu.memory_space<hbm>> -> memref<1x640x48xf32, #tpu.memory_space<hbm>>
      %dma_wait3A_13 = tpu.memref_squeeze %dma_wait3A_12 : memref<1x640x48xf32, #tpu.memory_space<hbm>> -> memref<640x48xf32, #tpu.memory_space<hbm>>
      %dma_wait3A_14 = arith.constant 0 : i32
      %dma_wait3A_15 = tpu.memref_slice %arg11[%mul3A_2, %dma_wait3A_14] : memref<10240x48xf32, #tpu.memory_space<vmem_shared>> -> memref<640x48xf32, #tpu.memory_space<vmem_shared>>
      tpu.wait_dma2 semaphore(%run_scoped3A : memref<!tpu.dma_semaphore, #tpu.memory_space<semaphore_mem>>) src(%dma_wait3A_15 : memref<640x48xf32, #tpu.memory_space<vmem_shared>>) dst(%dma_wait3A_13 : memref<640x48xf32, #tpu.memory_space<hbm>>)
      tpu.yield
    }) : () -> ()
    return
  }
}

module attributes {stable_mosaic.version = 14 : i64} {
  func.func @_moments_body(%arg0: i32, %arg1: memref<16x4x1201xf32, #tpu.memory_space<vmem>>, %arg2: memref<20x1201xf32, #tpu.memory_space<vmem>>) attributes {dimension_semantics = [#tpu.dimension_semantics<arbitrary>], iteration_bounds = array<i64: 625>, scalar_prefetch = 0 : i64, scratch_operands = 0 : i64, tpu.core_type = #tpu.core_type<tc>, window_params = [{transform_indices = @transform_0, window_bounds = array<i64: 16, 4, 1201>}, {pipeline_mode = #tpu.pipeline_mode<synchronous>, transform_indices = @transform_1, window_bounds = array<i64: 20, 1201>}]} {
    %eq3A = arith.constant 0 : i32
    %eq3A_0 = arith.cmpi eq, %arg0, %eq3A : i32
    %convert_element_type3A = arith.extui %eq3A_0 : i1 to i32
    %cond3A = arith.constant 0 : i32
    %cond3A_1 = arith.cmpi ne, %convert_element_type3A, %cond3A : i32
    scf.if %cond3A_1 {
      %broadcast_in_dim3A = arith.constant 0.000000e+00 : f32
      %broadcast_in_dim3A_57 = vector.broadcast %broadcast_in_dim3A : f32 to vector<20x1201xf32>
      %swap3A_58 = arith.constant 0 : index
      %swap3A_59 = arith.constant 0 : index
      %swap3A_60 = vector.load %arg2[%swap3A_58, %swap3A_59] : memref<20x1201xf32, #tpu.memory_space<vmem>>, vector<20x1201xf32>
      tpu.vector_store %arg2[%swap3A_58, %swap3A_59], %broadcast_in_dim3A_57 {strides = array<i32>} : memref<20x1201xf32, #tpu.memory_space<vmem>>, vector<20x1201xf32>,
    } else {
    }
    %get3A = arith.constant 0 : index
    %get3A_2 = arith.constant 0 : index
    %get3A_3 = arith.constant 0 : index
    %get3A_4 = vector.load %arg1[%get3A, %get3A_2, %get3A_3] : memref<16x4x1201xf32, #tpu.memory_space<vmem>>, vector<16x4x1201xf32>
    %get3A_5 = arith.constant 0 : index
    %get3A_6 = arith.constant 0 : index
    %get3A_7 = vector.load %arg2[%get3A_5, %get3A_6] : memref<20x1201xf32, #tpu.memory_space<vmem>>, vector<4x1201xf32>
    %reduce_sum3A = arith.constant dense<0.000000e+00> : vector<4x1201xf32>
    %reduce_sum3A_8 = vector.multi_reduction <add>, %get3A_4, %reduce_sum3A [0] : vector<16x4x1201xf32> to vector<4x1201xf32>
    %add3A = arith.addf %get3A_7, %reduce_sum3A_8 : vector<4x1201xf32>
    %swap3A = arith.constant 0 : index
    %swap3A_9 = arith.constant 0 : index
    %swap3A_10 = vector.load %arg2[%swap3A, %swap3A_9] : memref<20x1201xf32, #tpu.memory_space<vmem>>, vector<4x1201xf32>
    tpu.vector_store %arg2[%swap3A, %swap3A_9], %add3A {strides = array<i32>} : memref<20x1201xf32, #tpu.memory_space<vmem>>, vector<4x1201xf32>,
    %get3A_11 = arith.constant 4 : index
    %get3A_12 = arith.constant 0 : index
    %get3A_13 = vector.load %arg2[%get3A_11, %get3A_12] : memref<20x1201xf32, #tpu.memory_space<vmem>>, vector<4x1201xf32>
    %slice3A = vector.extract_strided_slice %get3A_4 {offsets = [0, 0, 0], sizes = [16, 1, 1201], strides = [1, 1, 1]} : vector<16x4x1201xf32> to vector<16x1x1201xf32>
    %mul3A = vector.broadcast %slice3A : vector<16x1x1201xf32> to vector<16x4x1201xf32>
    %mul3A_14 = arith.mulf %get3A_4, %mul3A : vector<16x4x1201xf32>
    %reduce_sum3A_15 = arith.constant dense<0.000000e+00> : vector<4x1201xf32>
    %reduce_sum3A_16 = vector.multi_reduction <add>, %mul3A_14, %reduce_sum3A_15 [0] : vector<16x4x1201xf32> to vector<4x1201xf32>
    %add3A_17 = arith.addf %get3A_13, %reduce_sum3A_16 : vector<4x1201xf32>
    %swap3A_18 = arith.constant 4 : index
    %swap3A_19 = arith.constant 0 : index
    %swap3A_20 = vector.load %arg2[%swap3A_18, %swap3A_19] : memref<20x1201xf32, #tpu.memory_space<vmem>>, vector<4x1201xf32>
    tpu.vector_store %arg2[%swap3A_18, %swap3A_19], %add3A_17 {strides = array<i32>} : memref<20x1201xf32, #tpu.memory_space<vmem>>, vector<4x1201xf32>,
    %get3A_21 = arith.constant 8 : index
    %get3A_22 = arith.constant 0 : index
    %get3A_23 = vector.load %arg2[%get3A_21, %get3A_22] : memref<20x1201xf32, #tpu.memory_space<vmem>>, vector<4x1201xf32>
    %slice3A_24 = vector.extract_strided_slice %get3A_4 {offsets = [0, 1, 0], sizes = [16, 1, 1201], strides = [1, 1, 1]} : vector<16x4x1201xf32> to vector<16x1x1201xf32>
    %mul3A_25 = vector.broadcast %slice3A_24 : vector<16x1x1201xf32> to vector<16x4x1201xf32>
    %mul3A_26 = arith.mulf %get3A_4, %mul3A_25 : vector<16x4x1201xf32>
    %reduce_sum3A_27 = arith.constant dense<0.000000e+00> : vector<4x1201xf32>
    %reduce_sum3A_28 = vector.multi_reduction <add>, %mul3A_26, %reduce_sum3A_27 [0] : vector<16x4x1201xf32> to vector<4x1201xf32>
    %add3A_29 = arith.addf %get3A_23, %reduce_sum3A_28 : vector<4x1201xf32>
    %swap3A_30 = arith.constant 8 : index
    %swap3A_31 = arith.constant 0 : index
    %swap3A_32 = vector.load %arg2[%swap3A_30, %swap3A_31] : memref<20x1201xf32, #tpu.memory_space<vmem>>, vector<4x1201xf32>
    tpu.vector_store %arg2[%swap3A_30, %swap3A_31], %add3A_29 {strides = array<i32>} : memref<20x1201xf32, #tpu.memory_space<vmem>>, vector<4x1201xf32>,
    %get3A_33 = arith.constant 12 : index
    %get3A_34 = arith.constant 0 : index
    %get3A_35 = vector.load %arg2[%get3A_33, %get3A_34] : memref<20x1201xf32, #tpu.memory_space<vmem>>, vector<4x1201xf32>
    %slice3A_36 = vector.extract_strided_slice %get3A_4 {offsets = [0, 2, 0], sizes = [16, 1, 1201], strides = [1, 1, 1]} : vector<16x4x1201xf32> to vector<16x1x1201xf32>
    %mul3A_37 = vector.broadcast %slice3A_36 : vector<16x1x1201xf32> to vector<16x4x1201xf32>
    %mul3A_38 = arith.mulf %get3A_4, %mul3A_37 : vector<16x4x1201xf32>
    %reduce_sum3A_39 = arith.constant dense<0.000000e+00> : vector<4x1201xf32>
    %reduce_sum3A_40 = vector.multi_reduction <add>, %mul3A_38, %reduce_sum3A_39 [0] : vector<16x4x1201xf32> to vector<4x1201xf32>
    %add3A_41 = arith.addf %get3A_35, %reduce_sum3A_40 : vector<4x1201xf32>
    %swap3A_42 = arith.constant 12 : index
    %swap3A_43 = arith.constant 0 : index
    %swap3A_44 = vector.load %arg2[%swap3A_42, %swap3A_43] : memref<20x1201xf32, #tpu.memory_space<vmem>>, vector<4x1201xf32>
    tpu.vector_store %arg2[%swap3A_42, %swap3A_43], %add3A_41 {strides = array<i32>} : memref<20x1201xf32, #tpu.memory_space<vmem>>, vector<4x1201xf32>,
    %get3A_45 = arith.constant 16 : index
    %get3A_46 = arith.constant 0 : index
    %get3A_47 = vector.load %arg2[%get3A_45, %get3A_46] : memref<20x1201xf32, #tpu.memory_space<vmem>>, vector<4x1201xf32>
    %slice3A_48 = vector.extract_strided_slice %get3A_4 {offsets = [0, 3, 0], sizes = [16, 1, 1201], strides = [1, 1, 1]} : vector<16x4x1201xf32> to vector<16x1x1201xf32>
    %mul3A_49 = vector.broadcast %slice3A_48 : vector<16x1x1201xf32> to vector<16x4x1201xf32>
    %mul3A_50 = arith.mulf %get3A_4, %mul3A_49 : vector<16x4x1201xf32>
    %reduce_sum3A_51 = arith.constant dense<0.000000e+00> : vector<4x1201xf32>
    %reduce_sum3A_52 = vector.multi_reduction <add>, %mul3A_50, %reduce_sum3A_51 [0] : vector<16x4x1201xf32> to vector<4x1201xf32>
    %add3A_53 = arith.addf %get3A_47, %reduce_sum3A_52 : vector<4x1201xf32>
    %swap3A_54 = arith.constant 16 : index
    %swap3A_55 = arith.constant 0 : index
    %swap3A_56 = vector.load %arg2[%swap3A_54, %swap3A_55] : memref<20x1201xf32, #tpu.memory_space<vmem>>, vector<4x1201xf32>
    tpu.vector_store %arg2[%swap3A_54, %swap3A_55], %add3A_53 {strides = array<i32>} : memref<20x1201xf32, #tpu.memory_space<vmem>>, vector<4x1201xf32>,
    return
  }
  func.func @transform_0(%arg0: i32) -> (i32, i32, i32) {
    %c0_i32 = arith.constant 0 : i32
    %c0_i32_0 = arith.constant 0 : i32
    %c0_i32_1 = arith.constant 0 : i32
    return %arg0, %c0_i32, %c0_i32_0 : i32, i32, i32
  }
  func.func @transform_1(%arg0: i32) -> (i32, i32) {
    %c0_i32 = arith.constant 0 : i32
    %c0_i32_0 = arith.constant 0 : i32
    %c0_i32_1 = arith.constant 0 : i32
    return %c0_i32, %c0_i32_0 : i32, i32
  }
}

module attributes {stable_mosaic.version = 14 : i64} {
  func.func @_conv2_body(%arg0: i32, %arg1: memref<40x16x301xf32, #tpu.memory_space<vmem>>, %arg2: memref<4x4x11xf32, #tpu.memory_space<smem>>, %arg3: memref<4xf32, #tpu.memory_space<smem>>, %arg4: memref<40x4x300xf32, #tpu.memory_space<vmem>>, %arg5: memref<8x298xf32, #tpu.memory_space<vmem>>) attributes {dimension_semantics = [#tpu.dimension_semantics<arbitrary>], iteration_bounds = array<i64: 250>, scalar_prefetch = 0 : i64, scratch_operands = 0 : i64, tpu.core_type = #tpu.core_type<tc>, window_params = [{transform_indices = @transform_0, window_bounds = array<i64: 40, 16, 301>}, {transform_indices = @transform_1, window_bounds = array<i64: 4, 4, 11>}, {transform_indices = @transform_2, window_bounds = array<i64: 4>}, {transform_indices = @transform_3, window_bounds = array<i64: 40, 4, 300>}, {pipeline_mode = #tpu.pipeline_mode<synchronous>, transform_indices = @transform_4, window_bounds = array<i64: 8, 298>}]} {
    %eq3A = arith.constant 0 : i32
    %eq3A_0 = arith.cmpi eq, %arg0, %eq3A : i32
    %convert_element_type3A = arith.extui %eq3A_0 : i1 to i32
    %cond3A = arith.constant 0 : i32
    %cond3A_1 = arith.cmpi ne, %convert_element_type3A, %cond3A : i32
    scf.if %cond3A_1 {
      %broadcast_in_dim3A_1616 = arith.constant 0.000000e+00 : f32
      %broadcast_in_dim3A_1617 = vector.broadcast %broadcast_in_dim3A_1616 : f32 to vector<8x298xf32>
      %swap3A_1618 = arith.constant 0 : index
      %swap3A_1619 = arith.constant 0 : index
      %swap3A_1620 = vector.load %arg5[%swap3A_1618, %swap3A_1619] : memref<8x298xf32, #tpu.memory_space<vmem>>, vector<8x298xf32>
      tpu.vector_store %arg5[%swap3A_1618, %swap3A_1619], %broadcast_in_dim3A_1617 {strides = array<i32>} : memref<8x298xf32, #tpu.memory_space<vmem>>, vector<8x298xf32>,
    } else {
    }
    %get3A = arith.constant 0 : index
    %get3A_2 = arith.constant 0 : index
    %get3A_3 = arith.constant 0 : index
    %get3A_4 = vector.load %arg1[%get3A, %get3A_2, %get3A_3] : memref<40x16x301xf32, #tpu.memory_space<vmem>>, vector<40x1x298xf32>
    %get3A_5 = vector.shape_cast %get3A_4 : vector<40x1x298xf32> to vector<40x298xf32>
    %get3A_6 = arith.constant 0 : index
    %get3A_7 = arith.constant 0 : index
    %get3A_8 = arith.constant 0 : index
    %get3A_9 = memref.load %arg2[%get3A_6, %get3A_7, %get3A_8] : memref<4x4x11xf32, #tpu.memory_space<smem>>
    %mul3A = vector.broadcast %get3A_9 : f32 to vector<40x298xf32>
    %mul3A_10 = arith.mulf %mul3A, %get3A_5 : vector<40x298xf32>
    %get3A_11 = arith.constant 1 : index
    %get3A_12 = arith.constant 0 : index
    %get3A_13 = arith.constant 0 : index
    %get3A_14 = memref.load %arg2[%get3A_11, %get3A_12, %get3A_13] : memref<4x4x11xf32, #tpu.memory_space<smem>>
    %mul3A_15 = vector.broadcast %get3A_14 : f32 to vector<40x298xf32>
    %mul3A_16 = arith.mulf %mul3A_15, %get3A_5 : vector<40x298xf32>
    %get3A_17 = arith.constant 2 : index
    %get3A_18 = arith.constant 0 : index
    %get3A_19 = arith.constant 0 : index
    %get3A_20 = memref.load %arg2[%get3A_17, %get3A_18, %get3A_19] : memref<4x4x11xf32, #tpu.memory_space<smem>>
    %mul3A_21 = vector.broadcast %get3A_20 : f32 to vector<40x298xf32>
    %mul3A_22 = arith.mulf %mul3A_21, %get3A_5 : vector<40x298xf32>
    %get3A_23 = arith.constant 3 : index
    %get3A_24 = arith.constant 0 : index
    %get3A_25 = arith.constant 0 : index
    %get3A_26 = memref.load %arg2[%get3A_23, %get3A_24, %get3A_25] : memref<4x4x11xf32, #tpu.memory_space<smem>>
    %mul3A_27 = vector.broadcast %get3A_26 : f32 to vector<40x298xf32>
    %mul3A_28 = arith.mulf %mul3A_27, %get3A_5 : vector<40x298xf32>
    %get3A_29 = arith.constant 0 : index
    %get3A_30 = arith.constant 4 : index
    %get3A_31 = arith.constant 0 : index
    %get3A_32 = vector.load %arg1[%get3A_29, %get3A_30, %get3A_31] : memref<40x16x301xf32, #tpu.memory_space<vmem>>, vector<40x1x298xf32>
    %get3A_33 = vector.shape_cast %get3A_32 : vector<40x1x298xf32> to vector<40x298xf32>
    %get3A_34 = arith.constant 0 : index
    %get3A_35 = arith.constant 0 : index
    %get3A_36 = arith.constant 1 : index
    %get3A_37 = memref.load %arg2[%get3A_34, %get3A_35, %get3A_36] : memref<4x4x11xf32, #tpu.memory_space<smem>>
    %mul3A_38 = vector.broadcast %get3A_37 : f32 to vector<40x298xf32>
    %mul3A_39 = arith.mulf %mul3A_38, %get3A_33 : vector<40x298xf32>
    %add3A = arith.addf %mul3A_10, %mul3A_39 : vector<40x298xf32>
    %get3A_40 = arith.constant 1 : index
    %get3A_41 = arith.constant 0 : index
    %get3A_42 = arith.constant 1 : index
    %get3A_43 = memref.load %arg2[%get3A_40, %get3A_41, %get3A_42] : memref<4x4x11xf32, #tpu.memory_space<smem>>
    %mul3A_44 = vector.broadcast %get3A_43 : f32 to vector<40x298xf32>
    %mul3A_45 = arith.mulf %mul3A_44, %get3A_33 : vector<40x298xf32>
    %add3A_46 = arith.addf %mul3A_16, %mul3A_45 : vector<40x298xf32>
    %get3A_47 = arith.constant 2 : index
    %get3A_48 = arith.constant 0 : index
    %get3A_49 = arith.constant 1 : index
    %get3A_50 = memref.load %arg2[%get3A_47, %get3A_48, %get3A_49] : memref<4x4x11xf32, #tpu.memory_space<smem>>
    %mul3A_51 = vector.broadcast %get3A_50 : f32 to vector<40x298xf32>
    %mul3A_52 = arith.mulf %mul3A_51, %get3A_33 : vector<40x298xf32>
    %add3A_53 = arith.addf %mul3A_22, %mul3A_52 : vector<40x298xf32>
    %get3A_54 = arith.constant 3 : index
    %get3A_55 = arith.constant 0 : index
    %get3A_56 = arith.constant 1 : index
    %get3A_57 = memref.load %arg2[%get3A_54, %get3A_55, %get3A_56] : memref<4x4x11xf32, #tpu.memory_space<smem>>
    %mul3A_58 = vector.broadcast %get3A_57 : f32 to vector<40x298xf32>
    %mul3A_59 = arith.mulf %mul3A_58, %get3A_33 : vector<40x298xf32>
    %add3A_60 = arith.addf %mul3A_28, %mul3A_59 : vector<40x298xf32>
    %get3A_61 = arith.constant 0 : index
    %get3A_62 = arith.constant 8 : index
    %get3A_63 = arith.constant 0 : index
    %get3A_64 = vector.load %arg1[%get3A_61, %get3A_62, %get3A_63] : memref<40x16x301xf32, #tpu.memory_space<vmem>>, vector<40x1x298xf32>
    %get3A_65 = vector.shape_cast %get3A_64 : vector<40x1x298xf32> to vector<40x298xf32>
    %get3A_66 = arith.constant 0 : index
    %get3A_67 = arith.constant 0 : index
    %get3A_68 = arith.constant 2 : index
    %get3A_69 = memref.load %arg2[%get3A_66, %get3A_67, %get3A_68] : memref<4x4x11xf32, #tpu.memory_space<smem>>
    %mul3A_70 = vector.broadcast %get3A_69 : f32 to vector<40x298xf32>
    %mul3A_71 = arith.mulf %mul3A_70, %get3A_65 : vector<40x298xf32>
    %add3A_72 = arith.addf %add3A, %mul3A_71 : vector<40x298xf32>
    %get3A_73 = arith.constant 1 : index
    %get3A_74 = arith.constant 0 : index
    %get3A_75 = arith.constant 2 : index
    %get3A_76 = memref.load %arg2[%get3A_73, %get3A_74, %get3A_75] : memref<4x4x11xf32, #tpu.memory_space<smem>>
    %mul3A_77 = vector.broadcast %get3A_76 : f32 to vector<40x298xf32>
    %mul3A_78 = arith.mulf %mul3A_77, %get3A_65 : vector<40x298xf32>
    %add3A_79 = arith.addf %add3A_46, %mul3A_78 : vector<40x298xf32>
    %get3A_80 = arith.constant 2 : index
    %get3A_81 = arith.constant 0 : index
    %get3A_82 = arith.constant 2 : index
    %get3A_83 = memref.load %arg2[%get3A_80, %get3A_81, %get3A_82] : memref<4x4x11xf32, #tpu.memory_space<smem>>
    %mul3A_84 = vector.broadcast %get3A_83 : f32 to vector<40x298xf32>
    %mul3A_85 = arith.mulf %mul3A_84, %get3A_65 : vector<40x298xf32>
    %add3A_86 = arith.addf %add3A_53, %mul3A_85 : vector<40x298xf32>
    %get3A_87 = arith.constant 3 : index
    %get3A_88 = arith.constant 0 : index
    %get3A_89 = arith.constant 2 : index
    %get3A_90 = memref.load %arg2[%get3A_87, %get3A_88, %get3A_89] : memref<4x4x11xf32, #tpu.memory_space<smem>>
    %mul3A_91 = vector.broadcast %get3A_90 : f32 to vector<40x298xf32>
    %mul3A_92 = arith.mulf %mul3A_91, %get3A_65 : vector<40x298xf32>
    %add3A_93 = arith.addf %add3A_60, %mul3A_92 : vector<40x298xf32>
    %get3A_94 = arith.constant 0 : index
    %get3A_95 = arith.constant 12 : index
    %get3A_96 = arith.constant 0 : index
    %get3A_97 = vector.load %arg1[%get3A_94, %get3A_95, %get3A_96] : memref<40x16x301xf32, #tpu.memory_space<vmem>>, vector<40x1x298xf32>
    %get3A_98 = vector.shape_cast %get3A_97 : vector<40x1x298xf32> to vector<40x298xf32>
    %get3A_99 = arith.constant 0 : index
    %get3A_100 = arith.constant 0 : index
    %get3A_101 = arith.constant 3 : index
    %get3A_102 = memref.load %arg2[%get3A_99, %get3A_100, %get3A_101] : memref<4x4x11xf32, #tpu.memory_space<smem>>
    %mul3A_103 = vector.broadcast %get3A_102 : f32 to vector<40x298xf32>
    %mul3A_104 = arith.mulf %mul3A_103, %get3A_98 : vector<40x298xf32>
    %add3A_105 = arith.addf %add3A_72, %mul3A_104 : vector<40x298xf32>
    %get3A_106 = arith.constant 1 : index
    %get3A_107 = arith.constant 0 : index
    %get3A_108 = arith.constant 3 : index
    %get3A_109 = memref.load %arg2[%get3A_106, %get3A_107, %get3A_108] : memref<4x4x11xf32, #tpu.memory_space<smem>>
    %mul3A_110 = vector.broadcast %get3A_109 : f32 to vector<40x298xf32>
    %mul3A_111 = arith.mulf %mul3A_110, %get3A_98 : vector<40x298xf32>
    %add3A_112 = arith.addf %add3A_79, %mul3A_111 : vector<40x298xf32>
    %get3A_113 = arith.constant 2 : index
    %get3A_114 = arith.constant 0 : index
    %get3A_115 = arith.constant 3 : index
    %get3A_116 = memref.load %arg2[%get3A_113, %get3A_114, %get3A_115] : memref<4x4x11xf32, #tpu.memory_space<smem>>
    %mul3A_117 = vector.broadcast %get3A_116 : f32 to vector<40x298xf32>
    %mul3A_118 = arith.mulf %mul3A_117, %get3A_98 : vector<40x298xf32>
    %add3A_119 = arith.addf %add3A_86, %mul3A_118 : vector<40x298xf32>
    %get3A_120 = arith.constant 3 : index
    %get3A_121 = arith.constant 0 : index
    %get3A_122 = arith.constant 3 : index
    %get3A_123 = memref.load %arg2[%get3A_120, %get3A_121, %get3A_122] : memref<4x4x11xf32, #tpu.memory_space<smem>>
    %mul3A_124 = vector.broadcast %get3A_123 : f32 to vector<40x298xf32>
    %mul3A_125 = arith.mulf %mul3A_124, %get3A_98 : vector<40x298xf32>
    %add3A_126 = arith.addf %add3A_93, %mul3A_125 : vector<40x298xf32>
    %get3A_127 = arith.constant 0 : index
    %get3A_128 = arith.constant 0 : index
    %get3A_129 = arith.constant 1 : index
    %get3A_130 = vector.load %arg1[%get3A_127, %get3A_128, %get3A_129] : memref<40x16x301xf32, #tpu.memory_space<vmem>>, vector<40x1x298xf32>
    %get3A_131 = vector.shape_cast %get3A_130 : vector<40x1x298xf32> to vector<40x298xf32>
    %get3A_132 = arith.constant 0 : index
    %get3A_133 = arith.constant 0 : index
    %get3A_134 = arith.constant 4 : index
    %get3A_135 = memref.load %arg2[%get3A_132, %get3A_133, %get3A_134] : memref<4x4x11xf32, #tpu.memory_space<smem>>
    %mul3A_136 = vector.broadcast %get3A_135 : f32 to vector<40x298xf32>
    %mul3A_137 = arith.mulf %mul3A_136, %get3A_131 : vector<40x298xf32>
    %add3A_138 = arith.addf %add3A_105, %mul3A_137 : vector<40x298xf32>
    %get3A_139 = arith.constant 1 : index
    %get3A_140 = arith.constant 0 : index
    %get3A_141 = arith.constant 4 : index
    %get3A_142 = memref.load %arg2[%get3A_139, %get3A_140, %get3A_141] : memref<4x4x11xf32, #tpu.memory_space<smem>>
    %mul3A_143 = vector.broadcast %get3A_142 : f32 to vector<40x298xf32>
    %mul3A_144 = arith.mulf %mul3A_143, %get3A_131 : vector<40x298xf32>
    %add3A_145 = arith.addf %add3A_112, %mul3A_144 : vector<40x298xf32>
    %get3A_146 = arith.constant 2 : index
    %get3A_147 = arith.constant 0 : index
    %get3A_148 = arith.constant 4 : index
    %get3A_149 = memref.load %arg2[%get3A_146, %get3A_147, %get3A_148] : memref<4x4x11xf32, #tpu.memory_space<smem>>
    %mul3A_150 = vector.broadcast %get3A_149 : f32 to vector<40x298xf32>
    %mul3A_151 = arith.mulf %mul3A_150, %get3A_131 : vector<40x298xf32>
    %add3A_152 = arith.addf %add3A_119, %mul3A_151 : vector<40x298xf32>
    %get3A_153 = arith.constant 3 : index
    %get3A_154 = arith.constant 0 : index
    %get3A_155 = arith.constant 4 : index
    %get3A_156 = memref.load %arg2[%get3A_153, %get3A_154, %get3A_155] : memref<4x4x11xf32, #tpu.memory_space<smem>>
    %mul3A_157 = vector.broadcast %get3A_156 : f32 to vector<40x298xf32>
    %mul3A_158 = arith.mulf %mul3A_157, %get3A_131 : vector<40x298xf32>
    %add3A_159 = arith.addf %add3A_126, %mul3A_158 : vector<40x298xf32>
    %get3A_160 = arith.constant 0 : index
    %get3A_161 = arith.constant 4 : index
    %get3A_162 = arith.constant 1 : index
    %get3A_163 = vector.load %arg1[%get3A_160, %get3A_161, %get3A_162] : memref<40x16x301xf32, #tpu.memory_space<vmem>>, vector<40x1x298xf32>
    %get3A_164 = vector.shape_cast %get3A_163 : vector<40x1x298xf32> to vector<40x298xf32>
    %get3A_165 = arith.constant 0 : index
    %get3A_166 = arith.constant 0 : index
    %get3A_167 = arith.constant 5 : index
    %get3A_168 = memref.load %arg2[%get3A_165, %get3A_166, %get3A_167] : memref<4x4x11xf32, #tpu.memory_space<smem>>
    %mul3A_169 = vector.broadcast %get3A_168 : f32 to vector<40x298xf32>
    %mul3A_170 = arith.mulf %mul3A_169, %get3A_164 : vector<40x298xf32>
    %add3A_171 = arith.addf %add3A_138, %mul3A_170 : vector<40x298xf32>
    %get3A_172 = arith.constant 1 : index
    %get3A_173 = arith.constant 0 : index
    %get3A_174 = arith.constant 5 : index
    %get3A_175 = memref.load %arg2[%get3A_172, %get3A_173, %get3A_174] : memref<4x4x11xf32, #tpu.memory_space<smem>>
    %mul3A_176 = vector.broadcast %get3A_175 : f32 to vector<40x298xf32>
    %mul3A_177 = arith.mulf %mul3A_176, %get3A_164 : vector<40x298xf32>
    %add3A_178 = arith.addf %add3A_145, %mul3A_177 : vector<40x298xf32>
    %get3A_179 = arith.constant 2 : index
    %get3A_180 = arith.constant 0 : index
    %get3A_181 = arith.constant 5 : index
    %get3A_182 = memref.load %arg2[%get3A_179, %get3A_180, %get3A_181] : memref<4x4x11xf32, #tpu.memory_space<smem>>
    %mul3A_183 = vector.broadcast %get3A_182 : f32 to vector<40x298xf32>
    %mul3A_184 = arith.mulf %mul3A_183, %get3A_164 : vector<40x298xf32>
    %add3A_185 = arith.addf %add3A_152, %mul3A_184 : vector<40x298xf32>
    %get3A_186 = arith.constant 3 : index
    %get3A_187 = arith.constant 0 : index
    %get3A_188 = arith.constant 5 : index
    %get3A_189 = memref.load %arg2[%get3A_186, %get3A_187, %get3A_188] : memref<4x4x11xf32, #tpu.memory_space<smem>>
    %mul3A_190 = vector.broadcast %get3A_189 : f32 to vector<40x298xf32>
    %mul3A_191 = arith.mulf %mul3A_190, %get3A_164 : vector<40x298xf32>
    %add3A_192 = arith.addf %add3A_159, %mul3A_191 : vector<40x298xf32>
    %get3A_193 = arith.constant 0 : index
    %get3A_194 = arith.constant 8 : index
    %get3A_195 = arith.constant 1 : index
    %get3A_196 = vector.load %arg1[%get3A_193, %get3A_194, %get3A_195] : memref<40x16x301xf32, #tpu.memory_space<vmem>>, vector<40x1x298xf32>
    %get3A_197 = vector.shape_cast %get3A_196 : vector<40x1x298xf32> to vector<40x298xf32>
    %get3A_198 = arith.constant 0 : index
    %get3A_199 = arith.constant 0 : index
    %get3A_200 = arith.constant 6 : index
    %get3A_201 = memref.load %arg2[%get3A_198, %get3A_199, %get3A_200] : memref<4x4x11xf32, #tpu.memory_space<smem>>
    %mul3A_202 = vector.broadcast %get3A_201 : f32 to vector<40x298xf32>
    %mul3A_203 = arith.mulf %mul3A_202, %get3A_197 : vector<40x298xf32>
    %add3A_204 = arith.addf %add3A_171, %mul3A_203 : vector<40x298xf32>
    %get3A_205 = arith.constant 1 : index
    %get3A_206 = arith.constant 0 : index
    %get3A_207 = arith.constant 6 : index
    %get3A_208 = memref.load %arg2[%get3A_205, %get3A_206, %get3A_207] : memref<4x4x11xf32, #tpu.memory_space<smem>>
    %mul3A_209 = vector.broadcast %get3A_208 : f32 to vector<40x298xf32>
    %mul3A_210 = arith.mulf %mul3A_209, %get3A_197 : vector<40x298xf32>
    %add3A_211 = arith.addf %add3A_178, %mul3A_210 : vector<40x298xf32>
    %get3A_212 = arith.constant 2 : index
    %get3A_213 = arith.constant 0 : index
    %get3A_214 = arith.constant 6 : index
    %get3A_215 = memref.load %arg2[%get3A_212, %get3A_213, %get3A_214] : memref<4x4x11xf32, #tpu.memory_space<smem>>
    %mul3A_216 = vector.broadcast %get3A_215 : f32 to vector<40x298xf32>
    %mul3A_217 = arith.mulf %mul3A_216, %get3A_197 : vector<40x298xf32>
    %add3A_218 = arith.addf %add3A_185, %mul3A_217 : vector<40x298xf32>
    %get3A_219 = arith.constant 3 : index
    %get3A_220 = arith.constant 0 : index
    %get3A_221 = arith.constant 6 : index
    %get3A_222 = memref.load %arg2[%get3A_219, %get3A_220, %get3A_221] : memref<4x4x11xf32, #tpu.memory_space<smem>>
    %mul3A_223 = vector.broadcast %get3A_222 : f32 to vector<40x298xf32>
    %mul3A_224 = arith.mulf %mul3A_223, %get3A_197 : vector<40x298xf32>
    %add3A_225 = arith.addf %add3A_192, %mul3A_224 : vector<40x298xf32>
    %get3A_226 = arith.constant 0 : index
    %get3A_227 = arith.constant 12 : index
    %get3A_228 = arith.constant 1 : index
    %get3A_229 = vector.load %arg1[%get3A_226, %get3A_227, %get3A_228] : memref<40x16x301xf32, #tpu.memory_space<vmem>>, vector<40x1x298xf32>
    %get3A_230 = vector.shape_cast %get3A_229 : vector<40x1x298xf32> to vector<40x298xf32>
    %get3A_231 = arith.constant 0 : index
    %get3A_232 = arith.constant 0 : index
    %get3A_233 = arith.constant 7 : index
    %get3A_234 = memref.load %arg2[%get3A_231, %get3A_232, %get3A_233] : memref<4x4x11xf32, #tpu.memory_space<smem>>
    %mul3A_235 = vector.broadcast %get3A_234 : f32 to vector<40x298xf32>
    %mul3A_236 = arith.mulf %mul3A_235, %get3A_230 : vector<40x298xf32>
    %add3A_237 = arith.addf %add3A_204, %mul3A_236 : vector<40x298xf32>
    %get3A_238 = arith.constant 1 : index
    %get3A_239 = arith.constant 0 : index
    %get3A_240 = arith.constant 7 : index
    %get3A_241 = memref.load %arg2[%get3A_238, %get3A_239, %get3A_240] : memref<4x4x11xf32, #tpu.memory_space<smem>>
    %mul3A_242 = vector.broadcast %get3A_241 : f32 to vector<40x298xf32>
    %mul3A_243 = arith.mulf %mul3A_242, %get3A_230 : vector<40x298xf32>
    %add3A_244 = arith.addf %add3A_211, %mul3A_243 : vector<40x298xf32>
    %get3A_245 = arith.constant 2 : index
    %get3A_246 = arith.constant 0 : index
    %get3A_247 = arith.constant 7 : index
    %get3A_248 = memref.load %arg2[%get3A_245, %get3A_246, %get3A_247] : memref<4x4x11xf32, #tpu.memory_space<smem>>
    %mul3A_249 = vector.broadcast %get3A_248 : f32 to vector<40x298xf32>
    %mul3A_250 = arith.mulf %mul3A_249, %get3A_230 : vector<40x298xf32>
    %add3A_251 = arith.addf %add3A_218, %mul3A_250 : vector<40x298xf32>
    %get3A_252 = arith.constant 3 : index
    %get3A_253 = arith.constant 0 : index
    %get3A_254 = arith.constant 7 : index
    %get3A_255 = memref.load %arg2[%get3A_252, %get3A_253, %get3A_254] : memref<4x4x11xf32, #tpu.memory_space<smem>>
    %mul3A_256 = vector.broadcast %get3A_255 : f32 to vector<40x298xf32>
    %mul3A_257 = arith.mulf %mul3A_256, %get3A_230 : vector<40x298xf32>
    %add3A_258 = arith.addf %add3A_225, %mul3A_257 : vector<40x298xf32>
    %get3A_259 = arith.constant 0 : index
    %get3A_260 = arith.constant 0 : index
    %get3A_261 = arith.constant 2 : index
    %get3A_262 = vector.load %arg1[%get3A_259, %get3A_260, %get3A_261] : memref<40x16x301xf32, #tpu.memory_space<vmem>>, vector<40x1x298xf32>
    %get3A_263 = vector.shape_cast %get3A_262 : vector<40x1x298xf32> to vector<40x298xf32>
    %get3A_264 = arith.constant 0 : index
    %get3A_265 = arith.constant 0 : index
    %get3A_266 = arith.constant 8 : index
    %get3A_267 = memref.load %arg2[%get3A_264, %get3A_265, %get3A_266] : memref<4x4x11xf32, #tpu.memory_space<smem>>
    %mul3A_268 = vector.broadcast %get3A_267 : f32 to vector<40x298xf32>
    %mul3A_269 = arith.mulf %mul3A_268, %get3A_263 : vector<40x298xf32>
    %add3A_270 = arith.addf %add3A_237, %mul3A_269 : vector<40x298xf32>
    %get3A_271 = arith.constant 1 : index
    %get3A_272 = arith.constant 0 : index
    %get3A_273 = arith.constant 8 : index
    %get3A_274 = memref.load %arg2[%get3A_271, %get3A_272, %get3A_273] : memref<4x4x11xf32, #tpu.memory_space<smem>>
    %mul3A_275 = vector.broadcast %get3A_274 : f32 to vector<40x298xf32>
    %mul3A_276 = arith.mulf %mul3A_275, %get3A_263 : vector<40x298xf32>
    %add3A_277 = arith.addf %add3A_244, %mul3A_276 : vector<40x298xf32>
    %get3A_278 = arith.constant 2 : index
    %get3A_279 = arith.constant 0 : index
    %get3A_280 = arith.constant 8 : index
    %get3A_281 = memref.load %arg2[%get3A_278, %get3A_279, %get3A_280] : memref<4x4x11xf32, #tpu.memory_space<smem>>
    %mul3A_282 = vector.broadcast %get3A_281 : f32 to vector<40x298xf32>
    %mul3A_283 = arith.mulf %mul3A_282, %get3A_263 : vector<40x298xf32>
    %add3A_284 = arith.addf %add3A_251, %mul3A_283 : vector<40x298xf32>
    %get3A_285 = arith.constant 3 : index
    %get3A_286 = arith.constant 0 : index
    %get3A_287 = arith.constant 8 : index
    %get3A_288 = memref.load %arg2[%get3A_285, %get3A_286, %get3A_287] : memref<4x4x11xf32, #tpu.memory_space<smem>>
    %mul3A_289 = vector.broadcast %get3A_288 : f32 to vector<40x298xf32>
    %mul3A_290 = arith.mulf %mul3A_289, %get3A_263 : vector<40x298xf32>
    %add3A_291 = arith.addf %add3A_258, %mul3A_290 : vector<40x298xf32>
    %get3A_292 = arith.constant 0 : index
    %get3A_293 = arith.constant 4 : index
    %get3A_294 = arith.constant 2 : index
    %get3A_295 = vector.load %arg1[%get3A_292, %get3A_293, %get3A_294] : memref<40x16x301xf32, #tpu.memory_space<vmem>>, vector<40x1x298xf32>
    %get3A_296 = vector.shape_cast %get3A_295 : vector<40x1x298xf32> to vector<40x298xf32>
    %get3A_297 = arith.constant 0 : index
    %get3A_298 = arith.constant 0 : index
    %get3A_299 = arith.constant 9 : index
    %get3A_300 = memref.load %arg2[%get3A_297, %get3A_298, %get3A_299] : memref<4x4x11xf32, #tpu.memory_space<smem>>
    %mul3A_301 = vector.broadcast %get3A_300 : f32 to vector<40x298xf32>
    %mul3A_302 = arith.mulf %mul3A_301, %get3A_296 : vector<40x298xf32>
    %add3A_303 = arith.addf %add3A_270, %mul3A_302 : vector<40x298xf32>
    %get3A_304 = arith.constant 1 : index
    %get3A_305 = arith.constant 0 : index
    %get3A_306 = arith.constant 9 : index
    %get3A_307 = memref.load %arg2[%get3A_304, %get3A_305, %get3A_306] : memref<4x4x11xf32, #tpu.memory_space<smem>>
    %mul3A_308 = vector.broadcast %get3A_307 : f32 to vector<40x298xf32>
    %mul3A_309 = arith.mulf %mul3A_308, %get3A_296 : vector<40x298xf32>
    %add3A_310 = arith.addf %add3A_277, %mul3A_309 : vector<40x298xf32>
    %get3A_311 = arith.constant 2 : index
    %get3A_312 = arith.constant 0 : index
    %get3A_313 = arith.constant 9 : index
    %get3A_314 = memref.load %arg2[%get3A_311, %get3A_312, %get3A_313] : memref<4x4x11xf32, #tpu.memory_space<smem>>
    %mul3A_315 = vector.broadcast %get3A_314 : f32 to vector<40x298xf32>
    %mul3A_316 = arith.mulf %mul3A_315, %get3A_296 : vector<40x298xf32>
    %add3A_317 = arith.addf %add3A_284, %mul3A_316 : vector<40x298xf32>
    %get3A_318 = arith.constant 3 : index
    %get3A_319 = arith.constant 0 : index
    %get3A_320 = arith.constant 9 : index
    %get3A_321 = memref.load %arg2[%get3A_318, %get3A_319, %get3A_320] : memref<4x4x11xf32, #tpu.memory_space<smem>>
    %mul3A_322 = vector.broadcast %get3A_321 : f32 to vector<40x298xf32>
    %mul3A_323 = arith.mulf %mul3A_322, %get3A_296 : vector<40x298xf32>
    %add3A_324 = arith.addf %add3A_291, %mul3A_323 : vector<40x298xf32>
    %get3A_325 = arith.constant 0 : index
    %get3A_326 = arith.constant 8 : index
    %get3A_327 = arith.constant 2 : index
    %get3A_328 = vector.load %arg1[%get3A_325, %get3A_326, %get3A_327] : memref<40x16x301xf32, #tpu.memory_space<vmem>>, vector<40x1x298xf32>
    %get3A_329 = vector.shape_cast %get3A_328 : vector<40x1x298xf32> to vector<40x298xf32>
    %get3A_330 = arith.constant 0 : index
    %get3A_331 = arith.constant 0 : index
    %get3A_332 = arith.constant 10 : index
    %get3A_333 = memref.load %arg2[%get3A_330, %get3A_331, %get3A_332] : memref<4x4x11xf32, #tpu.memory_space<smem>>
    %mul3A_334 = vector.broadcast %get3A_333 : f32 to vector<40x298xf32>
    %mul3A_335 = arith.mulf %mul3A_334, %get3A_329 : vector<40x298xf32>
    %add3A_336 = arith.addf %add3A_303, %mul3A_335 : vector<40x298xf32>
    %get3A_337 = arith.constant 1 : index
    %get3A_338 = arith.constant 0 : index
    %get3A_339 = arith.constant 10 : index
    %get3A_340 = memref.load %arg2[%get3A_337, %get3A_338, %get3A_339] : memref<4x4x11xf32, #tpu.memory_space<smem>>
    %mul3A_341 = vector.broadcast %get3A_340 : f32 to vector<40x298xf32>
    %mul3A_342 = arith.mulf %mul3A_341, %get3A_329 : vector<40x298xf32>
    %add3A_343 = arith.addf %add3A_310, %mul3A_342 : vector<40x298xf32>
    %get3A_344 = arith.constant 2 : index
    %get3A_345 = arith.constant 0 : index
    %get3A_346 = arith.constant 10 : index
    %get3A_347 = memref.load %arg2[%get3A_344, %get3A_345, %get3A_346] : memref<4x4x11xf32, #tpu.memory_space<smem>>
    %mul3A_348 = vector.broadcast %get3A_347 : f32 to vector<40x298xf32>
    %mul3A_349 = arith.mulf %mul3A_348, %get3A_329 : vector<40x298xf32>
    %add3A_350 = arith.addf %add3A_317, %mul3A_349 : vector<40x298xf32>
    %get3A_351 = arith.constant 3 : index
    %get3A_352 = arith.constant 0 : index
    %get3A_353 = arith.constant 10 : index
    %get3A_354 = memref.load %arg2[%get3A_351, %get3A_352, %get3A_353] : memref<4x4x11xf32, #tpu.memory_space<smem>>
    %mul3A_355 = vector.broadcast %get3A_354 : f32 to vector<40x298xf32>
    %mul3A_356 = arith.mulf %mul3A_355, %get3A_329 : vector<40x298xf32>
    %add3A_357 = arith.addf %add3A_324, %mul3A_356 : vector<40x298xf32>
    %get3A_358 = arith.constant 0 : index
    %get3A_359 = arith.constant 1 : index
    %get3A_360 = arith.constant 0 : index
    %get3A_361 = vector.load %arg1[%get3A_358, %get3A_359, %get3A_360] : memref<40x16x301xf32, #tpu.memory_space<vmem>>, vector<40x1x298xf32>
    %get3A_362 = vector.shape_cast %get3A_361 : vector<40x1x298xf32> to vector<40x298xf32>
    %get3A_363 = arith.constant 0 : index
    %get3A_364 = arith.constant 1 : index
    %get3A_365 = arith.constant 0 : index
    %get3A_366 = memref.load %arg2[%get3A_363, %get3A_364, %get3A_365] : memref<4x4x11xf32, #tpu.memory_space<smem>>
    %mul3A_367 = vector.broadcast %get3A_366 : f32 to vector<40x298xf32>
    %mul3A_368 = arith.mulf %mul3A_367, %get3A_362 : vector<40x298xf32>
    %add3A_369 = arith.addf %add3A_336, %mul3A_368 : vector<40x298xf32>
    %get3A_370 = arith.constant 1 : index
    %get3A_371 = arith.constant 1 : index
    %get3A_372 = arith.constant 0 : index
    %get3A_373 = memref.load %arg2[%get3A_370, %get3A_371, %get3A_372] : memref<4x4x11xf32, #tpu.memory_space<smem>>
    %mul3A_374 = vector.broadcast %get3A_373 : f32 to vector<40x298xf32>
    %mul3A_375 = arith.mulf %mul3A_374, %get3A_362 : vector<40x298xf32>
    %add3A_376 = arith.addf %add3A_343, %mul3A_375 : vector<40x298xf32>
    %get3A_377 = arith.constant 2 : index
    %get3A_378 = arith.constant 1 : index
    %get3A_379 = arith.constant 0 : index
    %get3A_380 = memref.load %arg2[%get3A_377, %get3A_378, %get3A_379] : memref<4x4x11xf32, #tpu.memory_space<smem>>
    %mul3A_381 = vector.broadcast %get3A_380 : f32 to vector<40x298xf32>
    %mul3A_382 = arith.mulf %mul3A_381, %get3A_362 : vector<40x298xf32>
    %add3A_383 = arith.addf %add3A_350, %mul3A_382 : vector<40x298xf32>
    %get3A_384 = arith.constant 3 : index
    %get3A_385 = arith.constant 1 : index
    %get3A_386 = arith.constant 0 : index
    %get3A_387 = memref.load %arg2[%get3A_384, %get3A_385, %get3A_386] : memref<4x4x11xf32, #tpu.memory_space<smem>>
    %mul3A_388 = vector.broadcast %get3A_387 : f32 to vector<40x298xf32>
    %mul3A_389 = arith.mulf %mul3A_388, %get3A_362 : vector<40x298xf32>
    %add3A_390 = arith.addf %add3A_357, %mul3A_389 : vector<40x298xf32>
    %get3A_391 = arith.constant 0 : index
    %get3A_392 = arith.constant 5 : index
    %get3A_393 = arith.constant 0 : index
    %get3A_394 = vector.load %arg1[%get3A_391, %get3A_392, %get3A_393] : memref<40x16x301xf32, #tpu.memory_space<vmem>>, vector<40x1x298xf32>
    %get3A_395 = vector.shape_cast %get3A_394 : vector<40x1x298xf32> to vector<40x298xf32>
    %get3A_396 = arith.constant 0 : index
    %get3A_397 = arith.constant 1 : index
    %get3A_398 = arith.constant 1 : index
    %get3A_399 = memref.load %arg2[%get3A_396, %get3A_397, %get3A_398] : memref<4x4x11xf32, #tpu.memory_space<smem>>
    %mul3A_400 = vector.broadcast %get3A_399 : f32 to vector<40x298xf32>
    %mul3A_401 = arith.mulf %mul3A_400, %get3A_395 : vector<40x298xf32>
    %add3A_402 = arith.addf %add3A_369, %mul3A_401 : vector<40x298xf32>
    %get3A_403 = arith.constant 1 : index
    %get3A_404 = arith.constant 1 : index
    %get3A_405 = arith.constant 1 : index
    %get3A_406 = memref.load %arg2[%get3A_403, %get3A_404, %get3A_405] : memref<4x4x11xf32, #tpu.memory_space<smem>>
    %mul3A_407 = vector.broadcast %get3A_406 : f32 to vector<40x298xf32>
    %mul3A_408 = arith.mulf %mul3A_407, %get3A_395 : vector<40x298xf32>
    %add3A_409 = arith.addf %add3A_376, %mul3A_408 : vector<40x298xf32>
    %get3A_410 = arith.constant 2 : index
    %get3A_411 = arith.constant 1 : index
    %get3A_412 = arith.constant 1 : index
    %get3A_413 = memref.load %arg2[%get3A_410, %get3A_411, %get3A_412] : memref<4x4x11xf32, #tpu.memory_space<smem>>
    %mul3A_414 = vector.broadcast %get3A_413 : f32 to vector<40x298xf32>
    %mul3A_415 = arith.mulf %mul3A_414, %get3A_395 : vector<40x298xf32>
    %add3A_416 = arith.addf %add3A_383, %mul3A_415 : vector<40x298xf32>
    %get3A_417 = arith.constant 3 : index
    %get3A_418 = arith.constant 1 : index
    %get3A_419 = arith.constant 1 : index
    %get3A_420 = memref.load %arg2[%get3A_417, %get3A_418, %get3A_419] : memref<4x4x11xf32, #tpu.memory_space<smem>>
    %mul3A_421 = vector.broadcast %get3A_420 : f32 to vector<40x298xf32>
    %mul3A_422 = arith.mulf %mul3A_421, %get3A_395 : vector<40x298xf32>
    %add3A_423 = arith.addf %add3A_390, %mul3A_422 : vector<40x298xf32>
    %get3A_424 = arith.constant 0 : index
    %get3A_425 = arith.constant 9 : index
    %get3A_426 = arith.constant 0 : index
    %get3A_427 = vector.load %arg1[%get3A_424, %get3A_425, %get3A_426] : memref<40x16x301xf32, #tpu.memory_space<vmem>>, vector<40x1x298xf32>
    %get3A_428 = vector.shape_cast %get3A_427 : vector<40x1x298xf32> to vector<40x298xf32>
    %get3A_429 = arith.constant 0 : index
    %get3A_430 = arith.constant 1 : index
    %get3A_431 = arith.constant 2 : index
    %get3A_432 = memref.load %arg2[%get3A_429, %get3A_430, %get3A_431] : memref<4x4x11xf32, #tpu.memory_space<smem>>
    %mul3A_433 = vector.broadcast %get3A_432 : f32 to vector<40x298xf32>
    %mul3A_434 = arith.mulf %mul3A_433, %get3A_428 : vector<40x298xf32>
    %add3A_435 = arith.addf %add3A_402, %mul3A_434 : vector<40x298xf32>
    %get3A_436 = arith.constant 1 : index
    %get3A_437 = arith.constant 1 : index
    %get3A_438 = arith.constant 2 : index
    %get3A_439 = memref.load %arg2[%get3A_436, %get3A_437, %get3A_438] : memref<4x4x11xf32, #tpu.memory_space<smem>>
    %mul3A_440 = vector.broadcast %get3A_439 : f32 to vector<40x298xf32>
    %mul3A_441 = arith.mulf %mul3A_440, %get3A_428 : vector<40x298xf32>
    %add3A_442 = arith.addf %add3A_409, %mul3A_441 : vector<40x298xf32>
    %get3A_443 = arith.constant 2 : index
    %get3A_444 = arith.constant 1 : index
    %get3A_445 = arith.constant 2 : index
    %get3A_446 = memref.load %arg2[%get3A_443, %get3A_444, %get3A_445] : memref<4x4x11xf32, #tpu.memory_space<smem>>
    %mul3A_447 = vector.broadcast %get3A_446 : f32 to vector<40x298xf32>
    %mul3A_448 = arith.mulf %mul3A_447, %get3A_428 : vector<40x298xf32>
    %add3A_449 = arith.addf %add3A_416, %mul3A_448 : vector<40x298xf32>
    %get3A_450 = arith.constant 3 : index
    %get3A_451 = arith.constant 1 : index
    %get3A_452 = arith.constant 2 : index
    %get3A_453 = memref.load %arg2[%get3A_450, %get3A_451, %get3A_452] : memref<4x4x11xf32, #tpu.memory_space<smem>>
    %mul3A_454 = vector.broadcast %get3A_453 : f32 to vector<40x298xf32>
    %mul3A_455 = arith.mulf %mul3A_454, %get3A_428 : vector<40x298xf32>
    %add3A_456 = arith.addf %add3A_423, %mul3A_455 : vector<40x298xf32>
    %get3A_457 = arith.constant 0 : index
    %get3A_458 = arith.constant 13 : index
    %get3A_459 = arith.constant 0 : index
    %get3A_460 = vector.load %arg1[%get3A_457, %get3A_458, %get3A_459] : memref<40x16x301xf32, #tpu.memory_space<vmem>>, vector<40x1x298xf32>
    %get3A_461 = vector.shape_cast %get3A_460 : vector<40x1x298xf32> to vector<40x298xf32>
    %get3A_462 = arith.constant 0 : index
    %get3A_463 = arith.constant 1 : index
    %get3A_464 = arith.constant 3 : index
    %get3A_465 = memref.load %arg2[%get3A_462, %get3A_463, %get3A_464] : memref<4x4x11xf32, #tpu.memory_space<smem>>
    %mul3A_466 = vector.broadcast %get3A_465 : f32 to vector<40x298xf32>
    %mul3A_467 = arith.mulf %mul3A_466, %get3A_461 : vector<40x298xf32>
    %add3A_468 = arith.addf %add3A_435, %mul3A_467 : vector<40x298xf32>
    %get3A_469 = arith.constant 1 : index
    %get3A_470 = arith.constant 1 : index
    %get3A_471 = arith.constant 3 : index
    %get3A_472 = memref.load %arg2[%get3A_469, %get3A_470, %get3A_471] : memref<4x4x11xf32, #tpu.memory_space<smem>>
    %mul3A_473 = vector.broadcast %get3A_472 : f32 to vector<40x298xf32>
    %mul3A_474 = arith.mulf %mul3A_473, %get3A_461 : vector<40x298xf32>
    %add3A_475 = arith.addf %add3A_442, %mul3A_474 : vector<40x298xf32>
    %get3A_476 = arith.constant 2 : index
    %get3A_477 = arith.constant 1 : index
    %get3A_478 = arith.constant 3 : index
    %get3A_479 = memref.load %arg2[%get3A_476, %get3A_477, %get3A_478] : memref<4x4x11xf32, #tpu.memory_space<smem>>
    %mul3A_480 = vector.broadcast %get3A_479 : f32 to vector<40x298xf32>
    %mul3A_481 = arith.mulf %mul3A_480, %get3A_461 : vector<40x298xf32>
    %add3A_482 = arith.addf %add3A_449, %mul3A_481 : vector<40x298xf32>
    %get3A_483 = arith.constant 3 : index
    %get3A_484 = arith.constant 1 : index
    %get3A_485 = arith.constant 3 : index
    %get3A_486 = memref.load %arg2[%get3A_483, %get3A_484, %get3A_485] : memref<4x4x11xf32, #tpu.memory_space<smem>>
    %mul3A_487 = vector.broadcast %get3A_486 : f32 to vector<40x298xf32>
    %mul3A_488 = arith.mulf %mul3A_487, %get3A_461 : vector<40x298xf32>
    %add3A_489 = arith.addf %add3A_456, %mul3A_488 : vector<40x298xf32>
    %get3A_490 = arith.constant 0 : index
    %get3A_491 = arith.constant 1 : index
    %get3A_492 = arith.constant 1 : index
    %get3A_493 = vector.load %arg1[%get3A_490, %get3A_491, %get3A_492] : memref<40x16x301xf32, #tpu.memory_space<vmem>>, vector<40x1x298xf32>
    %get3A_494 = vector.shape_cast %get3A_493 : vector<40x1x298xf32> to vector<40x298xf32>
    %get3A_495 = arith.constant 0 : index
    %get3A_496 = arith.constant 1 : index
    %get3A_497 = arith.constant 4 : index
    %get3A_498 = memref.load %arg2[%get3A_495, %get3A_496, %get3A_497] : memref<4x4x11xf32, #tpu.memory_space<smem>>
    %mul3A_499 = vector.broadcast %get3A_498 : f32 to vector<40x298xf32>
    %mul3A_500 = arith.mulf %mul3A_499, %get3A_494 : vector<40x298xf32>
    %add3A_501 = arith.addf %add3A_468, %mul3A_500 : vector<40x298xf32>
    %get3A_502 = arith.constant 1 : index
    %get3A_503 = arith.constant 1 : index
    %get3A_504 = arith.constant 4 : index
    %get3A_505 = memref.load %arg2[%get3A_502, %get3A_503, %get3A_504] : memref<4x4x11xf32, #tpu.memory_space<smem>>
    %mul3A_506 = vector.broadcast %get3A_505 : f32 to vector<40x298xf32>
    %mul3A_507 = arith.mulf %mul3A_506, %get3A_494 : vector<40x298xf32>
    %add3A_508 = arith.addf %add3A_475, %mul3A_507 : vector<40x298xf32>
    %get3A_509 = arith.constant 2 : index
    %get3A_510 = arith.constant 1 : index
    %get3A_511 = arith.constant 4 : index
    %get3A_512 = memref.load %arg2[%get3A_509, %get3A_510, %get3A_511] : memref<4x4x11xf32, #tpu.memory_space<smem>>
    %mul3A_513 = vector.broadcast %get3A_512 : f32 to vector<40x298xf32>
    %mul3A_514 = arith.mulf %mul3A_513, %get3A_494 : vector<40x298xf32>
    %add3A_515 = arith.addf %add3A_482, %mul3A_514 : vector<40x298xf32>
    %get3A_516 = arith.constant 3 : index
    %get3A_517 = arith.constant 1 : index
    %get3A_518 = arith.constant 4 : index
    %get3A_519 = memref.load %arg2[%get3A_516, %get3A_517, %get3A_518] : memref<4x4x11xf32, #tpu.memory_space<smem>>
    %mul3A_520 = vector.broadcast %get3A_519 : f32 to vector<40x298xf32>
    %mul3A_521 = arith.mulf %mul3A_520, %get3A_494 : vector<40x298xf32>
    %add3A_522 = arith.addf %add3A_489, %mul3A_521 : vector<40x298xf32>
    %get3A_523 = arith.constant 0 : index
    %get3A_524 = arith.constant 5 : index
    %get3A_525 = arith.constant 1 : index
    %get3A_526 = vector.load %arg1[%get3A_523, %get3A_524, %get3A_525] : memref<40x16x301xf32, #tpu.memory_space<vmem>>, vector<40x1x298xf32>
    %get3A_527 = vector.shape_cast %get3A_526 : vector<40x1x298xf32> to vector<40x298xf32>
    %get3A_528 = arith.constant 0 : index
    %get3A_529 = arith.constant 1 : index
    %get3A_530 = arith.constant 5 : index
    %get3A_531 = memref.load %arg2[%get3A_528, %get3A_529, %get3A_530] : memref<4x4x11xf32, #tpu.memory_space<smem>>
    %mul3A_532 = vector.broadcast %get3A_531 : f32 to vector<40x298xf32>
    %mul3A_533 = arith.mulf %mul3A_532, %get3A_527 : vector<40x298xf32>
    %add3A_534 = arith.addf %add3A_501, %mul3A_533 : vector<40x298xf32>
    %get3A_535 = arith.constant 1 : index
    %get3A_536 = arith.constant 1 : index
    %get3A_537 = arith.constant 5 : index
    %get3A_538 = memref.load %arg2[%get3A_535, %get3A_536, %get3A_537] : memref<4x4x11xf32, #tpu.memory_space<smem>>
    %mul3A_539 = vector.broadcast %get3A_538 : f32 to vector<40x298xf32>
    %mul3A_540 = arith.mulf %mul3A_539, %get3A_527 : vector<40x298xf32>
    %add3A_541 = arith.addf %add3A_508, %mul3A_540 : vector<40x298xf32>
    %get3A_542 = arith.constant 2 : index
    %get3A_543 = arith.constant 1 : index
    %get3A_544 = arith.constant 5 : index
    %get3A_545 = memref.load %arg2[%get3A_542, %get3A_543, %get3A_544] : memref<4x4x11xf32, #tpu.memory_space<smem>>
    %mul3A_546 = vector.broadcast %get3A_545 : f32 to vector<40x298xf32>
    %mul3A_547 = arith.mulf %mul3A_546, %get3A_527 : vector<40x298xf32>
    %add3A_548 = arith.addf %add3A_515, %mul3A_547 : vector<40x298xf32>
    %get3A_549 = arith.constant 3 : index
    %get3A_550 = arith.constant 1 : index
    %get3A_551 = arith.constant 5 : index
    %get3A_552 = memref.load %arg2[%get3A_549, %get3A_550, %get3A_551] : memref<4x4x11xf32, #tpu.memory_space<smem>>
    %mul3A_553 = vector.broadcast %get3A_552 : f32 to vector<40x298xf32>
    %mul3A_554 = arith.mulf %mul3A_553, %get3A_527 : vector<40x298xf32>
    %add3A_555 = arith.addf %add3A_522, %mul3A_554 : vector<40x298xf32>
    %get3A_556 = arith.constant 0 : index
    %get3A_557 = arith.constant 9 : index
    %get3A_558 = arith.constant 1 : index
    %get3A_559 = vector.load %arg1[%get3A_556, %get3A_557, %get3A_558] : memref<40x16x301xf32, #tpu.memory_space<vmem>>, vector<40x1x298xf32>
    %get3A_560 = vector.shape_cast %get3A_559 : vector<40x1x298xf32> to vector<40x298xf32>
    %get3A_561 = arith.constant 0 : index
    %get3A_562 = arith.constant 1 : index
    %get3A_563 = arith.constant 6 : index
    %get3A_564 = memref.load %arg2[%get3A_561, %get3A_562, %get3A_563] : memref<4x4x11xf32, #tpu.memory_space<smem>>
    %mul3A_565 = vector.broadcast %get3A_564 : f32 to vector<40x298xf32>
    %mul3A_566 = arith.mulf %mul3A_565, %get3A_560 : vector<40x298xf32>
    %add3A_567 = arith.addf %add3A_534, %mul3A_566 : vector<40x298xf32>
    %get3A_568 = arith.constant 1 : index
    %get3A_569 = arith.constant 1 : index
    %get3A_570 = arith.constant 6 : index
    %get3A_571 = memref.load %arg2[%get3A_568, %get3A_569, %get3A_570] : memref<4x4x11xf32, #tpu.memory_space<smem>>
    %mul3A_572 = vector.broadcast %get3A_571 : f32 to vector<40x298xf32>
    %mul3A_573 = arith.mulf %mul3A_572, %get3A_560 : vector<40x298xf32>
    %add3A_574 = arith.addf %add3A_541, %mul3A_573 : vector<40x298xf32>
    %get3A_575 = arith.constant 2 : index
    %get3A_576 = arith.constant 1 : index
    %get3A_577 = arith.constant 6 : index
    %get3A_578 = memref.load %arg2[%get3A_575, %get3A_576, %get3A_577] : memref<4x4x11xf32, #tpu.memory_space<smem>>
    %mul3A_579 = vector.broadcast %get3A_578 : f32 to vector<40x298xf32>
    %mul3A_580 = arith.mulf %mul3A_579, %get3A_560 : vector<40x298xf32>
    %add3A_581 = arith.addf %add3A_548, %mul3A_580 : vector<40x298xf32>
    %get3A_582 = arith.constant 3 : index
    %get3A_583 = arith.constant 1 : index
    %get3A_584 = arith.constant 6 : index
    %get3A_585 = memref.load %arg2[%get3A_582, %get3A_583, %get3A_584] : memref<4x4x11xf32, #tpu.memory_space<smem>>
    %mul3A_586 = vector.broadcast %get3A_585 : f32 to vector<40x298xf32>
    %mul3A_587 = arith.mulf %mul3A_586, %get3A_560 : vector<40x298xf32>
    %add3A_588 = arith.addf %add3A_555, %mul3A_587 : vector<40x298xf32>
    %get3A_589 = arith.constant 0 : index
    %get3A_590 = arith.constant 13 : index
    %get3A_591 = arith.constant 1 : index
    %get3A_592 = vector.load %arg1[%get3A_589, %get3A_590, %get3A_591] : memref<40x16x301xf32, #tpu.memory_space<vmem>>, vector<40x1x298xf32>
    %get3A_593 = vector.shape_cast %get3A_592 : vector<40x1x298xf32> to vector<40x298xf32>
    %get3A_594 = arith.constant 0 : index
    %get3A_595 = arith.constant 1 : index
    %get3A_596 = arith.constant 7 : index
    %get3A_597 = memref.load %arg2[%get3A_594, %get3A_595, %get3A_596] : memref<4x4x11xf32, #tpu.memory_space<smem>>
    %mul3A_598 = vector.broadcast %get3A_597 : f32 to vector<40x298xf32>
    %mul3A_599 = arith.mulf %mul3A_598, %get3A_593 : vector<40x298xf32>
    %add3A_600 = arith.addf %add3A_567, %mul3A_599 : vector<40x298xf32>
    %get3A_601 = arith.constant 1 : index
    %get3A_602 = arith.constant 1 : index
    %get3A_603 = arith.constant 7 : index
    %get3A_604 = memref.load %arg2[%get3A_601, %get3A_602, %get3A_603] : memref<4x4x11xf32, #tpu.memory_space<smem>>
    %mul3A_605 = vector.broadcast %get3A_604 : f32 to vector<40x298xf32>
    %mul3A_606 = arith.mulf %mul3A_605, %get3A_593 : vector<40x298xf32>
    %add3A_607 = arith.addf %add3A_574, %mul3A_606 : vector<40x298xf32>
    %get3A_608 = arith.constant 2 : index
    %get3A_609 = arith.constant 1 : index
    %get3A_610 = arith.constant 7 : index
    %get3A_611 = memref.load %arg2[%get3A_608, %get3A_609, %get3A_610] : memref<4x4x11xf32, #tpu.memory_space<smem>>
    %mul3A_612 = vector.broadcast %get3A_611 : f32 to vector<40x298xf32>
    %mul3A_613 = arith.mulf %mul3A_612, %get3A_593 : vector<40x298xf32>
    %add3A_614 = arith.addf %add3A_581, %mul3A_613 : vector<40x298xf32>
    %get3A_615 = arith.constant 3 : index
    %get3A_616 = arith.constant 1 : index
    %get3A_617 = arith.constant 7 : index
    %get3A_618 = memref.load %arg2[%get3A_615, %get3A_616, %get3A_617] : memref<4x4x11xf32, #tpu.memory_space<smem>>
    %mul3A_619 = vector.broadcast %get3A_618 : f32 to vector<40x298xf32>
    %mul3A_620 = arith.mulf %mul3A_619, %get3A_593 : vector<40x298xf32>
    %add3A_621 = arith.addf %add3A_588, %mul3A_620 : vector<40x298xf32>
    %get3A_622 = arith.constant 0 : index
    %get3A_623 = arith.constant 1 : index
    %get3A_624 = arith.constant 2 : index
    %get3A_625 = vector.load %arg1[%get3A_622, %get3A_623, %get3A_624] : memref<40x16x301xf32, #tpu.memory_space<vmem>>, vector<40x1x298xf32>
    %get3A_626 = vector.shape_cast %get3A_625 : vector<40x1x298xf32> to vector<40x298xf32>
    %get3A_627 = arith.constant 0 : index
    %get3A_628 = arith.constant 1 : index
    %get3A_629 = arith.constant 8 : index
    %get3A_630 = memref.load %arg2[%get3A_627, %get3A_628, %get3A_629] : memref<4x4x11xf32, #tpu.memory_space<smem>>
    %mul3A_631 = vector.broadcast %get3A_630 : f32 to vector<40x298xf32>
    %mul3A_632 = arith.mulf %mul3A_631, %get3A_626 : vector<40x298xf32>
    %add3A_633 = arith.addf %add3A_600, %mul3A_632 : vector<40x298xf32>
    %get3A_634 = arith.constant 1 : index
    %get3A_635 = arith.constant 1 : index
    %get3A_636 = arith.constant 8 : index
    %get3A_637 = memref.load %arg2[%get3A_634, %get3A_635, %get3A_636] : memref<4x4x11xf32, #tpu.memory_space<smem>>
    %mul3A_638 = vector.broadcast %get3A_637 : f32 to vector<40x298xf32>
    %mul3A_639 = arith.mulf %mul3A_638, %get3A_626 : vector<40x298xf32>
    %add3A_640 = arith.addf %add3A_607, %mul3A_639 : vector<40x298xf32>
    %get3A_641 = arith.constant 2 : index
    %get3A_642 = arith.constant 1 : index
    %get3A_643 = arith.constant 8 : index
    %get3A_644 = memref.load %arg2[%get3A_641, %get3A_642, %get3A_643] : memref<4x4x11xf32, #tpu.memory_space<smem>>
    %mul3A_645 = vector.broadcast %get3A_644 : f32 to vector<40x298xf32>
    %mul3A_646 = arith.mulf %mul3A_645, %get3A_626 : vector<40x298xf32>
    %add3A_647 = arith.addf %add3A_614, %mul3A_646 : vector<40x298xf32>
    %get3A_648 = arith.constant 3 : index
    %get3A_649 = arith.constant 1 : index
    %get3A_650 = arith.constant 8 : index
    %get3A_651 = memref.load %arg2[%get3A_648, %get3A_649, %get3A_650] : memref<4x4x11xf32, #tpu.memory_space<smem>>
    %mul3A_652 = vector.broadcast %get3A_651 : f32 to vector<40x298xf32>
    %mul3A_653 = arith.mulf %mul3A_652, %get3A_626 : vector<40x298xf32>
    %add3A_654 = arith.addf %add3A_621, %mul3A_653 : vector<40x298xf32>
    %get3A_655 = arith.constant 0 : index
    %get3A_656 = arith.constant 5 : index
    %get3A_657 = arith.constant 2 : index
    %get3A_658 = vector.load %arg1[%get3A_655, %get3A_656, %get3A_657] : memref<40x16x301xf32, #tpu.memory_space<vmem>>, vector<40x1x298xf32>
    %get3A_659 = vector.shape_cast %get3A_658 : vector<40x1x298xf32> to vector<40x298xf32>
    %get3A_660 = arith.constant 0 : index
    %get3A_661 = arith.constant 1 : index
    %get3A_662 = arith.constant 9 : index
    %get3A_663 = memref.load %arg2[%get3A_660, %get3A_661, %get3A_662] : memref<4x4x11xf32, #tpu.memory_space<smem>>
    %mul3A_664 = vector.broadcast %get3A_663 : f32 to vector<40x298xf32>
    %mul3A_665 = arith.mulf %mul3A_664, %get3A_659 : vector<40x298xf32>
    %add3A_666 = arith.addf %add3A_633, %mul3A_665 : vector<40x298xf32>
    %get3A_667 = arith.constant 1 : index
    %get3A_668 = arith.constant 1 : index
    %get3A_669 = arith.constant 9 : index
    %get3A_670 = memref.load %arg2[%get3A_667, %get3A_668, %get3A_669] : memref<4x4x11xf32, #tpu.memory_space<smem>>
    %mul3A_671 = vector.broadcast %get3A_670 : f32 to vector<40x298xf32>
    %mul3A_672 = arith.mulf %mul3A_671, %get3A_659 : vector<40x298xf32>
    %add3A_673 = arith.addf %add3A_640, %mul3A_672 : vector<40x298xf32>
    %get3A_674 = arith.constant 2 : index
    %get3A_675 = arith.constant 1 : index
    %get3A_676 = arith.constant 9 : index
    %get3A_677 = memref.load %arg2[%get3A_674, %get3A_675, %get3A_676] : memref<4x4x11xf32, #tpu.memory_space<smem>>
    %mul3A_678 = vector.broadcast %get3A_677 : f32 to vector<40x298xf32>
    %mul3A_679 = arith.mulf %mul3A_678, %get3A_659 : vector<40x298xf32>
    %add3A_680 = arith.addf %add3A_647, %mul3A_679 : vector<40x298xf32>
    %get3A_681 = arith.constant 3 : index
    %get3A_682 = arith.constant 1 : index
    %get3A_683 = arith.constant 9 : index
    %get3A_684 = memref.load %arg2[%get3A_681, %get3A_682, %get3A_683] : memref<4x4x11xf32, #tpu.memory_space<smem>>
    %mul3A_685 = vector.broadcast %get3A_684 : f32 to vector<40x298xf32>
    %mul3A_686 = arith.mulf %mul3A_685, %get3A_659 : vector<40x298xf32>
    %add3A_687 = arith.addf %add3A_654, %mul3A_686 : vector<40x298xf32>
    %get3A_688 = arith.constant 0 : index
    %get3A_689 = arith.constant 9 : index
    %get3A_690 = arith.constant 2 : index
    %get3A_691 = vector.load %arg1[%get3A_688, %get3A_689, %get3A_690] : memref<40x16x301xf32, #tpu.memory_space<vmem>>, vector<40x1x298xf32>
    %get3A_692 = vector.shape_cast %get3A_691 : vector<40x1x298xf32> to vector<40x298xf32>
    %get3A_693 = arith.constant 0 : index
    %get3A_694 = arith.constant 1 : index
    %get3A_695 = arith.constant 10 : index
    %get3A_696 = memref.load %arg2[%get3A_693, %get3A_694, %get3A_695] : memref<4x4x11xf32, #tpu.memory_space<smem>>
    %mul3A_697 = vector.broadcast %get3A_696 : f32 to vector<40x298xf32>
    %mul3A_698 = arith.mulf %mul3A_697, %get3A_692 : vector<40x298xf32>
    %add3A_699 = arith.addf %add3A_666, %mul3A_698 : vector<40x298xf32>
    %get3A_700 = arith.constant 1 : index
    %get3A_701 = arith.constant 1 : index
    %get3A_702 = arith.constant 10 : index
    %get3A_703 = memref.load %arg2[%get3A_700, %get3A_701, %get3A_702] : memref<4x4x11xf32, #tpu.memory_space<smem>>
    %mul3A_704 = vector.broadcast %get3A_703 : f32 to vector<40x298xf32>
    %mul3A_705 = arith.mulf %mul3A_704, %get3A_692 : vector<40x298xf32>
    %add3A_706 = arith.addf %add3A_673, %mul3A_705 : vector<40x298xf32>
    %get3A_707 = arith.constant 2 : index
    %get3A_708 = arith.constant 1 : index
    %get3A_709 = arith.constant 10 : index
    %get3A_710 = memref.load %arg2[%get3A_707, %get3A_708, %get3A_709] : memref<4x4x11xf32, #tpu.memory_space<smem>>
    %mul3A_711 = vector.broadcast %get3A_710 : f32 to vector<40x298xf32>
    %mul3A_712 = arith.mulf %mul3A_711, %get3A_692 : vector<40x298xf32>
    %add3A_713 = arith.addf %add3A_680, %mul3A_712 : vector<40x298xf32>
    %get3A_714 = arith.constant 3 : index
    %get3A_715 = arith.constant 1 : index
    %get3A_716 = arith.constant 10 : index
    %get3A_717 = memref.load %arg2[%get3A_714, %get3A_715, %get3A_716] : memref<4x4x11xf32, #tpu.memory_space<smem>>
    %mul3A_718 = vector.broadcast %get3A_717 : f32 to vector<40x298xf32>
    %mul3A_719 = arith.mulf %mul3A_718, %get3A_692 : vector<40x298xf32>
    %add3A_720 = arith.addf %add3A_687, %mul3A_719 : vector<40x298xf32>
    %get3A_721 = arith.constant 0 : index
    %get3A_722 = arith.constant 2 : index
    %get3A_723 = arith.constant 0 : index
    %get3A_724 = vector.load %arg1[%get3A_721, %get3A_722, %get3A_723] : memref<40x16x301xf32, #tpu.memory_space<vmem>>, vector<40x1x298xf32>
    %get3A_725 = vector.shape_cast %get3A_724 : vector<40x1x298xf32> to vector<40x298xf32>
    %get3A_726 = arith.constant 0 : index
    %get3A_727 = arith.constant 2 : index
    %get3A_728 = arith.constant 0 : index
    %get3A_729 = memref.load %arg2[%get3A_726, %get3A_727, %get3A_728] : memref<4x4x11xf32, #tpu.memory_space<smem>>
    %mul3A_730 = vector.broadcast %get3A_729 : f32 to vector<40x298xf32>
    %mul3A_731 = arith.mulf %mul3A_730, %get3A_725 : vector<40x298xf32>
    %add3A_732 = arith.addf %add3A_699, %mul3A_731 : vector<40x298xf32>
    %get3A_733 = arith.constant 1 : index
    %get3A_734 = arith.constant 2 : index
    %get3A_735 = arith.constant 0 : index
    %get3A_736 = memref.load %arg2[%get3A_733, %get3A_734, %get3A_735] : memref<4x4x11xf32, #tpu.memory_space<smem>>
    %mul3A_737 = vector.broadcast %get3A_736 : f32 to vector<40x298xf32>
    %mul3A_738 = arith.mulf %mul3A_737, %get3A_725 : vector<40x298xf32>
    %add3A_739 = arith.addf %add3A_706, %mul3A_738 : vector<40x298xf32>
    %get3A_740 = arith.constant 2 : index
    %get3A_741 = arith.constant 2 : index
    %get3A_742 = arith.constant 0 : index
    %get3A_743 = memref.load %arg2[%get3A_740, %get3A_741, %get3A_742] : memref<4x4x11xf32, #tpu.memory_space<smem>>
    %mul3A_744 = vector.broadcast %get3A_743 : f32 to vector<40x298xf32>
    %mul3A_745 = arith.mulf %mul3A_744, %get3A_725 : vector<40x298xf32>
    %add3A_746 = arith.addf %add3A_713, %mul3A_745 : vector<40x298xf32>
    %get3A_747 = arith.constant 3 : index
    %get3A_748 = arith.constant 2 : index
    %get3A_749 = arith.constant 0 : index
    %get3A_750 = memref.load %arg2[%get3A_747, %get3A_748, %get3A_749] : memref<4x4x11xf32, #tpu.memory_space<smem>>
    %mul3A_751 = vector.broadcast %get3A_750 : f32 to vector<40x298xf32>
    %mul3A_752 = arith.mulf %mul3A_751, %get3A_725 : vector<40x298xf32>
    %add3A_753 = arith.addf %add3A_720, %mul3A_752 : vector<40x298xf32>
    %get3A_754 = arith.constant 0 : index
    %get3A_755 = arith.constant 6 : index
    %get3A_756 = arith.constant 0 : index
    %get3A_757 = vector.load %arg1[%get3A_754, %get3A_755, %get3A_756] : memref<40x16x301xf32, #tpu.memory_space<vmem>>, vector<40x1x298xf32>
    %get3A_758 = vector.shape_cast %get3A_757 : vector<40x1x298xf32> to vector<40x298xf32>
    %get3A_759 = arith.constant 0 : index
    %get3A_760 = arith.constant 2 : index
    %get3A_761 = arith.constant 1 : index
    %get3A_762 = memref.load %arg2[%get3A_759, %get3A_760, %get3A_761] : memref<4x4x11xf32, #tpu.memory_space<smem>>
    %mul3A_763 = vector.broadcast %get3A_762 : f32 to vector<40x298xf32>
    %mul3A_764 = arith.mulf %mul3A_763, %get3A_758 : vector<40x298xf32>
    %add3A_765 = arith.addf %add3A_732, %mul3A_764 : vector<40x298xf32>
    %get3A_766 = arith.constant 1 : index
    %get3A_767 = arith.constant 2 : index
    %get3A_768 = arith.constant 1 : index
    %get3A_769 = memref.load %arg2[%get3A_766, %get3A_767, %get3A_768] : memref<4x4x11xf32, #tpu.memory_space<smem>>
    %mul3A_770 = vector.broadcast %get3A_769 : f32 to vector<40x298xf32>
    %mul3A_771 = arith.mulf %mul3A_770, %get3A_758 : vector<40x298xf32>
    %add3A_772 = arith.addf %add3A_739, %mul3A_771 : vector<40x298xf32>
    %get3A_773 = arith.constant 2 : index
    %get3A_774 = arith.constant 2 : index
    %get3A_775 = arith.constant 1 : index
    %get3A_776 = memref.load %arg2[%get3A_773, %get3A_774, %get3A_775] : memref<4x4x11xf32, #tpu.memory_space<smem>>
    %mul3A_777 = vector.broadcast %get3A_776 : f32 to vector<40x298xf32>
    %mul3A_778 = arith.mulf %mul3A_777, %get3A_758 : vector<40x298xf32>
    %add3A_779 = arith.addf %add3A_746, %mul3A_778 : vector<40x298xf32>
    %get3A_780 = arith.constant 3 : index
    %get3A_781 = arith.constant 2 : index
    %get3A_782 = arith.constant 1 : index
    %get3A_783 = memref.load %arg2[%get3A_780, %get3A_781, %get3A_782] : memref<4x4x11xf32, #tpu.memory_space<smem>>
    %mul3A_784 = vector.broadcast %get3A_783 : f32 to vector<40x298xf32>
    %mul3A_785 = arith.mulf %mul3A_784, %get3A_758 : vector<40x298xf32>
    %add3A_786 = arith.addf %add3A_753, %mul3A_785 : vector<40x298xf32>
    %get3A_787 = arith.constant 0 : index
    %get3A_788 = arith.constant 10 : index
    %get3A_789 = arith.constant 0 : index
    %get3A_790 = vector.load %arg1[%get3A_787, %get3A_788, %get3A_789] : memref<40x16x301xf32, #tpu.memory_space<vmem>>, vector<40x1x298xf32>
    %get3A_791 = vector.shape_cast %get3A_790 : vector<40x1x298xf32> to vector<40x298xf32>
    %get3A_792 = arith.constant 0 : index
    %get3A_793 = arith.constant 2 : index
    %get3A_794 = arith.constant 2 : index
    %get3A_795 = memref.load %arg2[%get3A_792, %get3A_793, %get3A_794] : memref<4x4x11xf32, #tpu.memory_space<smem>>
    %mul3A_796 = vector.broadcast %get3A_795 : f32 to vector<40x298xf32>
    %mul3A_797 = arith.mulf %mul3A_796, %get3A_791 : vector<40x298xf32>
    %add3A_798 = arith.addf %add3A_765, %mul3A_797 : vector<40x298xf32>
    %get3A_799 = arith.constant 1 : index
    %get3A_800 = arith.constant 2 : index
    %get3A_801 = arith.constant 2 : index
    %get3A_802 = memref.load %arg2[%get3A_799, %get3A_800, %get3A_801] : memref<4x4x11xf32, #tpu.memory_space<smem>>
    %mul3A_803 = vector.broadcast %get3A_802 : f32 to vector<40x298xf32>
    %mul3A_804 = arith.mulf %mul3A_803, %get3A_791 : vector<40x298xf32>
    %add3A_805 = arith.addf %add3A_772, %mul3A_804 : vector<40x298xf32>
    %get3A_806 = arith.constant 2 : index
    %get3A_807 = arith.constant 2 : index
    %get3A_808 = arith.constant 2 : index
    %get3A_809 = memref.load %arg2[%get3A_806, %get3A_807, %get3A_808] : memref<4x4x11xf32, #tpu.memory_space<smem>>
    %mul3A_810 = vector.broadcast %get3A_809 : f32 to vector<40x298xf32>
    %mul3A_811 = arith.mulf %mul3A_810, %get3A_791 : vector<40x298xf32>
    %add3A_812 = arith.addf %add3A_779, %mul3A_811 : vector<40x298xf32>
    %get3A_813 = arith.constant 3 : index
    %get3A_814 = arith.constant 2 : index
    %get3A_815 = arith.constant 2 : index
    %get3A_816 = memref.load %arg2[%get3A_813, %get3A_814, %get3A_815] : memref<4x4x11xf32, #tpu.memory_space<smem>>
    %mul3A_817 = vector.broadcast %get3A_816 : f32 to vector<40x298xf32>
    %mul3A_818 = arith.mulf %mul3A_817, %get3A_791 : vector<40x298xf32>
    %add3A_819 = arith.addf %add3A_786, %mul3A_818 : vector<40x298xf32>
    %get3A_820 = arith.constant 0 : index
    %get3A_821 = arith.constant 14 : index
    %get3A_822 = arith.constant 0 : index
    %get3A_823 = vector.load %arg1[%get3A_820, %get3A_821, %get3A_822] : memref<40x16x301xf32, #tpu.memory_space<vmem>>, vector<40x1x298xf32>
    %get3A_824 = vector.shape_cast %get3A_823 : vector<40x1x298xf32> to vector<40x298xf32>
    %get3A_825 = arith.constant 0 : index
    %get3A_826 = arith.constant 2 : index
    %get3A_827 = arith.constant 3 : index
    %get3A_828 = memref.load %arg2[%get3A_825, %get3A_826, %get3A_827] : memref<4x4x11xf32, #tpu.memory_space<smem>>
    %mul3A_829 = vector.broadcast %get3A_828 : f32 to vector<40x298xf32>
    %mul3A_830 = arith.mulf %mul3A_829, %get3A_824 : vector<40x298xf32>
    %add3A_831 = arith.addf %add3A_798, %mul3A_830 : vector<40x298xf32>
    %get3A_832 = arith.constant 1 : index
    %get3A_833 = arith.constant 2 : index
    %get3A_834 = arith.constant 3 : index
    %get3A_835 = memref.load %arg2[%get3A_832, %get3A_833, %get3A_834] : memref<4x4x11xf32, #tpu.memory_space<smem>>
    %mul3A_836 = vector.broadcast %get3A_835 : f32 to vector<40x298xf32>
    %mul3A_837 = arith.mulf %mul3A_836, %get3A_824 : vector<40x298xf32>
    %add3A_838 = arith.addf %add3A_805, %mul3A_837 : vector<40x298xf32>
    %get3A_839 = arith.constant 2 : index
    %get3A_840 = arith.constant 2 : index
    %get3A_841 = arith.constant 3 : index
    %get3A_842 = memref.load %arg2[%get3A_839, %get3A_840, %get3A_841] : memref<4x4x11xf32, #tpu.memory_space<smem>>
    %mul3A_843 = vector.broadcast %get3A_842 : f32 to vector<40x298xf32>
    %mul3A_844 = arith.mulf %mul3A_843, %get3A_824 : vector<40x298xf32>
    %add3A_845 = arith.addf %add3A_812, %mul3A_844 : vector<40x298xf32>
    %get3A_846 = arith.constant 3 : index
    %get3A_847 = arith.constant 2 : index
    %get3A_848 = arith.constant 3 : index
    %get3A_849 = memref.load %arg2[%get3A_846, %get3A_847, %get3A_848] : memref<4x4x11xf32, #tpu.memory_space<smem>>
    %mul3A_850 = vector.broadcast %get3A_849 : f32 to vector<40x298xf32>
    %mul3A_851 = arith.mulf %mul3A_850, %get3A_824 : vector<40x298xf32>
    %add3A_852 = arith.addf %add3A_819, %mul3A_851 : vector<40x298xf32>
    %get3A_853 = arith.constant 0 : index
    %get3A_854 = arith.constant 2 : index
    %get3A_855 = arith.constant 1 : index
    %get3A_856 = vector.load %arg1[%get3A_853, %get3A_854, %get3A_855] : memref<40x16x301xf32, #tpu.memory_space<vmem>>, vector<40x1x298xf32>
    %get3A_857 = vector.shape_cast %get3A_856 : vector<40x1x298xf32> to vector<40x298xf32>
    %get3A_858 = arith.constant 0 : index
    %get3A_859 = arith.constant 2 : index
    %get3A_860 = arith.constant 4 : index
    %get3A_861 = memref.load %arg2[%get3A_858, %get3A_859, %get3A_860] : memref<4x4x11xf32, #tpu.memory_space<smem>>
    %mul3A_862 = vector.broadcast %get3A_861 : f32 to vector<40x298xf32>
    %mul3A_863 = arith.mulf %mul3A_862, %get3A_857 : vector<40x298xf32>
    %add3A_864 = arith.addf %add3A_831, %mul3A_863 : vector<40x298xf32>
    %get3A_865 = arith.constant 1 : index
    %get3A_866 = arith.constant 2 : index
    %get3A_867 = arith.constant 4 : index
    %get3A_868 = memref.load %arg2[%get3A_865, %get3A_866, %get3A_867] : memref<4x4x11xf32, #tpu.memory_space<smem>>
    %mul3A_869 = vector.broadcast %get3A_868 : f32 to vector<40x298xf32>
    %mul3A_870 = arith.mulf %mul3A_869, %get3A_857 : vector<40x298xf32>
    %add3A_871 = arith.addf %add3A_838, %mul3A_870 : vector<40x298xf32>
    %get3A_872 = arith.constant 2 : index
    %get3A_873 = arith.constant 2 : index
    %get3A_874 = arith.constant 4 : index
    %get3A_875 = memref.load %arg2[%get3A_872, %get3A_873, %get3A_874] : memref<4x4x11xf32, #tpu.memory_space<smem>>
    %mul3A_876 = vector.broadcast %get3A_875 : f32 to vector<40x298xf32>
    %mul3A_877 = arith.mulf %mul3A_876, %get3A_857 : vector<40x298xf32>
    %add3A_878 = arith.addf %add3A_845, %mul3A_877 : vector<40x298xf32>
    %get3A_879 = arith.constant 3 : index
    %get3A_880 = arith.constant 2 : index
    %get3A_881 = arith.constant 4 : index
    %get3A_882 = memref.load %arg2[%get3A_879, %get3A_880, %get3A_881] : memref<4x4x11xf32, #tpu.memory_space<smem>>
    %mul3A_883 = vector.broadcast %get3A_882 : f32 to vector<40x298xf32>
    %mul3A_884 = arith.mulf %mul3A_883, %get3A_857 : vector<40x298xf32>
    %add3A_885 = arith.addf %add3A_852, %mul3A_884 : vector<40x298xf32>
    %get3A_886 = arith.constant 0 : index
    %get3A_887 = arith.constant 6 : index
    %get3A_888 = arith.constant 1 : index
    %get3A_889 = vector.load %arg1[%get3A_886, %get3A_887, %get3A_888] : memref<40x16x301xf32, #tpu.memory_space<vmem>>, vector<40x1x298xf32>
    %get3A_890 = vector.shape_cast %get3A_889 : vector<40x1x298xf32> to vector<40x298xf32>
    %get3A_891 = arith.constant 0 : index
    %get3A_892 = arith.constant 2 : index
    %get3A_893 = arith.constant 5 : index
    %get3A_894 = memref.load %arg2[%get3A_891, %get3A_892, %get3A_893] : memref<4x4x11xf32, #tpu.memory_space<smem>>
    %mul3A_895 = vector.broadcast %get3A_894 : f32 to vector<40x298xf32>
    %mul3A_896 = arith.mulf %mul3A_895, %get3A_890 : vector<40x298xf32>
    %add3A_897 = arith.addf %add3A_864, %mul3A_896 : vector<40x298xf32>
    %get3A_898 = arith.constant 1 : index
    %get3A_899 = arith.constant 2 : index
    %get3A_900 = arith.constant 5 : index
    %get3A_901 = memref.load %arg2[%get3A_898, %get3A_899, %get3A_900] : memref<4x4x11xf32, #tpu.memory_space<smem>>
    %mul3A_902 = vector.broadcast %get3A_901 : f32 to vector<40x298xf32>
    %mul3A_903 = arith.mulf %mul3A_902, %get3A_890 : vector<40x298xf32>
    %add3A_904 = arith.addf %add3A_871, %mul3A_903 : vector<40x298xf32>
    %get3A_905 = arith.constant 2 : index
    %get3A_906 = arith.constant 2 : index
    %get3A_907 = arith.constant 5 : index
    %get3A_908 = memref.load %arg2[%get3A_905, %get3A_906, %get3A_907] : memref<4x4x11xf32, #tpu.memory_space<smem>>
    %mul3A_909 = vector.broadcast %get3A_908 : f32 to vector<40x298xf32>
    %mul3A_910 = arith.mulf %mul3A_909, %get3A_890 : vector<40x298xf32>
    %add3A_911 = arith.addf %add3A_878, %mul3A_910 : vector<40x298xf32>
    %get3A_912 = arith.constant 3 : index
    %get3A_913 = arith.constant 2 : index
    %get3A_914 = arith.constant 5 : index
    %get3A_915 = memref.load %arg2[%get3A_912, %get3A_913, %get3A_914] : memref<4x4x11xf32, #tpu.memory_space<smem>>
    %mul3A_916 = vector.broadcast %get3A_915 : f32 to vector<40x298xf32>
    %mul3A_917 = arith.mulf %mul3A_916, %get3A_890 : vector<40x298xf32>
    %add3A_918 = arith.addf %add3A_885, %mul3A_917 : vector<40x298xf32>
    %get3A_919 = arith.constant 0 : index
    %get3A_920 = arith.constant 10 : index
    %get3A_921 = arith.constant 1 : index
    %get3A_922 = vector.load %arg1[%get3A_919, %get3A_920, %get3A_921] : memref<40x16x301xf32, #tpu.memory_space<vmem>>, vector<40x1x298xf32>
    %get3A_923 = vector.shape_cast %get3A_922 : vector<40x1x298xf32> to vector<40x298xf32>
    %get3A_924 = arith.constant 0 : index
    %get3A_925 = arith.constant 2 : index
    %get3A_926 = arith.constant 6 : index
    %get3A_927 = memref.load %arg2[%get3A_924, %get3A_925, %get3A_926] : memref<4x4x11xf32, #tpu.memory_space<smem>>
    %mul3A_928 = vector.broadcast %get3A_927 : f32 to vector<40x298xf32>
    %mul3A_929 = arith.mulf %mul3A_928, %get3A_923 : vector<40x298xf32>
    %add3A_930 = arith.addf %add3A_897, %mul3A_929 : vector<40x298xf32>
    %get3A_931 = arith.constant 1 : index
    %get3A_932 = arith.constant 2 : index
    %get3A_933 = arith.constant 6 : index
    %get3A_934 = memref.load %arg2[%get3A_931, %get3A_932, %get3A_933] : memref<4x4x11xf32, #tpu.memory_space<smem>>
    %mul3A_935 = vector.broadcast %get3A_934 : f32 to vector<40x298xf32>
    %mul3A_936 = arith.mulf %mul3A_935, %get3A_923 : vector<40x298xf32>
    %add3A_937 = arith.addf %add3A_904, %mul3A_936 : vector<40x298xf32>
    %get3A_938 = arith.constant 2 : index
    %get3A_939 = arith.constant 2 : index
    %get3A_940 = arith.constant 6 : index
    %get3A_941 = memref.load %arg2[%get3A_938, %get3A_939, %get3A_940] : memref<4x4x11xf32, #tpu.memory_space<smem>>
    %mul3A_942 = vector.broadcast %get3A_941 : f32 to vector<40x298xf32>
    %mul3A_943 = arith.mulf %mul3A_942, %get3A_923 : vector<40x298xf32>
    %add3A_944 = arith.addf %add3A_911, %mul3A_943 : vector<40x298xf32>
    %get3A_945 = arith.constant 3 : index
    %get3A_946 = arith.constant 2 : index
    %get3A_947 = arith.constant 6 : index
    %get3A_948 = memref.load %arg2[%get3A_945, %get3A_946, %get3A_947] : memref<4x4x11xf32, #tpu.memory_space<smem>>
    %mul3A_949 = vector.broadcast %get3A_948 : f32 to vector<40x298xf32>
    %mul3A_950 = arith.mulf %mul3A_949, %get3A_923 : vector<40x298xf32>
    %add3A_951 = arith.addf %add3A_918, %mul3A_950 : vector<40x298xf32>
    %get3A_952 = arith.constant 0 : index
    %get3A_953 = arith.constant 14 : index
    %get3A_954 = arith.constant 1 : index
    %get3A_955 = vector.load %arg1[%get3A_952, %get3A_953, %get3A_954] : memref<40x16x301xf32, #tpu.memory_space<vmem>>, vector<40x1x298xf32>
    %get3A_956 = vector.shape_cast %get3A_955 : vector<40x1x298xf32> to vector<40x298xf32>
    %get3A_957 = arith.constant 0 : index
    %get3A_958 = arith.constant 2 : index
    %get3A_959 = arith.constant 7 : index
    %get3A_960 = memref.load %arg2[%get3A_957, %get3A_958, %get3A_959] : memref<4x4x11xf32, #tpu.memory_space<smem>>
    %mul3A_961 = vector.broadcast %get3A_960 : f32 to vector<40x298xf32>
    %mul3A_962 = arith.mulf %mul3A_961, %get3A_956 : vector<40x298xf32>
    %add3A_963 = arith.addf %add3A_930, %mul3A_962 : vector<40x298xf32>
    %get3A_964 = arith.constant 1 : index
    %get3A_965 = arith.constant 2 : index
    %get3A_966 = arith.constant 7 : index
    %get3A_967 = memref.load %arg2[%get3A_964, %get3A_965, %get3A_966] : memref<4x4x11xf32, #tpu.memory_space<smem>>
    %mul3A_968 = vector.broadcast %get3A_967 : f32 to vector<40x298xf32>
    %mul3A_969 = arith.mulf %mul3A_968, %get3A_956 : vector<40x298xf32>
    %add3A_970 = arith.addf %add3A_937, %mul3A_969 : vector<40x298xf32>
    %get3A_971 = arith.constant 2 : index
    %get3A_972 = arith.constant 2 : index
    %get3A_973 = arith.constant 7 : index
    %get3A_974 = memref.load %arg2[%get3A_971, %get3A_972, %get3A_973] : memref<4x4x11xf32, #tpu.memory_space<smem>>
    %mul3A_975 = vector.broadcast %get3A_974 : f32 to vector<40x298xf32>
    %mul3A_976 = arith.mulf %mul3A_975, %get3A_956 : vector<40x298xf32>
    %add3A_977 = arith.addf %add3A_944, %mul3A_976 : vector<40x298xf32>
    %get3A_978 = arith.constant 3 : index
    %get3A_979 = arith.constant 2 : index
    %get3A_980 = arith.constant 7 : index
    %get3A_981 = memref.load %arg2[%get3A_978, %get3A_979, %get3A_980] : memref<4x4x11xf32, #tpu.memory_space<smem>>
    %mul3A_982 = vector.broadcast %get3A_981 : f32 to vector<40x298xf32>
    %mul3A_983 = arith.mulf %mul3A_982, %get3A_956 : vector<40x298xf32>
    %add3A_984 = arith.addf %add3A_951, %mul3A_983 : vector<40x298xf32>
    %get3A_985 = arith.constant 0 : index
    %get3A_986 = arith.constant 2 : index
    %get3A_987 = arith.constant 2 : index
    %get3A_988 = vector.load %arg1[%get3A_985, %get3A_986, %get3A_987] : memref<40x16x301xf32, #tpu.memory_space<vmem>>, vector<40x1x298xf32>
    %get3A_989 = vector.shape_cast %get3A_988 : vector<40x1x298xf32> to vector<40x298xf32>
    %get3A_990 = arith.constant 0 : index
    %get3A_991 = arith.constant 2 : index
    %get3A_992 = arith.constant 8 : index
    %get3A_993 = memref.load %arg2[%get3A_990, %get3A_991, %get3A_992] : memref<4x4x11xf32, #tpu.memory_space<smem>>
    %mul3A_994 = vector.broadcast %get3A_993 : f32 to vector<40x298xf32>
    %mul3A_995 = arith.mulf %mul3A_994, %get3A_989 : vector<40x298xf32>
    %add3A_996 = arith.addf %add3A_963, %mul3A_995 : vector<40x298xf32>
    %get3A_997 = arith.constant 1 : index
    %get3A_998 = arith.constant 2 : index
    %get3A_999 = arith.constant 8 : index
    %get3A_1000 = memref.load %arg2[%get3A_997, %get3A_998, %get3A_999] : memref<4x4x11xf32, #tpu.memory_space<smem>>
    %mul3A_1001 = vector.broadcast %get3A_1000 : f32 to vector<40x298xf32>
    %mul3A_1002 = arith.mulf %mul3A_1001, %get3A_989 : vector<40x298xf32>
    %add3A_1003 = arith.addf %add3A_970, %mul3A_1002 : vector<40x298xf32>
    %get3A_1004 = arith.constant 2 : index
    %get3A_1005 = arith.constant 2 : index
    %get3A_1006 = arith.constant 8 : index
    %get3A_1007 = memref.load %arg2[%get3A_1004, %get3A_1005, %get3A_1006] : memref<4x4x11xf32, #tpu.memory_space<smem>>
    %mul3A_1008 = vector.broadcast %get3A_1007 : f32 to vector<40x298xf32>
    %mul3A_1009 = arith.mulf %mul3A_1008, %get3A_989 : vector<40x298xf32>
    %add3A_1010 = arith.addf %add3A_977, %mul3A_1009 : vector<40x298xf32>
    %get3A_1011 = arith.constant 3 : index
    %get3A_1012 = arith.constant 2 : index
    %get3A_1013 = arith.constant 8 : index
    %get3A_1014 = memref.load %arg2[%get3A_1011, %get3A_1012, %get3A_1013] : memref<4x4x11xf32, #tpu.memory_space<smem>>
    %mul3A_1015 = vector.broadcast %get3A_1014 : f32 to vector<40x298xf32>
    %mul3A_1016 = arith.mulf %mul3A_1015, %get3A_989 : vector<40x298xf32>
    %add3A_1017 = arith.addf %add3A_984, %mul3A_1016 : vector<40x298xf32>
    %get3A_1018 = arith.constant 0 : index
    %get3A_1019 = arith.constant 6 : index
    %get3A_1020 = arith.constant 2 : index
    %get3A_1021 = vector.load %arg1[%get3A_1018, %get3A_1019, %get3A_1020] : memref<40x16x301xf32, #tpu.memory_space<vmem>>, vector<40x1x298xf32>
    %get3A_1022 = vector.shape_cast %get3A_1021 : vector<40x1x298xf32> to vector<40x298xf32>
    %get3A_1023 = arith.constant 0 : index
    %get3A_1024 = arith.constant 2 : index
    %get3A_1025 = arith.constant 9 : index
    %get3A_1026 = memref.load %arg2[%get3A_1023, %get3A_1024, %get3A_1025] : memref<4x4x11xf32, #tpu.memory_space<smem>>
    %mul3A_1027 = vector.broadcast %get3A_1026 : f32 to vector<40x298xf32>
    %mul3A_1028 = arith.mulf %mul3A_1027, %get3A_1022 : vector<40x298xf32>
    %add3A_1029 = arith.addf %add3A_996, %mul3A_1028 : vector<40x298xf32>
    %get3A_1030 = arith.constant 1 : index
    %get3A_1031 = arith.constant 2 : index
    %get3A_1032 = arith.constant 9 : index
    %get3A_1033 = memref.load %arg2[%get3A_1030, %get3A_1031, %get3A_1032] : memref<4x4x11xf32, #tpu.memory_space<smem>>
    %mul3A_1034 = vector.broadcast %get3A_1033 : f32 to vector<40x298xf32>
    %mul3A_1035 = arith.mulf %mul3A_1034, %get3A_1022 : vector<40x298xf32>
    %add3A_1036 = arith.addf %add3A_1003, %mul3A_1035 : vector<40x298xf32>
    %get3A_1037 = arith.constant 2 : index
    %get3A_1038 = arith.constant 2 : index
    %get3A_1039 = arith.constant 9 : index
    %get3A_1040 = memref.load %arg2[%get3A_1037, %get3A_1038, %get3A_1039] : memref<4x4x11xf32, #tpu.memory_space<smem>>
    %mul3A_1041 = vector.broadcast %get3A_1040 : f32 to vector<40x298xf32>
    %mul3A_1042 = arith.mulf %mul3A_1041, %get3A_1022 : vector<40x298xf32>
    %add3A_1043 = arith.addf %add3A_1010, %mul3A_1042 : vector<40x298xf32>
    %get3A_1044 = arith.constant 3 : index
    %get3A_1045 = arith.constant 2 : index
    %get3A_1046 = arith.constant 9 : index
    %get3A_1047 = memref.load %arg2[%get3A_1044, %get3A_1045, %get3A_1046] : memref<4x4x11xf32, #tpu.memory_space<smem>>
    %mul3A_1048 = vector.broadcast %get3A_1047 : f32 to vector<40x298xf32>
    %mul3A_1049 = arith.mulf %mul3A_1048, %get3A_1022 : vector<40x298xf32>
    %add3A_1050 = arith.addf %add3A_1017, %mul3A_1049 : vector<40x298xf32>
    %get3A_1051 = arith.constant 0 : index
    %get3A_1052 = arith.constant 10 : index
    %get3A_1053 = arith.constant 2 : index
    %get3A_1054 = vector.load %arg1[%get3A_1051, %get3A_1052, %get3A_1053] : memref<40x16x301xf32, #tpu.memory_space<vmem>>, vector<40x1x298xf32>
    %get3A_1055 = vector.shape_cast %get3A_1054 : vector<40x1x298xf32> to vector<40x298xf32>
    %get3A_1056 = arith.constant 0 : index
    %get3A_1057 = arith.constant 2 : index
    %get3A_1058 = arith.constant 10 : index
    %get3A_1059 = memref.load %arg2[%get3A_1056, %get3A_1057, %get3A_1058] : memref<4x4x11xf32, #tpu.memory_space<smem>>
    %mul3A_1060 = vector.broadcast %get3A_1059 : f32 to vector<40x298xf32>
    %mul3A_1061 = arith.mulf %mul3A_1060, %get3A_1055 : vector<40x298xf32>
    %add3A_1062 = arith.addf %add3A_1029, %mul3A_1061 : vector<40x298xf32>
    %get3A_1063 = arith.constant 1 : index
    %get3A_1064 = arith.constant 2 : index
    %get3A_1065 = arith.constant 10 : index
    %get3A_1066 = memref.load %arg2[%get3A_1063, %get3A_1064, %get3A_1065] : memref<4x4x11xf32, #tpu.memory_space<smem>>
    %mul3A_1067 = vector.broadcast %get3A_1066 : f32 to vector<40x298xf32>
    %mul3A_1068 = arith.mulf %mul3A_1067, %get3A_1055 : vector<40x298xf32>
    %add3A_1069 = arith.addf %add3A_1036, %mul3A_1068 : vector<40x298xf32>
    %get3A_1070 = arith.constant 2 : index
    %get3A_1071 = arith.constant 2 : index
    %get3A_1072 = arith.constant 10 : index
    %get3A_1073 = memref.load %arg2[%get3A_1070, %get3A_1071, %get3A_1072] : memref<4x4x11xf32, #tpu.memory_space<smem>>
    %mul3A_1074 = vector.broadcast %get3A_1073 : f32 to vector<40x298xf32>
    %mul3A_1075 = arith.mulf %mul3A_1074, %get3A_1055 : vector<40x298xf32>
    %add3A_1076 = arith.addf %add3A_1043, %mul3A_1075 : vector<40x298xf32>
    %get3A_1077 = arith.constant 3 : index
    %get3A_1078 = arith.constant 2 : index
    %get3A_1079 = arith.constant 10 : index
    %get3A_1080 = memref.load %arg2[%get3A_1077, %get3A_1078, %get3A_1079] : memref<4x4x11xf32, #tpu.memory_space<smem>>
    %mul3A_1081 = vector.broadcast %get3A_1080 : f32 to vector<40x298xf32>
    %mul3A_1082 = arith.mulf %mul3A_1081, %get3A_1055 : vector<40x298xf32>
    %add3A_1083 = arith.addf %add3A_1050, %mul3A_1082 : vector<40x298xf32>
    %get3A_1084 = arith.constant 0 : index
    %get3A_1085 = arith.constant 3 : index
    %get3A_1086 = arith.constant 0 : index
    %get3A_1087 = vector.load %arg1[%get3A_1084, %get3A_1085, %get3A_1086] : memref<40x16x301xf32, #tpu.memory_space<vmem>>, vector<40x1x298xf32>
    %get3A_1088 = vector.shape_cast %get3A_1087 : vector<40x1x298xf32> to vector<40x298xf32>
    %get3A_1089 = arith.constant 0 : index
    %get3A_1090 = arith.constant 3 : index
    %get3A_1091 = arith.constant 0 : index
    %get3A_1092 = memref.load %arg2[%get3A_1089, %get3A_1090, %get3A_1091] : memref<4x4x11xf32, #tpu.memory_space<smem>>
    %mul3A_1093 = vector.broadcast %get3A_1092 : f32 to vector<40x298xf32>
    %mul3A_1094 = arith.mulf %mul3A_1093, %get3A_1088 : vector<40x298xf32>
    %add3A_1095 = arith.addf %add3A_1062, %mul3A_1094 : vector<40x298xf32>
    %get3A_1096 = arith.constant 1 : index
    %get3A_1097 = arith.constant 3 : index
    %get3A_1098 = arith.constant 0 : index
    %get3A_1099 = memref.load %arg2[%get3A_1096, %get3A_1097, %get3A_1098] : memref<4x4x11xf32, #tpu.memory_space<smem>>
    %mul3A_1100 = vector.broadcast %get3A_1099 : f32 to vector<40x298xf32>
    %mul3A_1101 = arith.mulf %mul3A_1100, %get3A_1088 : vector<40x298xf32>
    %add3A_1102 = arith.addf %add3A_1069, %mul3A_1101 : vector<40x298xf32>
    %get3A_1103 = arith.constant 2 : index
    %get3A_1104 = arith.constant 3 : index
    %get3A_1105 = arith.constant 0 : index
    %get3A_1106 = memref.load %arg2[%get3A_1103, %get3A_1104, %get3A_1105] : memref<4x4x11xf32, #tpu.memory_space<smem>>
    %mul3A_1107 = vector.broadcast %get3A_1106 : f32 to vector<40x298xf32>
    %mul3A_1108 = arith.mulf %mul3A_1107, %get3A_1088 : vector<40x298xf32>
    %add3A_1109 = arith.addf %add3A_1076, %mul3A_1108 : vector<40x298xf32>
    %get3A_1110 = arith.constant 3 : index
    %get3A_1111 = arith.constant 3 : index
    %get3A_1112 = arith.constant 0 : index
    %get3A_1113 = memref.load %arg2[%get3A_1110, %get3A_1111, %get3A_1112] : memref<4x4x11xf32, #tpu.memory_space<smem>>
    %mul3A_1114 = vector.broadcast %get3A_1113 : f32 to vector<40x298xf32>
    %mul3A_1115 = arith.mulf %mul3A_1114, %get3A_1088 : vector<40x298xf32>
    %add3A_1116 = arith.addf %add3A_1083, %mul3A_1115 : vector<40x298xf32>
    %get3A_1117 = arith.constant 0 : index
    %get3A_1118 = arith.constant 7 : index
    %get3A_1119 = arith.constant 0 : index
    %get3A_1120 = vector.load %arg1[%get3A_1117, %get3A_1118, %get3A_1119] : memref<40x16x301xf32, #tpu.memory_space<vmem>>, vector<40x1x298xf32>
    %get3A_1121 = vector.shape_cast %get3A_1120 : vector<40x1x298xf32> to vector<40x298xf32>
    %get3A_1122 = arith.constant 0 : index
    %get3A_1123 = arith.constant 3 : index
    %get3A_1124 = arith.constant 1 : index
    %get3A_1125 = memref.load %arg2[%get3A_1122, %get3A_1123, %get3A_1124] : memref<4x4x11xf32, #tpu.memory_space<smem>>
    %mul3A_1126 = vector.broadcast %get3A_1125 : f32 to vector<40x298xf32>
    %mul3A_1127 = arith.mulf %mul3A_1126, %get3A_1121 : vector<40x298xf32>
    %add3A_1128 = arith.addf %add3A_1095, %mul3A_1127 : vector<40x298xf32>
    %get3A_1129 = arith.constant 1 : index
    %get3A_1130 = arith.constant 3 : index
    %get3A_1131 = arith.constant 1 : index
    %get3A_1132 = memref.load %arg2[%get3A_1129, %get3A_1130, %get3A_1131] : memref<4x4x11xf32, #tpu.memory_space<smem>>
    %mul3A_1133 = vector.broadcast %get3A_1132 : f32 to vector<40x298xf32>
    %mul3A_1134 = arith.mulf %mul3A_1133, %get3A_1121 : vector<40x298xf32>
    %add3A_1135 = arith.addf %add3A_1102, %mul3A_1134 : vector<40x298xf32>
    %get3A_1136 = arith.constant 2 : index
    %get3A_1137 = arith.constant 3 : index
    %get3A_1138 = arith.constant 1 : index
    %get3A_1139 = memref.load %arg2[%get3A_1136, %get3A_1137, %get3A_1138] : memref<4x4x11xf32, #tpu.memory_space<smem>>
    %mul3A_1140 = vector.broadcast %get3A_1139 : f32 to vector<40x298xf32>
    %mul3A_1141 = arith.mulf %mul3A_1140, %get3A_1121 : vector<40x298xf32>
    %add3A_1142 = arith.addf %add3A_1109, %mul3A_1141 : vector<40x298xf32>
    %get3A_1143 = arith.constant 3 : index
    %get3A_1144 = arith.constant 3 : index
    %get3A_1145 = arith.constant 1 : index
    %get3A_1146 = memref.load %arg2[%get3A_1143, %get3A_1144, %get3A_1145] : memref<4x4x11xf32, #tpu.memory_space<smem>>
    %mul3A_1147 = vector.broadcast %get3A_1146 : f32 to vector<40x298xf32>
    %mul3A_1148 = arith.mulf %mul3A_1147, %get3A_1121 : vector<40x298xf32>
    %add3A_1149 = arith.addf %add3A_1116, %mul3A_1148 : vector<40x298xf32>
    %get3A_1150 = arith.constant 0 : index
    %get3A_1151 = arith.constant 11 : index
    %get3A_1152 = arith.constant 0 : index
    %get3A_1153 = vector.load %arg1[%get3A_1150, %get3A_1151, %get3A_1152] : memref<40x16x301xf32, #tpu.memory_space<vmem>>, vector<40x1x298xf32>
    %get3A_1154 = vector.shape_cast %get3A_1153 : vector<40x1x298xf32> to vector<40x298xf32>
    %get3A_1155 = arith.constant 0 : index
    %get3A_1156 = arith.constant 3 : index
    %get3A_1157 = arith.constant 2 : index
    %get3A_1158 = memref.load %arg2[%get3A_1155, %get3A_1156, %get3A_1157] : memref<4x4x11xf32, #tpu.memory_space<smem>>
    %mul3A_1159 = vector.broadcast %get3A_1158 : f32 to vector<40x298xf32>
    %mul3A_1160 = arith.mulf %mul3A_1159, %get3A_1154 : vector<40x298xf32>
    %add3A_1161 = arith.addf %add3A_1128, %mul3A_1160 : vector<40x298xf32>
    %get3A_1162 = arith.constant 1 : index
    %get3A_1163 = arith.constant 3 : index
    %get3A_1164 = arith.constant 2 : index
    %get3A_1165 = memref.load %arg2[%get3A_1162, %get3A_1163, %get3A_1164] : memref<4x4x11xf32, #tpu.memory_space<smem>>
    %mul3A_1166 = vector.broadcast %get3A_1165 : f32 to vector<40x298xf32>
    %mul3A_1167 = arith.mulf %mul3A_1166, %get3A_1154 : vector<40x298xf32>
    %add3A_1168 = arith.addf %add3A_1135, %mul3A_1167 : vector<40x298xf32>
    %get3A_1169 = arith.constant 2 : index
    %get3A_1170 = arith.constant 3 : index
    %get3A_1171 = arith.constant 2 : index
    %get3A_1172 = memref.load %arg2[%get3A_1169, %get3A_1170, %get3A_1171] : memref<4x4x11xf32, #tpu.memory_space<smem>>
    %mul3A_1173 = vector.broadcast %get3A_1172 : f32 to vector<40x298xf32>
    %mul3A_1174 = arith.mulf %mul3A_1173, %get3A_1154 : vector<40x298xf32>
    %add3A_1175 = arith.addf %add3A_1142, %mul3A_1174 : vector<40x298xf32>
    %get3A_1176 = arith.constant 3 : index
    %get3A_1177 = arith.constant 3 : index
    %get3A_1178 = arith.constant 2 : index
    %get3A_1179 = memref.load %arg2[%get3A_1176, %get3A_1177, %get3A_1178] : memref<4x4x11xf32, #tpu.memory_space<smem>>
    %mul3A_1180 = vector.broadcast %get3A_1179 : f32 to vector<40x298xf32>
    %mul3A_1181 = arith.mulf %mul3A_1180, %get3A_1154 : vector<40x298xf32>
    %add3A_1182 = arith.addf %add3A_1149, %mul3A_1181 : vector<40x298xf32>
    %get3A_1183 = arith.constant 0 : index
    %get3A_1184 = arith.constant 15 : index
    %get3A_1185 = arith.constant 0 : index
    %get3A_1186 = vector.load %arg1[%get3A_1183, %get3A_1184, %get3A_1185] : memref<40x16x301xf32, #tpu.memory_space<vmem>>, vector<40x1x298xf32>
    %get3A_1187 = vector.shape_cast %get3A_1186 : vector<40x1x298xf32> to vector<40x298xf32>
    %get3A_1188 = arith.constant 0 : index
    %get3A_1189 = arith.constant 3 : index
    %get3A_1190 = arith.constant 3 : index
    %get3A_1191 = memref.load %arg2[%get3A_1188, %get3A_1189, %get3A_1190] : memref<4x4x11xf32, #tpu.memory_space<smem>>
    %mul3A_1192 = vector.broadcast %get3A_1191 : f32 to vector<40x298xf32>
    %mul3A_1193 = arith.mulf %mul3A_1192, %get3A_1187 : vector<40x298xf32>
    %add3A_1194 = arith.addf %add3A_1161, %mul3A_1193 : vector<40x298xf32>
    %get3A_1195 = arith.constant 1 : index
    %get3A_1196 = arith.constant 3 : index
    %get3A_1197 = arith.constant 3 : index
    %get3A_1198 = memref.load %arg2[%get3A_1195, %get3A_1196, %get3A_1197] : memref<4x4x11xf32, #tpu.memory_space<smem>>
    %mul3A_1199 = vector.broadcast %get3A_1198 : f32 to vector<40x298xf32>
    %mul3A_1200 = arith.mulf %mul3A_1199, %get3A_1187 : vector<40x298xf32>
    %add3A_1201 = arith.addf %add3A_1168, %mul3A_1200 : vector<40x298xf32>
    %get3A_1202 = arith.constant 2 : index
    %get3A_1203 = arith.constant 3 : index
    %get3A_1204 = arith.constant 3 : index
    %get3A_1205 = memref.load %arg2[%get3A_1202, %get3A_1203, %get3A_1204] : memref<4x4x11xf32, #tpu.memory_space<smem>>
    %mul3A_1206 = vector.broadcast %get3A_1205 : f32 to vector<40x298xf32>
    %mul3A_1207 = arith.mulf %mul3A_1206, %get3A_1187 : vector<40x298xf32>
    %add3A_1208 = arith.addf %add3A_1175, %mul3A_1207 : vector<40x298xf32>
    %get3A_1209 = arith.constant 3 : index
    %get3A_1210 = arith.constant 3 : index
    %get3A_1211 = arith.constant 3 : index
    %get3A_1212 = memref.load %arg2[%get3A_1209, %get3A_1210, %get3A_1211] : memref<4x4x11xf32, #tpu.memory_space<smem>>
    %mul3A_1213 = vector.broadcast %get3A_1212 : f32 to vector<40x298xf32>
    %mul3A_1214 = arith.mulf %mul3A_1213, %get3A_1187 : vector<40x298xf32>
    %add3A_1215 = arith.addf %add3A_1182, %mul3A_1214 : vector<40x298xf32>
    %get3A_1216 = arith.constant 0 : index
    %get3A_1217 = arith.constant 3 : index
    %get3A_1218 = arith.constant 1 : index
    %get3A_1219 = vector.load %arg1[%get3A_1216, %get3A_1217, %get3A_1218] : memref<40x16x301xf32, #tpu.memory_space<vmem>>, vector<40x1x298xf32>
    %get3A_1220 = vector.shape_cast %get3A_1219 : vector<40x1x298xf32> to vector<40x298xf32>
    %get3A_1221 = arith.constant 0 : index
    %get3A_1222 = arith.constant 3 : index
    %get3A_1223 = arith.constant 4 : index
    %get3A_1224 = memref.load %arg2[%get3A_1221, %get3A_1222, %get3A_1223] : memref<4x4x11xf32, #tpu.memory_space<smem>>
    %mul3A_1225 = vector.broadcast %get3A_1224 : f32 to vector<40x298xf32>
    %mul3A_1226 = arith.mulf %mul3A_1225, %get3A_1220 : vector<40x298xf32>
    %add3A_1227 = arith.addf %add3A_1194, %mul3A_1226 : vector<40x298xf32>
    %get3A_1228 = arith.constant 1 : index
    %get3A_1229 = arith.constant 3 : index
    %get3A_1230 = arith.constant 4 : index
    %get3A_1231 = memref.load %arg2[%get3A_1228, %get3A_1229, %get3A_1230] : memref<4x4x11xf32, #tpu.memory_space<smem>>
    %mul3A_1232 = vector.broadcast %get3A_1231 : f32 to vector<40x298xf32>
    %mul3A_1233 = arith.mulf %mul3A_1232, %get3A_1220 : vector<40x298xf32>
    %add3A_1234 = arith.addf %add3A_1201, %mul3A_1233 : vector<40x298xf32>
    %get3A_1235 = arith.constant 2 : index
    %get3A_1236 = arith.constant 3 : index
    %get3A_1237 = arith.constant 4 : index
    %get3A_1238 = memref.load %arg2[%get3A_1235, %get3A_1236, %get3A_1237] : memref<4x4x11xf32, #tpu.memory_space<smem>>
    %mul3A_1239 = vector.broadcast %get3A_1238 : f32 to vector<40x298xf32>
    %mul3A_1240 = arith.mulf %mul3A_1239, %get3A_1220 : vector<40x298xf32>
    %add3A_1241 = arith.addf %add3A_1208, %mul3A_1240 : vector<40x298xf32>
    %get3A_1242 = arith.constant 3 : index
    %get3A_1243 = arith.constant 3 : index
    %get3A_1244 = arith.constant 4 : index
    %get3A_1245 = memref.load %arg2[%get3A_1242, %get3A_1243, %get3A_1244] : memref<4x4x11xf32, #tpu.memory_space<smem>>
    %mul3A_1246 = vector.broadcast %get3A_1245 : f32 to vector<40x298xf32>
    %mul3A_1247 = arith.mulf %mul3A_1246, %get3A_1220 : vector<40x298xf32>
    %add3A_1248 = arith.addf %add3A_1215, %mul3A_1247 : vector<40x298xf32>
    %get3A_1249 = arith.constant 0 : index
    %get3A_1250 = arith.constant 7 : index
    %get3A_1251 = arith.constant 1 : index
    %get3A_1252 = vector.load %arg1[%get3A_1249, %get3A_1250, %get3A_1251] : memref<40x16x301xf32, #tpu.memory_space<vmem>>, vector<40x1x298xf32>
    %get3A_1253 = vector.shape_cast %get3A_1252 : vector<40x1x298xf32> to vector<40x298xf32>
    %get3A_1254 = arith.constant 0 : index
    %get3A_1255 = arith.constant 3 : index
    %get3A_1256 = arith.constant 5 : index
    %get3A_1257 = memref.load %arg2[%get3A_1254, %get3A_1255, %get3A_1256] : memref<4x4x11xf32, #tpu.memory_space<smem>>
    %mul3A_1258 = vector.broadcast %get3A_1257 : f32 to vector<40x298xf32>
    %mul3A_1259 = arith.mulf %mul3A_1258, %get3A_1253 : vector<40x298xf32>
    %add3A_1260 = arith.addf %add3A_1227, %mul3A_1259 : vector<40x298xf32>
    %get3A_1261 = arith.constant 1 : index
    %get3A_1262 = arith.constant 3 : index
    %get3A_1263 = arith.constant 5 : index
    %get3A_1264 = memref.load %arg2[%get3A_1261, %get3A_1262, %get3A_1263] : memref<4x4x11xf32, #tpu.memory_space<smem>>
    %mul3A_1265 = vector.broadcast %get3A_1264 : f32 to vector<40x298xf32>
    %mul3A_1266 = arith.mulf %mul3A_1265, %get3A_1253 : vector<40x298xf32>
    %add3A_1267 = arith.addf %add3A_1234, %mul3A_1266 : vector<40x298xf32>
    %get3A_1268 = arith.constant 2 : index
    %get3A_1269 = arith.constant 3 : index
    %get3A_1270 = arith.constant 5 : index
    %get3A_1271 = memref.load %arg2[%get3A_1268, %get3A_1269, %get3A_1270] : memref<4x4x11xf32, #tpu.memory_space<smem>>
    %mul3A_1272 = vector.broadcast %get3A_1271 : f32 to vector<40x298xf32>
    %mul3A_1273 = arith.mulf %mul3A_1272, %get3A_1253 : vector<40x298xf32>
    %add3A_1274 = arith.addf %add3A_1241, %mul3A_1273 : vector<40x298xf32>
    %get3A_1275 = arith.constant 3 : index
    %get3A_1276 = arith.constant 3 : index
    %get3A_1277 = arith.constant 5 : index
    %get3A_1278 = memref.load %arg2[%get3A_1275, %get3A_1276, %get3A_1277] : memref<4x4x11xf32, #tpu.memory_space<smem>>
    %mul3A_1279 = vector.broadcast %get3A_1278 : f32 to vector<40x298xf32>
    %mul3A_1280 = arith.mulf %mul3A_1279, %get3A_1253 : vector<40x298xf32>
    %add3A_1281 = arith.addf %add3A_1248, %mul3A_1280 : vector<40x298xf32>
    %get3A_1282 = arith.constant 0 : index
    %get3A_1283 = arith.constant 11 : index
    %get3A_1284 = arith.constant 1 : index
    %get3A_1285 = vector.load %arg1[%get3A_1282, %get3A_1283, %get3A_1284] : memref<40x16x301xf32, #tpu.memory_space<vmem>>, vector<40x1x298xf32>
    %get3A_1286 = vector.shape_cast %get3A_1285 : vector<40x1x298xf32> to vector<40x298xf32>
    %get3A_1287 = arith.constant 0 : index
    %get3A_1288 = arith.constant 3 : index
    %get3A_1289 = arith.constant 6 : index
    %get3A_1290 = memref.load %arg2[%get3A_1287, %get3A_1288, %get3A_1289] : memref<4x4x11xf32, #tpu.memory_space<smem>>
    %mul3A_1291 = vector.broadcast %get3A_1290 : f32 to vector<40x298xf32>
    %mul3A_1292 = arith.mulf %mul3A_1291, %get3A_1286 : vector<40x298xf32>
    %add3A_1293 = arith.addf %add3A_1260, %mul3A_1292 : vector<40x298xf32>
    %get3A_1294 = arith.constant 1 : index
    %get3A_1295 = arith.constant 3 : index
    %get3A_1296 = arith.constant 6 : index
    %get3A_1297 = memref.load %arg2[%get3A_1294, %get3A_1295, %get3A_1296] : memref<4x4x11xf32, #tpu.memory_space<smem>>
    %mul3A_1298 = vector.broadcast %get3A_1297 : f32 to vector<40x298xf32>
    %mul3A_1299 = arith.mulf %mul3A_1298, %get3A_1286 : vector<40x298xf32>
    %add3A_1300 = arith.addf %add3A_1267, %mul3A_1299 : vector<40x298xf32>
    %get3A_1301 = arith.constant 2 : index
    %get3A_1302 = arith.constant 3 : index
    %get3A_1303 = arith.constant 6 : index
    %get3A_1304 = memref.load %arg2[%get3A_1301, %get3A_1302, %get3A_1303] : memref<4x4x11xf32, #tpu.memory_space<smem>>
    %mul3A_1305 = vector.broadcast %get3A_1304 : f32 to vector<40x298xf32>
    %mul3A_1306 = arith.mulf %mul3A_1305, %get3A_1286 : vector<40x298xf32>
    %add3A_1307 = arith.addf %add3A_1274, %mul3A_1306 : vector<40x298xf32>
    %get3A_1308 = arith.constant 3 : index
    %get3A_1309 = arith.constant 3 : index
    %get3A_1310 = arith.constant 6 : index
    %get3A_1311 = memref.load %arg2[%get3A_1308, %get3A_1309, %get3A_1310] : memref<4x4x11xf32, #tpu.memory_space<smem>>
    %mul3A_1312 = vector.broadcast %get3A_1311 : f32 to vector<40x298xf32>
    %mul3A_1313 = arith.mulf %mul3A_1312, %get3A_1286 : vector<40x298xf32>
    %add3A_1314 = arith.addf %add3A_1281, %mul3A_1313 : vector<40x298xf32>
    %get3A_1315 = arith.constant 0 : index
    %get3A_1316 = arith.constant 15 : index
    %get3A_1317 = arith.constant 1 : index
    %get3A_1318 = vector.load %arg1[%get3A_1315, %get3A_1316, %get3A_1317] : memref<40x16x301xf32, #tpu.memory_space<vmem>>, vector<40x1x298xf32>
    %get3A_1319 = vector.shape_cast %get3A_1318 : vector<40x1x298xf32> to vector<40x298xf32>
    %get3A_1320 = arith.constant 0 : index
    %get3A_1321 = arith.constant 3 : index
    %get3A_1322 = arith.constant 7 : index
    %get3A_1323 = memref.load %arg2[%get3A_1320, %get3A_1321, %get3A_1322] : memref<4x4x11xf32, #tpu.memory_space<smem>>
    %mul3A_1324 = vector.broadcast %get3A_1323 : f32 to vector<40x298xf32>
    %mul3A_1325 = arith.mulf %mul3A_1324, %get3A_1319 : vector<40x298xf32>
    %add3A_1326 = arith.addf %add3A_1293, %mul3A_1325 : vector<40x298xf32>
    %get3A_1327 = arith.constant 1 : index
    %get3A_1328 = arith.constant 3 : index
    %get3A_1329 = arith.constant 7 : index
    %get3A_1330 = memref.load %arg2[%get3A_1327, %get3A_1328, %get3A_1329] : memref<4x4x11xf32, #tpu.memory_space<smem>>
    %mul3A_1331 = vector.broadcast %get3A_1330 : f32 to vector<40x298xf32>
    %mul3A_1332 = arith.mulf %mul3A_1331, %get3A_1319 : vector<40x298xf32>
    %add3A_1333 = arith.addf %add3A_1300, %mul3A_1332 : vector<40x298xf32>
    %get3A_1334 = arith.constant 2 : index
    %get3A_1335 = arith.constant 3 : index
    %get3A_1336 = arith.constant 7 : index
    %get3A_1337 = memref.load %arg2[%get3A_1334, %get3A_1335, %get3A_1336] : memref<4x4x11xf32, #tpu.memory_space<smem>>
    %mul3A_1338 = vector.broadcast %get3A_1337 : f32 to vector<40x298xf32>
    %mul3A_1339 = arith.mulf %mul3A_1338, %get3A_1319 : vector<40x298xf32>
    %add3A_1340 = arith.addf %add3A_1307, %mul3A_1339 : vector<40x298xf32>
    %get3A_1341 = arith.constant 3 : index
    %get3A_1342 = arith.constant 3 : index
    %get3A_1343 = arith.constant 7 : index
    %get3A_1344 = memref.load %arg2[%get3A_1341, %get3A_1342, %get3A_1343] : memref<4x4x11xf32, #tpu.memory_space<smem>>
    %mul3A_1345 = vector.broadcast %get3A_1344 : f32 to vector<40x298xf32>
    %mul3A_1346 = arith.mulf %mul3A_1345, %get3A_1319 : vector<40x298xf32>
    %add3A_1347 = arith.addf %add3A_1314, %mul3A_1346 : vector<40x298xf32>
    %get3A_1348 = arith.constant 0 : index
    %get3A_1349 = arith.constant 3 : index
    %get3A_1350 = arith.constant 2 : index
    %get3A_1351 = vector.load %arg1[%get3A_1348, %get3A_1349, %get3A_1350] : memref<40x16x301xf32, #tpu.memory_space<vmem>>, vector<40x1x298xf32>
    %get3A_1352 = vector.shape_cast %get3A_1351 : vector<40x1x298xf32> to vector<40x298xf32>
    %get3A_1353 = arith.constant 0 : index
    %get3A_1354 = arith.constant 3 : index
    %get3A_1355 = arith.constant 8 : index
    %get3A_1356 = memref.load %arg2[%get3A_1353, %get3A_1354, %get3A_1355] : memref<4x4x11xf32, #tpu.memory_space<smem>>
    %mul3A_1357 = vector.broadcast %get3A_1356 : f32 to vector<40x298xf32>
    %mul3A_1358 = arith.mulf %mul3A_1357, %get3A_1352 : vector<40x298xf32>
    %add3A_1359 = arith.addf %add3A_1326, %mul3A_1358 : vector<40x298xf32>
    %get3A_1360 = arith.constant 1 : index
    %get3A_1361 = arith.constant 3 : index
    %get3A_1362 = arith.constant 8 : index
    %get3A_1363 = memref.load %arg2[%get3A_1360, %get3A_1361, %get3A_1362] : memref<4x4x11xf32, #tpu.memory_space<smem>>
    %mul3A_1364 = vector.broadcast %get3A_1363 : f32 to vector<40x298xf32>
    %mul3A_1365 = arith.mulf %mul3A_1364, %get3A_1352 : vector<40x298xf32>
    %add3A_1366 = arith.addf %add3A_1333, %mul3A_1365 : vector<40x298xf32>
    %get3A_1367 = arith.constant 2 : index
    %get3A_1368 = arith.constant 3 : index
    %get3A_1369 = arith.constant 8 : index
    %get3A_1370 = memref.load %arg2[%get3A_1367, %get3A_1368, %get3A_1369] : memref<4x4x11xf32, #tpu.memory_space<smem>>
    %mul3A_1371 = vector.broadcast %get3A_1370 : f32 to vector<40x298xf32>
    %mul3A_1372 = arith.mulf %mul3A_1371, %get3A_1352 : vector<40x298xf32>
    %add3A_1373 = arith.addf %add3A_1340, %mul3A_1372 : vector<40x298xf32>
    %get3A_1374 = arith.constant 3 : index
    %get3A_1375 = arith.constant 3 : index
    %get3A_1376 = arith.constant 8 : index
    %get3A_1377 = memref.load %arg2[%get3A_1374, %get3A_1375, %get3A_1376] : memref<4x4x11xf32, #tpu.memory_space<smem>>
    %mul3A_1378 = vector.broadcast %get3A_1377 : f32 to vector<40x298xf32>
    %mul3A_1379 = arith.mulf %mul3A_1378, %get3A_1352 : vector<40x298xf32>
    %add3A_1380 = arith.addf %add3A_1347, %mul3A_1379 : vector<40x298xf32>
    %get3A_1381 = arith.constant 0 : index
    %get3A_1382 = arith.constant 7 : index
    %get3A_1383 = arith.constant 2 : index
    %get3A_1384 = vector.load %arg1[%get3A_1381, %get3A_1382, %get3A_1383] : memref<40x16x301xf32, #tpu.memory_space<vmem>>, vector<40x1x298xf32>
    %get3A_1385 = vector.shape_cast %get3A_1384 : vector<40x1x298xf32> to vector<40x298xf32>
    %get3A_1386 = arith.constant 0 : index
    %get3A_1387 = arith.constant 3 : index
    %get3A_1388 = arith.constant 9 : index
    %get3A_1389 = memref.load %arg2[%get3A_1386, %get3A_1387, %get3A_1388] : memref<4x4x11xf32, #tpu.memory_space<smem>>
    %mul3A_1390 = vector.broadcast %get3A_1389 : f32 to vector<40x298xf32>
    %mul3A_1391 = arith.mulf %mul3A_1390, %get3A_1385 : vector<40x298xf32>
    %add3A_1392 = arith.addf %add3A_1359, %mul3A_1391 : vector<40x298xf32>
    %get3A_1393 = arith.constant 1 : index
    %get3A_1394 = arith.constant 3 : index
    %get3A_1395 = arith.constant 9 : index
    %get3A_1396 = memref.load %arg2[%get3A_1393, %get3A_1394, %get3A_1395] : memref<4x4x11xf32, #tpu.memory_space<smem>>
    %mul3A_1397 = vector.broadcast %get3A_1396 : f32 to vector<40x298xf32>
    %mul3A_1398 = arith.mulf %mul3A_1397, %get3A_1385 : vector<40x298xf32>
    %add3A_1399 = arith.addf %add3A_1366, %mul3A_1398 : vector<40x298xf32>
    %get3A_1400 = arith.constant 2 : index
    %get3A_1401 = arith.constant 3 : index
    %get3A_1402 = arith.constant 9 : index
    %get3A_1403 = memref.load %arg2[%get3A_1400, %get3A_1401, %get3A_1402] : memref<4x4x11xf32, #tpu.memory_space<smem>>
    %mul3A_1404 = vector.broadcast %get3A_1403 : f32 to vector<40x298xf32>
    %mul3A_1405 = arith.mulf %mul3A_1404, %get3A_1385 : vector<40x298xf32>
    %add3A_1406 = arith.addf %add3A_1373, %mul3A_1405 : vector<40x298xf32>
    %get3A_1407 = arith.constant 3 : index
    %get3A_1408 = arith.constant 3 : index
    %get3A_1409 = arith.constant 9 : index
    %get3A_1410 = memref.load %arg2[%get3A_1407, %get3A_1408, %get3A_1409] : memref<4x4x11xf32, #tpu.memory_space<smem>>
    %mul3A_1411 = vector.broadcast %get3A_1410 : f32 to vector<40x298xf32>
    %mul3A_1412 = arith.mulf %mul3A_1411, %get3A_1385 : vector<40x298xf32>
    %add3A_1413 = arith.addf %add3A_1380, %mul3A_1412 : vector<40x298xf32>
    %get3A_1414 = arith.constant 0 : index
    %get3A_1415 = arith.constant 11 : index
    %get3A_1416 = arith.constant 2 : index
    %get3A_1417 = vector.load %arg1[%get3A_1414, %get3A_1415, %get3A_1416] : memref<40x16x301xf32, #tpu.memory_space<vmem>>, vector<40x1x298xf32>
    %get3A_1418 = vector.shape_cast %get3A_1417 : vector<40x1x298xf32> to vector<40x298xf32>
    %get3A_1419 = arith.constant 0 : index
    %get3A_1420 = arith.constant 3 : index
    %get3A_1421 = arith.constant 10 : index
    %get3A_1422 = memref.load %arg2[%get3A_1419, %get3A_1420, %get3A_1421] : memref<4x4x11xf32, #tpu.memory_space<smem>>
    %mul3A_1423 = vector.broadcast %get3A_1422 : f32 to vector<40x298xf32>
    %mul3A_1424 = arith.mulf %mul3A_1423, %get3A_1418 : vector<40x298xf32>
    %add3A_1425 = arith.addf %add3A_1392, %mul3A_1424 : vector<40x298xf32>
    %get3A_1426 = arith.constant 1 : index
    %get3A_1427 = arith.constant 3 : index
    %get3A_1428 = arith.constant 10 : index
    %get3A_1429 = memref.load %arg2[%get3A_1426, %get3A_1427, %get3A_1428] : memref<4x4x11xf32, #tpu.memory_space<smem>>
    %mul3A_1430 = vector.broadcast %get3A_1429 : f32 to vector<40x298xf32>
    %mul3A_1431 = arith.mulf %mul3A_1430, %get3A_1418 : vector<40x298xf32>
    %add3A_1432 = arith.addf %add3A_1399, %mul3A_1431 : vector<40x298xf32>
    %get3A_1433 = arith.constant 2 : index
    %get3A_1434 = arith.constant 3 : index
    %get3A_1435 = arith.constant 10 : index
    %get3A_1436 = memref.load %arg2[%get3A_1433, %get3A_1434, %get3A_1435] : memref<4x4x11xf32, #tpu.memory_space<smem>>
    %mul3A_1437 = vector.broadcast %get3A_1436 : f32 to vector<40x298xf32>
    %mul3A_1438 = arith.mulf %mul3A_1437, %get3A_1418 : vector<40x298xf32>
    %add3A_1439 = arith.addf %add3A_1406, %mul3A_1438 : vector<40x298xf32>
    %get3A_1440 = arith.constant 3 : index
    %get3A_1441 = arith.constant 3 : index
    %get3A_1442 = arith.constant 10 : index
    %get3A_1443 = memref.load %arg2[%get3A_1440, %get3A_1441, %get3A_1442] : memref<4x4x11xf32, #tpu.memory_space<smem>>
    %mul3A_1444 = vector.broadcast %get3A_1443 : f32 to vector<40x298xf32>
    %mul3A_1445 = arith.mulf %mul3A_1444, %get3A_1418 : vector<40x298xf32>
    %add3A_1446 = arith.addf %add3A_1413, %mul3A_1445 : vector<40x298xf32>
    %get3A_1447 = arith.constant 0 : index
    %get3A_1448 = memref.load %arg3[%get3A_1447] : memref<4xf32, #tpu.memory_space<smem>>
    %add3A_1449 = vector.broadcast %get3A_1448 : f32 to vector<40x298xf32>
    %add3A_1450 = arith.addf %add3A_1425, %add3A_1449 : vector<40x298xf32>
    %swap3A = arith.constant 0 : index
    %swap3A_1451 = arith.constant 0 : index
    %swap3A_1452 = arith.constant 0 : index
    %swap3A_1453 = vector.load %arg4[%swap3A, %swap3A_1451, %swap3A_1452] : memref<40x4x300xf32, #tpu.memory_space<vmem>>, vector<40x1x298xf32>
    %swap3A_1454 = vector.shape_cast %swap3A_1453 : vector<40x1x298xf32> to vector<40x298xf32>
    %swap3A_1455 = vector.shape_cast %add3A_1450 : vector<40x298xf32> to vector<40x1x298xf32>
    tpu.vector_store %arg4[%swap3A, %swap3A_1451, %swap3A_1452], %swap3A_1455 {strides = array<i32>} : memref<40x4x300xf32, #tpu.memory_space<vmem>>, vector<40x1x298xf32>,
    %broadcast_in_dim3A = arith.constant 0.000000e+00 : f32
    %broadcast_in_dim3A_1456 = vector.broadcast %broadcast_in_dim3A : f32 to vector<40x2xf32>
    %swap3A_1457 = arith.constant 0 : index
    %swap3A_1458 = arith.constant 0 : index
    %swap3A_1459 = arith.constant 298 : index
    %swap3A_1460 = vector.load %arg4[%swap3A_1457, %swap3A_1458, %swap3A_1459] : memref<40x4x300xf32, #tpu.memory_space<vmem>>, vector<40x1x2xf32>
    %swap3A_1461 = vector.shape_cast %swap3A_1460 : vector<40x1x2xf32> to vector<40x2xf32>
    %swap3A_1462 = vector.shape_cast %broadcast_in_dim3A_1456 : vector<40x2xf32> to vector<40x1x2xf32>
    tpu.vector_store %arg4[%swap3A_1457, %swap3A_1458, %swap3A_1459], %swap3A_1462 {strides = array<i32>} : memref<40x4x300xf32, #tpu.memory_space<vmem>>, vector<40x1x2xf32>,
    %get3A_1463 = arith.constant 0 : index
    %get3A_1464 = arith.constant 0 : index
    %get3A_1465 = vector.load %arg5[%get3A_1463, %get3A_1464] : memref<8x298xf32, #tpu.memory_space<vmem>>, vector<1x298xf32>
    %get3A_1466 = vector.shape_cast %get3A_1465 : vector<1x298xf32> to vector<298xf32>
    %reduce_sum3A = arith.constant dense<0.000000e+00> : vector<298xf32>
    %reduce_sum3A_1467 = vector.multi_reduction <add>, %add3A_1450, %reduce_sum3A [0] : vector<40x298xf32> to vector<298xf32>
    %add3A_1468 = arith.addf %get3A_1466, %reduce_sum3A_1467 : vector<298xf32>
    %swap3A_1469 = arith.constant 0 : index
    %swap3A_1470 = arith.constant 0 : index
    %swap3A_1471 = vector.load %arg5[%swap3A_1469, %swap3A_1470] : memref<8x298xf32, #tpu.memory_space<vmem>>, vector<1x298xf32>
    %swap3A_1472 = vector.shape_cast %swap3A_1471 : vector<1x298xf32> to vector<298xf32>
    %swap3A_1473 = vector.shape_cast %add3A_1468 : vector<298xf32> to vector<1x298xf32>
    tpu.vector_store %arg5[%swap3A_1469, %swap3A_1470], %swap3A_1473 {strides = array<i32>} : memref<8x298xf32, #tpu.memory_space<vmem>>, vector<1x298xf32>,
    %get3A_1474 = arith.constant 4 : index
    %get3A_1475 = arith.constant 0 : index
    %get3A_1476 = vector.load %arg5[%get3A_1474, %get3A_1475] : memref<8x298xf32, #tpu.memory_space<vmem>>, vector<1x298xf32>
    %get3A_1477 = vector.shape_cast %get3A_1476 : vector<1x298xf32> to vector<298xf32>
    %mul3A_1478 = arith.mulf %add3A_1450, %add3A_1450 : vector<40x298xf32>
    %reduce_sum3A_1479 = arith.constant dense<0.000000e+00> : vector<298xf32>
    %reduce_sum3A_1480 = vector.multi_reduction <add>, %mul3A_1478, %reduce_sum3A_1479 [0] : vector<40x298xf32> to vector<298xf32>
    %add3A_1481 = arith.addf %get3A_1477, %reduce_sum3A_1480 : vector<298xf32>
    %swap3A_1482 = arith.constant 4 : index
    %swap3A_1483 = arith.constant 0 : index
    %swap3A_1484 = vector.load %arg5[%swap3A_1482, %swap3A_1483] : memref<8x298xf32, #tpu.memory_space<vmem>>, vector<1x298xf32>
    %swap3A_1485 = vector.shape_cast %swap3A_1484 : vector<1x298xf32> to vector<298xf32>
    %swap3A_1486 = vector.shape_cast %add3A_1481 : vector<298xf32> to vector<1x298xf32>
    tpu.vector_store %arg5[%swap3A_1482, %swap3A_1483], %swap3A_1486 {strides = array<i32>} : memref<8x298xf32, #tpu.memory_space<vmem>>, vector<1x298xf32>,
    %get3A_1487 = arith.constant 1 : index
    %get3A_1488 = memref.load %arg3[%get3A_1487] : memref<4xf32, #tpu.memory_space<smem>>
    %add3A_1489 = vector.broadcast %get3A_1488 : f32 to vector<40x298xf32>
    %add3A_1490 = arith.addf %add3A_1432, %add3A_1489 : vector<40x298xf32>
    %swap3A_1491 = arith.constant 0 : index
    %swap3A_1492 = arith.constant 1 : index
    %swap3A_1493 = arith.constant 0 : index
    %swap3A_1494 = vector.load %arg4[%swap3A_1491, %swap3A_1492, %swap3A_1493] : memref<40x4x300xf32, #tpu.memory_space<vmem>>, vector<40x1x298xf32>
    %swap3A_1495 = vector.shape_cast %swap3A_1494 : vector<40x1x298xf32> to vector<40x298xf32>
    %swap3A_1496 = vector.shape_cast %add3A_1490 : vector<40x298xf32> to vector<40x1x298xf32>
    tpu.vector_store %arg4[%swap3A_1491, %swap3A_1492, %swap3A_1493], %swap3A_1496 {strides = array<i32>} : memref<40x4x300xf32, #tpu.memory_space<vmem>>, vector<40x1x298xf32>,
    %broadcast_in_dim3A_1497 = arith.constant 0.000000e+00 : f32
    %broadcast_in_dim3A_1498 = vector.broadcast %broadcast_in_dim3A_1497 : f32 to vector<40x2xf32>
    %swap3A_1499 = arith.constant 0 : index
    %swap3A_1500 = arith.constant 1 : index
    %swap3A_1501 = arith.constant 298 : index
    %swap3A_1502 = vector.load %arg4[%swap3A_1499, %swap3A_1500, %swap3A_1501] : memref<40x4x300xf32, #tpu.memory_space<vmem>>, vector<40x1x2xf32>
    %swap3A_1503 = vector.shape_cast %swap3A_1502 : vector<40x1x2xf32> to vector<40x2xf32>
    %swap3A_1504 = vector.shape_cast %broadcast_in_dim3A_1498 : vector<40x2xf32> to vector<40x1x2xf32>
    tpu.vector_store %arg4[%swap3A_1499, %swap3A_1500, %swap3A_1501], %swap3A_1504 {strides = array<i32>} : memref<40x4x300xf32, #tpu.memory_space<vmem>>, vector<40x1x2xf32>,
    %get3A_1505 = arith.constant 1 : index
    %get3A_1506 = arith.constant 0 : index
    %get3A_1507 = vector.load %arg5[%get3A_1505, %get3A_1506] : memref<8x298xf32, #tpu.memory_space<vmem>>, vector<1x298xf32>
    %get3A_1508 = vector.shape_cast %get3A_1507 : vector<1x298xf32> to vector<298xf32>
    %reduce_sum3A_1509 = arith.constant dense<0.000000e+00> : vector<298xf32>
    %reduce_sum3A_1510 = vector.multi_reduction <add>, %add3A_1490, %reduce_sum3A_1509 [0] : vector<40x298xf32> to vector<298xf32>
    %add3A_1511 = arith.addf %get3A_1508, %reduce_sum3A_1510 : vector<298xf32>
    %swap3A_1512 = arith.constant 1 : index
    %swap3A_1513 = arith.constant 0 : index
    %swap3A_1514 = vector.load %arg5[%swap3A_1512, %swap3A_1513] : memref<8x298xf32, #tpu.memory_space<vmem>>, vector<1x298xf32>
    %swap3A_1515 = vector.shape_cast %swap3A_1514 : vector<1x298xf32> to vector<298xf32>
    %swap3A_1516 = vector.shape_cast %add3A_1511 : vector<298xf32> to vector<1x298xf32>
    tpu.vector_store %arg5[%swap3A_1512, %swap3A_1513], %swap3A_1516 {strides = array<i32>} : memref<8x298xf32, #tpu.memory_space<vmem>>, vector<1x298xf32>,
    %get3A_1517 = arith.constant 5 : index
    %get3A_1518 = arith.constant 0 : index
    %get3A_1519 = vector.load %arg5[%get3A_1517, %get3A_1518] : memref<8x298xf32, #tpu.memory_space<vmem>>, vector<1x298xf32>
    %get3A_1520 = vector.shape_cast %get3A_1519 : vector<1x298xf32> to vector<298xf32>
    %mul3A_1521 = arith.mulf %add3A_1490, %add3A_1490 : vector<40x298xf32>
    %reduce_sum3A_1522 = arith.constant dense<0.000000e+00> : vector<298xf32>
    %reduce_sum3A_1523 = vector.multi_reduction <add>, %mul3A_1521, %reduce_sum3A_1522 [0] : vector<40x298xf32> to vector<298xf32>
    %add3A_1524 = arith.addf %get3A_1520, %reduce_sum3A_1523 : vector<298xf32>
    %swap3A_1525 = arith.constant 5 : index
    %swap3A_1526 = arith.constant 0 : index
    %swap3A_1527 = vector.load %arg5[%swap3A_1525, %swap3A_1526] : memref<8x298xf32, #tpu.memory_space<vmem>>, vector<1x298xf32>
    %swap3A_1528 = vector.shape_cast %swap3A_1527 : vector<1x298xf32> to vector<298xf32>
    %swap3A_1529 = vector.shape_cast %add3A_1524 : vector<298xf32> to vector<1x298xf32>
    tpu.vector_store %arg5[%swap3A_1525, %swap3A_1526], %swap3A_1529 {strides = array<i32>} : memref<8x298xf32, #tpu.memory_space<vmem>>, vector<1x298xf32>,
    %get3A_1530 = arith.constant 2 : index
    %get3A_1531 = memref.load %arg3[%get3A_1530] : memref<4xf32, #tpu.memory_space<smem>>
    %add3A_1532 = vector.broadcast %get3A_1531 : f32 to vector<40x298xf32>
    %add3A_1533 = arith.addf %add3A_1439, %add3A_1532 : vector<40x298xf32>
    %swap3A_1534 = arith.constant 0 : index
    %swap3A_1535 = arith.constant 2 : index
    %swap3A_1536 = arith.constant 0 : index
    %swap3A_1537 = vector.load %arg4[%swap3A_1534, %swap3A_1535, %swap3A_1536] : memref<40x4x300xf32, #tpu.memory_space<vmem>>, vector<40x1x298xf32>
    %swap3A_1538 = vector.shape_cast %swap3A_1537 : vector<40x1x298xf32> to vector<40x298xf32>
    %swap3A_1539 = vector.shape_cast %add3A_1533 : vector<40x298xf32> to vector<40x1x298xf32>
    tpu.vector_store %arg4[%swap3A_1534, %swap3A_1535, %swap3A_1536], %swap3A_1539 {strides = array<i32>} : memref<40x4x300xf32, #tpu.memory_space<vmem>>, vector<40x1x298xf32>,
    %broadcast_in_dim3A_1540 = arith.constant 0.000000e+00 : f32
    %broadcast_in_dim3A_1541 = vector.broadcast %broadcast_in_dim3A_1540 : f32 to vector<40x2xf32>
    %swap3A_1542 = arith.constant 0 : index
    %swap3A_1543 = arith.constant 2 : index
    %swap3A_1544 = arith.constant 298 : index
    %swap3A_1545 = vector.load %arg4[%swap3A_1542, %swap3A_1543, %swap3A_1544] : memref<40x4x300xf32, #tpu.memory_space<vmem>>, vector<40x1x2xf32>
    %swap3A_1546 = vector.shape_cast %swap3A_1545 : vector<40x1x2xf32> to vector<40x2xf32>
    %swap3A_1547 = vector.shape_cast %broadcast_in_dim3A_1541 : vector<40x2xf32> to vector<40x1x2xf32>
    tpu.vector_store %arg4[%swap3A_1542, %swap3A_1543, %swap3A_1544], %swap3A_1547 {strides = array<i32>} : memref<40x4x300xf32, #tpu.memory_space<vmem>>, vector<40x1x2xf32>,
    %get3A_1548 = arith.constant 2 : index
    %get3A_1549 = arith.constant 0 : index
    %get3A_1550 = vector.load %arg5[%get3A_1548, %get3A_1549] : memref<8x298xf32, #tpu.memory_space<vmem>>, vector<1x298xf32>
    %get3A_1551 = vector.shape_cast %get3A_1550 : vector<1x298xf32> to vector<298xf32>
    %reduce_sum3A_1552 = arith.constant dense<0.000000e+00> : vector<298xf32>
    %reduce_sum3A_1553 = vector.multi_reduction <add>, %add3A_1533, %reduce_sum3A_1552 [0] : vector<40x298xf32> to vector<298xf32>
    %add3A_1554 = arith.addf %get3A_1551, %reduce_sum3A_1553 : vector<298xf32>
    %swap3A_1555 = arith.constant 2 : index
    %swap3A_1556 = arith.constant 0 : index
    %swap3A_1557 = vector.load %arg5[%swap3A_1555, %swap3A_1556] : memref<8x298xf32, #tpu.memory_space<vmem>>, vector<1x298xf32>
    %swap3A_1558 = vector.shape_cast %swap3A_1557 : vector<1x298xf32> to vector<298xf32>
    %swap3A_1559 = vector.shape_cast %add3A_1554 : vector<298xf32> to vector<1x298xf32>
    tpu.vector_store %arg5[%swap3A_1555, %swap3A_1556], %swap3A_1559 {strides = array<i32>} : memref<8x298xf32, #tpu.memory_space<vmem>>, vector<1x298xf32>,
    %get3A_1560 = arith.constant 6 : index
    %get3A_1561 = arith.constant 0 : index
    %get3A_1562 = vector.load %arg5[%get3A_1560, %get3A_1561] : memref<8x298xf32, #tpu.memory_space<vmem>>, vector<1x298xf32>
    %get3A_1563 = vector.shape_cast %get3A_1562 : vector<1x298xf32> to vector<298xf32>
    %mul3A_1564 = arith.mulf %add3A_1533, %add3A_1533 : vector<40x298xf32>
    %reduce_sum3A_1565 = arith.constant dense<0.000000e+00> : vector<298xf32>
    %reduce_sum3A_1566 = vector.multi_reduction <add>, %mul3A_1564, %reduce_sum3A_1565 [0] : vector<40x298xf32> to vector<298xf32>
    %add3A_1567 = arith.addf %get3A_1563, %reduce_sum3A_1566 : vector<298xf32>
    %swap3A_1568 = arith.constant 6 : index
    %swap3A_1569 = arith.constant 0 : index
    %swap3A_1570 = vector.load %arg5[%swap3A_1568, %swap3A_1569] : memref<8x298xf32, #tpu.memory_space<vmem>>, vector<1x298xf32>
    %swap3A_1571 = vector.shape_cast %swap3A_1570 : vector<1x298xf32> to vector<298xf32>
    %swap3A_1572 = vector.shape_cast %add3A_1567 : vector<298xf32> to vector<1x298xf32>
    tpu.vector_store %arg5[%swap3A_1568, %swap3A_1569], %swap3A_1572 {strides = array<i32>} : memref<8x298xf32, #tpu.memory_space<vmem>>, vector<1x298xf32>,
    %get3A_1573 = arith.constant 3 : index
    %get3A_1574 = memref.load %arg3[%get3A_1573] : memref<4xf32, #tpu.memory_space<smem>>
    %add3A_1575 = vector.broadcast %get3A_1574 : f32 to vector<40x298xf32>
    %add3A_1576 = arith.addf %add3A_1446, %add3A_1575 : vector<40x298xf32>
    %swap3A_1577 = arith.constant 0 : index
    %swap3A_1578 = arith.constant 3 : index
    %swap3A_1579 = arith.constant 0 : index
    %swap3A_1580 = vector.load %arg4[%swap3A_1577, %swap3A_1578, %swap3A_1579] : memref<40x4x300xf32, #tpu.memory_space<vmem>>, vector<40x1x298xf32>
    %swap3A_1581 = vector.shape_cast %swap3A_1580 : vector<40x1x298xf32> to vector<40x298xf32>
    %swap3A_1582 = vector.shape_cast %add3A_1576 : vector<40x298xf32> to vector<40x1x298xf32>
    tpu.vector_store %arg4[%swap3A_1577, %swap3A_1578, %swap3A_1579], %swap3A_1582 {strides = array<i32>} : memref<40x4x300xf32, #tpu.memory_space<vmem>>, vector<40x1x298xf32>,
    %broadcast_in_dim3A_1583 = arith.constant 0.000000e+00 : f32
    %broadcast_in_dim3A_1584 = vector.broadcast %broadcast_in_dim3A_1583 : f32 to vector<40x2xf32>
    %swap3A_1585 = arith.constant 0 : index
    %swap3A_1586 = arith.constant 3 : index
    %swap3A_1587 = arith.constant 298 : index
    %swap3A_1588 = vector.load %arg4[%swap3A_1585, %swap3A_1586, %swap3A_1587] : memref<40x4x300xf32, #tpu.memory_space<vmem>>, vector<40x1x2xf32>
    %swap3A_1589 = vector.shape_cast %swap3A_1588 : vector<40x1x2xf32> to vector<40x2xf32>
    %swap3A_1590 = vector.shape_cast %broadcast_in_dim3A_1584 : vector<40x2xf32> to vector<40x1x2xf32>
    tpu.vector_store %arg4[%swap3A_1585, %swap3A_1586, %swap3A_1587], %swap3A_1590 {strides = array<i32>} : memref<40x4x300xf32, #tpu.memory_space<vmem>>, vector<40x1x2xf32>,
    %get3A_1591 = arith.constant 3 : index
    %get3A_1592 = arith.constant 0 : index
    %get3A_1593 = vector.load %arg5[%get3A_1591, %get3A_1592] : memref<8x298xf32, #tpu.memory_space<vmem>>, vector<1x298xf32>
    %get3A_1594 = vector.shape_cast %get3A_1593 : vector<1x298xf32> to vector<298xf32>
    %reduce_sum3A_1595 = arith.constant dense<0.000000e+00> : vector<298xf32>
    %reduce_sum3A_1596 = vector.multi_reduction <add>, %add3A_1576, %reduce_sum3A_1595 [0] : vector<40x298xf32> to vector<298xf32>
    %add3A_1597 = arith.addf %get3A_1594, %reduce_sum3A_1596 : vector<298xf32>
    %swap3A_1598 = arith.constant 3 : index
    %swap3A_1599 = arith.constant 0 : index
    %swap3A_1600 = vector.load %arg5[%swap3A_1598, %swap3A_1599] : memref<8x298xf32, #tpu.memory_space<vmem>>, vector<1x298xf32>
    %swap3A_1601 = vector.shape_cast %swap3A_1600 : vector<1x298xf32> to vector<298xf32>
    %swap3A_1602 = vector.shape_cast %add3A_1597 : vector<298xf32> to vector<1x298xf32>
    tpu.vector_store %arg5[%swap3A_1598, %swap3A_1599], %swap3A_1602 {strides = array<i32>} : memref<8x298xf32, #tpu.memory_space<vmem>>, vector<1x298xf32>,
    %get3A_1603 = arith.constant 7 : index
    %get3A_1604 = arith.constant 0 : index
    %get3A_1605 = vector.load %arg5[%get3A_1603, %get3A_1604] : memref<8x298xf32, #tpu.memory_space<vmem>>, vector<1x298xf32>
    %get3A_1606 = vector.shape_cast %get3A_1605 : vector<1x298xf32> to vector<298xf32>
    %mul3A_1607 = arith.mulf %add3A_1576, %add3A_1576 : vector<40x298xf32>
    %reduce_sum3A_1608 = arith.constant dense<0.000000e+00> : vector<298xf32>
    %reduce_sum3A_1609 = vector.multi_reduction <add>, %mul3A_1607, %reduce_sum3A_1608 [0] : vector<40x298xf32> to vector<298xf32>
    %add3A_1610 = arith.addf %get3A_1606, %reduce_sum3A_1609 : vector<298xf32>
    %swap3A_1611 = arith.constant 7 : index
    %swap3A_1612 = arith.constant 0 : index
    %swap3A_1613 = vector.load %arg5[%swap3A_1611, %swap3A_1612] : memref<8x298xf32, #tpu.memory_space<vmem>>, vector<1x298xf32>
    %swap3A_1614 = vector.shape_cast %swap3A_1613 : vector<1x298xf32> to vector<298xf32>
    %swap3A_1615 = vector.shape_cast %add3A_1610 : vector<298xf32> to vector<1x298xf32>
    tpu.vector_store %arg5[%swap3A_1611, %swap3A_1612], %swap3A_1615 {strides = array<i32>} : memref<8x298xf32, #tpu.memory_space<vmem>>, vector<1x298xf32>,
    return
  }
  func.func @transform_0(%arg0: i32) -> (i32, i32, i32) {
    %c0_i32 = arith.constant 0 : i32
    %c0_i32_0 = arith.constant 0 : i32
    %c0_i32_1 = arith.constant 0 : i32
    return %arg0, %c0_i32, %c0_i32_0 : i32, i32, i32
  }
  func.func @transform_1(%arg0: i32) -> (i32, i32, i32) {
    %c0_i32 = arith.constant 0 : i32
    %c0_i32_0 = arith.constant 0 : i32
    %c0_i32_1 = arith.constant 0 : i32
    %c0_i32_2 = arith.constant 0 : i32
    return %c0_i32, %c0_i32_0, %c0_i32_1 : i32, i32, i32
  }
  func.func @transform_2(%arg0: i32) -> i32 {
    %c0_i32 = arith.constant 0 : i32
    %c0_i32_0 = arith.constant 0 : i32
    return %c0_i32 : i32
  }
  func.func @transform_3(%arg0: i32) -> (i32, i32, i32) {
    %c0_i32 = arith.constant 0 : i32
    %c0_i32_0 = arith.constant 0 : i32
    %c0_i32_1 = arith.constant 0 : i32
    return %arg0, %c0_i32, %c0_i32_0 : i32, i32, i32
  }
  func.func @transform_4(%arg0: i32) -> (i32, i32) {
    %c0_i32 = arith.constant 0 : i32
    %c0_i32_0 = arith.constant 0 : i32
    %c0_i32_1 = arith.constant 0 : i32
    return %c0_i32, %c0_i32_0 : i32, i32
  }
}

module attributes {stable_mosaic.version = 14 : i64} {
  func.func @_conv3_body(%arg0: i32, %arg1: memref<40x4x300xf32, #tpu.memory_space<vmem>>, %arg2: memref<4x298x48xf32, #tpu.memory_space<vmem>>, %arg3: memref<9xf32, #tpu.memory_space<smem>>, %arg4: memref<40x48xf32, #tpu.memory_space<vmem>>, %arg5: memref<2x48xf32, #tpu.memory_space<vmem>>) attributes {dimension_semantics = [#tpu.dimension_semantics<arbitrary>], iteration_bounds = array<i64: 250>, scalar_prefetch = 0 : i64, scratch_operands = 0 : i64, tpu.core_type = #tpu.core_type<tc>, window_params = [{transform_indices = @transform_0, window_bounds = array<i64: 40, 4, 300>}, {pipeline_mode = #tpu.pipeline_mode<synchronous>, transform_indices = @transform_1, window_bounds = array<i64: 4, 298, 48>}, {transform_indices = @transform_2, window_bounds = array<i64: 9>}, {transform_indices = @transform_3, window_bounds = array<i64: 40, 48>}, {pipeline_mode = #tpu.pipeline_mode<synchronous>, transform_indices = @transform_4, window_bounds = array<i64: 2, 48>}]} {
    %eq3A = arith.constant 0 : i32
    %eq3A_0 = arith.cmpi eq, %arg0, %eq3A : i32
    %convert_element_type3A = arith.extui %eq3A_0 : i1 to i32
    %cond3A = arith.constant 0 : i32
    %cond3A_1 = arith.cmpi ne, %convert_element_type3A, %cond3A : i32
    scf.if %cond3A_1 {
      %broadcast_in_dim3A = arith.constant 0.000000e+00 : f32
      %broadcast_in_dim3A_125 = vector.broadcast %broadcast_in_dim3A : f32 to vector<2x48xf32>
      %swap3A_126 = arith.constant 0 : index
      %swap3A_127 = arith.constant 0 : index
      %swap3A_128 = vector.load %arg5[%swap3A_126, %swap3A_127] : memref<2x48xf32, #tpu.memory_space<vmem>>, vector<2x48xf32>
      tpu.vector_store %arg5[%swap3A_126, %swap3A_127], %broadcast_in_dim3A_125 {strides = array<i32>} : memref<2x48xf32, #tpu.memory_space<vmem>>, vector<2x48xf32>,
    } else {
    }
    %get3A = arith.constant 0 : index
    %get3A_2 = memref.load %arg3[%get3A] : memref<9xf32, #tpu.memory_space<smem>>
    %get3A_3 = arith.constant 0 : index
    %get3A_4 = arith.constant 0 : index
    %get3A_5 = arith.constant 0 : index
    %get3A_6 = vector.load %arg1[%get3A_3, %get3A_4, %get3A_5] : memref<40x4x300xf32, #tpu.memory_space<vmem>>, vector<40x1x300xf32>
    %get3A_7 = vector.shape_cast %get3A_6 : vector<40x1x300xf32> to vector<40x300xf32>
    %mul3A = vector.broadcast %get3A_2 : f32 to vector<40x300xf32>
    %mul3A_8 = arith.mulf %mul3A, %get3A_7 : vector<40x300xf32>
    %get3A_9 = arith.constant 4 : index
    %get3A_10 = memref.load %arg3[%get3A_9] : memref<9xf32, #tpu.memory_space<smem>>
    %add3A = vector.broadcast %get3A_10 : f32 to vector<40x300xf32>
    %add3A_11 = arith.addf %mul3A_8, %add3A : vector<40x300xf32>
    %max3A = arith.constant 0.000000e+00 : f32
    %max3A_12 = vector.broadcast %max3A : f32 to vector<40x300xf32>
    %max3A_13 = arith.maximumf %add3A_11, %max3A_12 : vector<40x300xf32>
    %slice3A = vector.extract_strided_slice %max3A_13 {offsets = [0, 0], sizes = [40, 298], strides = [1, 1]} : vector<40x300xf32> to vector<40x298xf32>
    %get3A_14 = arith.constant 0 : index
    %get3A_15 = arith.constant 0 : index
    %get3A_16 = arith.constant 0 : index
    %get3A_17 = vector.load %arg2[%get3A_14, %get3A_15, %get3A_16] : memref<4x298x48xf32, #tpu.memory_space<vmem>>, vector<1x298x48xf32>
    %get3A_18 = vector.shape_cast %get3A_17 : vector<1x298x48xf32> to vector<298x48xf32>
    %dot_general3A = arith.constant dense<0.000000e+00> : vector<40x48xf32>
    %dot_general3A_19 = tpu.matmul %slice3A, %get3A_18, %dot_general3A {dimension_numbers = #tpu.dot_dimension_numbers<[1], [0], [0], [1], [0, 0, 1, 1], [], []>, transpose_lhs_hint = false} : vector<40x298xf32>, vector<298x48xf32>, vector<40x48xf32> -> vector<40x48xf32>
    %get3A_20 = arith.constant 1 : index
    %get3A_21 = memref.load %arg3[%get3A_20] : memref<9xf32, #tpu.memory_space<smem>>
    %get3A_22 = arith.constant 0 : index
    %get3A_23 = arith.constant 1 : index
    %get3A_24 = arith.constant 0 : index
    %get3A_25 = vector.load %arg1[%get3A_22, %get3A_23, %get3A_24] : memref<40x4x300xf32, #tpu.memory_space<vmem>>, vector<40x1x300xf32>
    %get3A_26 = vector.shape_cast %get3A_25 : vector<40x1x300xf32> to vector<40x300xf32>
    %mul3A_27 = vector.broadcast %get3A_21 : f32 to vector<40x300xf32>
    %mul3A_28 = arith.mulf %mul3A_27, %get3A_26 : vector<40x300xf32>
    %get3A_29 = arith.constant 5 : index
    %get3A_30 = memref.load %arg3[%get3A_29] : memref<9xf32, #tpu.memory_space<smem>>
    %add3A_31 = vector.broadcast %get3A_30 : f32 to vector<40x300xf32>
    %add3A_32 = arith.addf %mul3A_28, %add3A_31 : vector<40x300xf32>
    %max3A_33 = arith.constant 0.000000e+00 : f32
    %max3A_34 = vector.broadcast %max3A_33 : f32 to vector<40x300xf32>
    %max3A_35 = arith.maximumf %add3A_32, %max3A_34 : vector<40x300xf32>
    %slice3A_36 = vector.extract_strided_slice %max3A_35 {offsets = [0, 0], sizes = [40, 298], strides = [1, 1]} : vector<40x300xf32> to vector<40x298xf32>
    %get3A_37 = arith.constant 1 : index
    %get3A_38 = arith.constant 0 : index
    %get3A_39 = arith.constant 0 : index
    %get3A_40 = vector.load %arg2[%get3A_37, %get3A_38, %get3A_39] : memref<4x298x48xf32, #tpu.memory_space<vmem>>, vector<1x298x48xf32>
    %get3A_41 = vector.shape_cast %get3A_40 : vector<1x298x48xf32> to vector<298x48xf32>
    %dot_general3A_42 = arith.constant dense<0.000000e+00> : vector<40x48xf32>
    %dot_general3A_43 = tpu.matmul %slice3A_36, %get3A_41, %dot_general3A_42 {dimension_numbers = #tpu.dot_dimension_numbers<[1], [0], [0], [1], [0, 0, 1, 1], [], []>, transpose_lhs_hint = false} : vector<40x298xf32>, vector<298x48xf32>, vector<40x48xf32> -> vector<40x48xf32>
    %add3A_44 = arith.addf %dot_general3A_19, %dot_general3A_43 : vector<40x48xf32>
    %get3A_45 = arith.constant 2 : index
    %get3A_46 = memref.load %arg3[%get3A_45] : memref<9xf32, #tpu.memory_space<smem>>
    %get3A_47 = arith.constant 0 : index
    %get3A_48 = arith.constant 2 : index
    %get3A_49 = arith.constant 0 : index
    %get3A_50 = vector.load %arg1[%get3A_47, %get3A_48, %get3A_49] : memref<40x4x300xf32, #tpu.memory_space<vmem>>, vector<40x1x300xf32>
    %get3A_51 = vector.shape_cast %get3A_50 : vector<40x1x300xf32> to vector<40x300xf32>
    %mul3A_52 = vector.broadcast %get3A_46 : f32 to vector<40x300xf32>
    %mul3A_53 = arith.mulf %mul3A_52, %get3A_51 : vector<40x300xf32>
    %get3A_54 = arith.constant 6 : index
    %get3A_55 = memref.load %arg3[%get3A_54] : memref<9xf32, #tpu.memory_space<smem>>
    %add3A_56 = vector.broadcast %get3A_55 : f32 to vector<40x300xf32>
    %add3A_57 = arith.addf %mul3A_53, %add3A_56 : vector<40x300xf32>
    %max3A_58 = arith.constant 0.000000e+00 : f32
    %max3A_59 = vector.broadcast %max3A_58 : f32 to vector<40x300xf32>
    %max3A_60 = arith.maximumf %add3A_57, %max3A_59 : vector<40x300xf32>
    %slice3A_61 = vector.extract_strided_slice %max3A_60 {offsets = [0, 0], sizes = [40, 298], strides = [1, 1]} : vector<40x300xf32> to vector<40x298xf32>
    %get3A_62 = arith.constant 2 : index
    %get3A_63 = arith.constant 0 : index
    %get3A_64 = arith.constant 0 : index
    %get3A_65 = vector.load %arg2[%get3A_62, %get3A_63, %get3A_64] : memref<4x298x48xf32, #tpu.memory_space<vmem>>, vector<1x298x48xf32>
    %get3A_66 = vector.shape_cast %get3A_65 : vector<1x298x48xf32> to vector<298x48xf32>
    %dot_general3A_67 = arith.constant dense<0.000000e+00> : vector<40x48xf32>
    %dot_general3A_68 = tpu.matmul %slice3A_61, %get3A_66, %dot_general3A_67 {dimension_numbers = #tpu.dot_dimension_numbers<[1], [0], [0], [1], [0, 0, 1, 1], [], []>, transpose_lhs_hint = false} : vector<40x298xf32>, vector<298x48xf32>, vector<40x48xf32> -> vector<40x48xf32>
    %add3A_69 = arith.addf %add3A_44, %dot_general3A_68 : vector<40x48xf32>
    %get3A_70 = arith.constant 3 : index
    %get3A_71 = memref.load %arg3[%get3A_70] : memref<9xf32, #tpu.memory_space<smem>>
    %get3A_72 = arith.constant 0 : index
    %get3A_73 = arith.constant 3 : index
    %get3A_74 = arith.constant 0 : index
    %get3A_75 = vector.load %arg1[%get3A_72, %get3A_73, %get3A_74] : memref<40x4x300xf32, #tpu.memory_space<vmem>>, vector<40x1x300xf32>
    %get3A_76 = vector.shape_cast %get3A_75 : vector<40x1x300xf32> to vector<40x300xf32>
    %mul3A_77 = vector.broadcast %get3A_71 : f32 to vector<40x300xf32>
    %mul3A_78 = arith.mulf %mul3A_77, %get3A_76 : vector<40x300xf32>
    %get3A_79 = arith.constant 7 : index
    %get3A_80 = memref.load %arg3[%get3A_79] : memref<9xf32, #tpu.memory_space<smem>>
    %add3A_81 = vector.broadcast %get3A_80 : f32 to vector<40x300xf32>
    %add3A_82 = arith.addf %mul3A_78, %add3A_81 : vector<40x300xf32>
    %max3A_83 = arith.constant 0.000000e+00 : f32
    %max3A_84 = vector.broadcast %max3A_83 : f32 to vector<40x300xf32>
    %max3A_85 = arith.maximumf %add3A_82, %max3A_84 : vector<40x300xf32>
    %slice3A_86 = vector.extract_strided_slice %max3A_85 {offsets = [0, 0], sizes = [40, 298], strides = [1, 1]} : vector<40x300xf32> to vector<40x298xf32>
    %get3A_87 = arith.constant 3 : index
    %get3A_88 = arith.constant 0 : index
    %get3A_89 = arith.constant 0 : index
    %get3A_90 = vector.load %arg2[%get3A_87, %get3A_88, %get3A_89] : memref<4x298x48xf32, #tpu.memory_space<vmem>>, vector<1x298x48xf32>
    %get3A_91 = vector.shape_cast %get3A_90 : vector<1x298x48xf32> to vector<298x48xf32>
    %dot_general3A_92 = arith.constant dense<0.000000e+00> : vector<40x48xf32>
    %dot_general3A_93 = tpu.matmul %slice3A_86, %get3A_91, %dot_general3A_92 {dimension_numbers = #tpu.dot_dimension_numbers<[1], [0], [0], [1], [0, 0, 1, 1], [], []>, transpose_lhs_hint = false} : vector<40x298xf32>, vector<298x48xf32>, vector<40x48xf32> -> vector<40x48xf32>
    %add3A_94 = arith.addf %add3A_69, %dot_general3A_93 : vector<40x48xf32>
    %get3A_95 = arith.constant 8 : index
    %get3A_96 = memref.load %arg3[%get3A_95] : memref<9xf32, #tpu.memory_space<smem>>
    %add3A_97 = vector.broadcast %get3A_96 : f32 to vector<40x48xf32>
    %add3A_98 = arith.addf %add3A_94, %add3A_97 : vector<40x48xf32>
    %swap3A = arith.constant 0 : index
    %swap3A_99 = arith.constant 0 : index
    %swap3A_100 = vector.load %arg4[%swap3A, %swap3A_99] : memref<40x48xf32, #tpu.memory_space<vmem>>, vector<40x48xf32>
    tpu.vector_store %arg4[%swap3A, %swap3A_99], %add3A_98 {strides = array<i32>} : memref<40x48xf32, #tpu.memory_space<vmem>>, vector<40x48xf32>,
    %get3A_101 = arith.constant 0 : index
    %get3A_102 = arith.constant 0 : index
    %get3A_103 = vector.load %arg5[%get3A_101, %get3A_102] : memref<2x48xf32, #tpu.memory_space<vmem>>, vector<1x48xf32>
    %get3A_104 = vector.shape_cast %get3A_103 : vector<1x48xf32> to vector<48xf32>
    %reduce_sum3A = arith.constant dense<0.000000e+00> : vector<48xf32>
    %reduce_sum3A_105 = vector.multi_reduction <add>, %add3A_98, %reduce_sum3A [0] : vector<40x48xf32> to vector<48xf32>
    %add3A_106 = arith.addf %get3A_104, %reduce_sum3A_105 : vector<48xf32>
    %swap3A_107 = arith.constant 0 : index
    %swap3A_108 = arith.constant 0 : index
    %swap3A_109 = vector.load %arg5[%swap3A_107, %swap3A_108] : memref<2x48xf32, #tpu.memory_space<vmem>>, vector<1x48xf32>
    %swap3A_110 = vector.shape_cast %swap3A_109 : vector<1x48xf32> to vector<48xf32>
    %swap3A_111 = vector.shape_cast %add3A_106 : vector<48xf32> to vector<1x48xf32>
    tpu.vector_store %arg5[%swap3A_107, %swap3A_108], %swap3A_111 {strides = array<i32>} : memref<2x48xf32, #tpu.memory_space<vmem>>, vector<1x48xf32>,
    %get3A_112 = arith.constant 1 : index
    %get3A_113 = arith.constant 0 : index
    %get3A_114 = vector.load %arg5[%get3A_112, %get3A_113] : memref<2x48xf32, #tpu.memory_space<vmem>>, vector<1x48xf32>
    %get3A_115 = vector.shape_cast %get3A_114 : vector<1x48xf32> to vector<48xf32>
    %mul3A_116 = arith.mulf %add3A_98, %add3A_98 : vector<40x48xf32>
    %reduce_sum3A_117 = arith.constant dense<0.000000e+00> : vector<48xf32>
    %reduce_sum3A_118 = vector.multi_reduction <add>, %mul3A_116, %reduce_sum3A_117 [0] : vector<40x48xf32> to vector<48xf32>
    %add3A_119 = arith.addf %get3A_115, %reduce_sum3A_118 : vector<48xf32>
    %swap3A_120 = arith.constant 1 : index
    %swap3A_121 = arith.constant 0 : index
    %swap3A_122 = vector.load %arg5[%swap3A_120, %swap3A_121] : memref<2x48xf32, #tpu.memory_space<vmem>>, vector<1x48xf32>
    %swap3A_123 = vector.shape_cast %swap3A_122 : vector<1x48xf32> to vector<48xf32>
    %swap3A_124 = vector.shape_cast %add3A_119 : vector<48xf32> to vector<1x48xf32>
    tpu.vector_store %arg5[%swap3A_120, %swap3A_121], %swap3A_124 {strides = array<i32>} : memref<2x48xf32, #tpu.memory_space<vmem>>, vector<1x48xf32>,
    return
  }
  func.func @transform_0(%arg0: i32) -> (i32, i32, i32) {
    %c0_i32 = arith.constant 0 : i32
    %c0_i32_0 = arith.constant 0 : i32
    %c0_i32_1 = arith.constant 0 : i32
    return %arg0, %c0_i32, %c0_i32_0 : i32, i32, i32
  }
  func.func @transform_1(%arg0: i32) -> (i32, i32, i32) {
    %c0_i32 = arith.constant 0 : i32
    %c0_i32_0 = arith.constant 0 : i32
    %c0_i32_1 = arith.constant 0 : i32
    %c0_i32_2 = arith.constant 0 : i32
    return %c0_i32, %c0_i32_0, %c0_i32_1 : i32, i32, i32
  }
  func.func @transform_2(%arg0: i32) -> i32 {
    %c0_i32 = arith.constant 0 : i32
    %c0_i32_0 = arith.constant 0 : i32
    return %c0_i32 : i32
  }
  func.func @transform_3(%arg0: i32) -> (i32, i32) {
    %c0_i32 = arith.constant 0 : i32
    %c0_i32_0 = arith.constant 0 : i32
    return %arg0, %c0_i32 : i32, i32
  }
  func.func @transform_4(%arg0: i32) -> (i32, i32) {
    %c0_i32 = arith.constant 0 : i32
    %c0_i32_0 = arith.constant 0 : i32
    %c0_i32_1 = arith.constant 0 : i32
    return %c0_i32, %c0_i32_0 : i32, i32
  }
}

module attributes {stable_mosaic.version = 14 : i64} {
  func.func @_prep_body(%arg0: i32, %arg1: memref<2x1280x16xf32, #tpu.memory_space<vmem>>, %arg2: memref<1280x48xf32, #tpu.memory_space<vmem>>, %arg3: memref<2xf32, #tpu.memory_space<smem>>, %arg4: memref<1280x48xf32, #tpu.memory_space<vmem>>, %arg5: memref<1280x48xf32, #tpu.memory_space<vmem>>, %arg6: memref<1280x1xf32, #tpu.memory_space<vmem>>) attributes {dimension_semantics = [#tpu.dimension_semantics<arbitrary>], iteration_bounds = array<i64: 8>, scalar_prefetch = 0 : i64, scratch_operands = 0 : i64, tpu.core_type = #tpu.core_type<tc>, window_params = [{transform_indices = @transform_0, window_bounds = array<i64: 2, 1280, 16>}, {transform_indices = @transform_1, window_bounds = array<i64: 1280, 48>}, {transform_indices = @transform_2, window_bounds = array<i64: 2>}, {transform_indices = @transform_3, window_bounds = array<i64: 1280, 48>}, {transform_indices = @transform_4, window_bounds = array<i64: 1280, 48>}, {transform_indices = @transform_5, window_bounds = array<i64: 1280, 1>}]} {
    %get3A = arith.constant 0 : index
    %get3A_0 = arith.constant 0 : index
    %get3A_1 = arith.constant 0 : index
    %get3A_2 = vector.load %arg1[%get3A, %get3A_0, %get3A_1] : memref<2x1280x16xf32, #tpu.memory_space<vmem>>, vector<1x1280x16xf32>
    %get3A_3 = vector.shape_cast %get3A_2 : vector<1x1280x16xf32> to vector<1280x16xf32>
    %get3A_4 = arith.constant 1 : index
    %get3A_5 = arith.constant 0 : index
    %get3A_6 = arith.constant 0 : index
    %get3A_7 = vector.load %arg1[%get3A_4, %get3A_5, %get3A_6] : memref<2x1280x16xf32, #tpu.memory_space<vmem>>, vector<1x1280x16xf32>
    %get3A_8 = vector.shape_cast %get3A_7 : vector<1x1280x16xf32> to vector<1280x16xf32>
    %add3A = arith.addf %get3A_3, %get3A_8 : vector<1280x16xf32>
    %add3A_9 = arith.constant 1.000000e+00 : f32
    %add3A_10 = vector.broadcast %add3A_9 : f32 to vector<1280x16xf32>
    %add3A_11 = arith.addf %add3A, %add3A_10 : vector<1280x16xf32>
    %rsqrt3A = math.rsqrt %add3A_11 : vector<1280x16xf32>
    %slice3A = vector.extract_strided_slice %rsqrt3A {offsets = [0, 0], sizes = [1280, 1], strides = [1, 1]} : vector<1280x16xf32> to vector<1280x1xf32>
    %get3A_12 = arith.constant 0 : index
    %get3A_13 = memref.load %arg3[%get3A_12] : memref<2xf32, #tpu.memory_space<smem>>
    %get3A_14 = arith.constant 0 : index
    %get3A_15 = arith.constant 0 : index
    %get3A_16 = vector.load %arg2[%get3A_14, %get3A_15] : memref<1280x48xf32, #tpu.memory_space<vmem>>, vector<1280x48xf32>
    %mul3A = vector.broadcast %get3A_13 : f32 to vector<1280x48xf32>
    %mul3A_17 = arith.mulf %mul3A, %get3A_16 : vector<1280x48xf32>
    %get3A_18 = arith.constant 1 : index
    %get3A_19 = memref.load %arg3[%get3A_18] : memref<2xf32, #tpu.memory_space<smem>>
    %add3A_20 = vector.broadcast %get3A_19 : f32 to vector<1280x48xf32>
    %add3A_21 = arith.addf %mul3A_17, %add3A_20 : vector<1280x48xf32>
    %swap3A = arith.constant 0 : index
    %swap3A_22 = arith.constant 0 : index
    %swap3A_23 = vector.load %arg4[%swap3A, %swap3A_22] : memref<1280x48xf32, #tpu.memory_space<vmem>>, vector<1280x48xf32>
    tpu.vector_store %arg4[%swap3A, %swap3A_22], %add3A_21 {strides = array<i32>} : memref<1280x48xf32, #tpu.memory_space<vmem>>, vector<1280x48xf32>,
    %mul3A_24 = vector.broadcast %slice3A : vector<1280x1xf32> to vector<1280x48xf32>
    %mul3A_25 = arith.mulf %add3A_21, %mul3A_24 : vector<1280x48xf32>
    %swap3A_26 = arith.constant 0 : index
    %swap3A_27 = arith.constant 0 : index
    %swap3A_28 = vector.load %arg5[%swap3A_26, %swap3A_27] : memref<1280x48xf32, #tpu.memory_space<vmem>>, vector<1280x48xf32>
    tpu.vector_store %arg5[%swap3A_26, %swap3A_27], %mul3A_25 {strides = array<i32>} : memref<1280x48xf32, #tpu.memory_space<vmem>>, vector<1280x48xf32>,
    %swap3A_29 = arith.constant 0 : index
    %swap3A_30 = arith.constant 0 : index
    %swap3A_31 = vector.load %arg6[%swap3A_29, %swap3A_30] : memref<1280x1xf32, #tpu.memory_space<vmem>>, vector<1280x1xf32>
    tpu.vector_store %arg6[%swap3A_29, %swap3A_30], %slice3A {strides = array<i32>} : memref<1280x1xf32, #tpu.memory_space<vmem>>, vector<1280x1xf32>,
    return
  }
  func.func @transform_0(%arg0: i32) -> (i32, i32, i32) {
    %c0_i32 = arith.constant 0 : i32
    %c0_i32_0 = arith.constant 0 : i32
    %c0_i32_1 = arith.constant 0 : i32
    return %c0_i32, %arg0, %c0_i32_0 : i32, i32, i32
  }
  func.func @transform_1(%arg0: i32) -> (i32, i32) {
    %c0_i32 = arith.constant 0 : i32
    %c0_i32_0 = arith.constant 0 : i32
    return %arg0, %c0_i32 : i32, i32
  }
  func.func @transform_2(%arg0: i32) -> i32 {
    %c0_i32 = arith.constant 0 : i32
    %c0_i32_0 = arith.constant 0 : i32
    return %c0_i32 : i32
  }
  func.func @transform_3(%arg0: i32) -> (i32, i32) {
    %c0_i32 = arith.constant 0 : i32
    %c0_i32_0 = arith.constant 0 : i32
    return %arg0, %c0_i32 : i32, i32
  }
  func.func @transform_4(%arg0: i32) -> (i32, i32) {
    %c0_i32 = arith.constant 0 : i32
    %c0_i32_0 = arith.constant 0 : i32
    return %arg0, %c0_i32 : i32, i32
  }
  func.func @transform_5(%arg0: i32) -> (i32, i32) {
    %c0_i32 = arith.constant 0 : i32
    %c0_i32_0 = arith.constant 0 : i32
    return %arg0, %c0_i32 : i32, i32
  }
}

module attributes {stable_mosaic.version = 14 : i64} {
  func.func @_fuse_body(%arg0: i32, %arg1: memref<2000x48xf32, #tpu.memory_space<vmem>>, %arg2: memref<2x2000x48xf32, #tpu.memory_space<vmem>>, %arg3: memref<2000x1xf32, #tpu.memory_space<vmem>>, %arg4: memref<48x128xf32, #tpu.memory_space<vmem>>, %arg5: memref<1x128xf32, #tpu.memory_space<vmem>>, %arg6: memref<48x128xf32, #tpu.memory_space<vmem>>, %arg7: memref<1x128xf32, #tpu.memory_space<vmem>>, %arg8: memref<128x128xf32, #tpu.memory_space<vmem>>, %arg9: memref<1x128xf32, #tpu.memory_space<vmem>>, %arg10: memref<2000x128xf32, #tpu.memory_space<vmem>>, %arg11: memref<2x128xf32, #tpu.memory_space<vmem>>) attributes {dimension_semantics = [#tpu.dimension_semantics<arbitrary>], iteration_bounds = array<i64: 5>, scalar_prefetch = 0 : i64, scratch_operands = 0 : i64, tpu.core_type = #tpu.core_type<tc>, window_params = [{transform_indices = @transform_0, window_bounds = array<i64: 2000, 48>}, {transform_indices = @transform_1, window_bounds = array<i64: 2, 2000, 48>}, {transform_indices = @transform_2, window_bounds = array<i64: 2000, 1>}, {pipeline_mode = #tpu.pipeline_mode<synchronous>, transform_indices = @transform_3, window_bounds = array<i64: 48, 128>}, {pipeline_mode = #tpu.pipeline_mode<synchronous>, transform_indices = @transform_4, window_bounds = array<i64: 1, 128>}, {pipeline_mode = #tpu.pipeline_mode<synchronous>, transform_indices = @transform_5, window_bounds = array<i64: 48, 128>}, {pipeline_mode = #tpu.pipeline_mode<synchronous>, transform_indices = @transform_6, window_bounds = array<i64: 1, 128>}, {pipeline_mode = #tpu.pipeline_mode<synchronous>, transform_indices = @transform_7, window_bounds = array<i64: 128, 128>}, {pipeline_mode = #tpu.pipeline_mode<synchronous>, transform_indices = @transform_8, window_bounds = array<i64: 1, 128>}, {transform_indices = @transform_9, window_bounds = array<i64: 2000, 128>}, {pipeline_mode = #tpu.pipeline_mode<synchronous>, transform_indices = @transform_10, window_bounds = array<i64: 2, 128>}]} {
    %eq3A = arith.constant 0 : i32
    %eq3A_0 = arith.cmpi eq, %arg0, %eq3A : i32
    %convert_element_type3A = arith.extui %eq3A_0 : i1 to i32
    %cond3A = arith.constant 0 : i32
    %cond3A_1 = arith.cmpi ne, %convert_element_type3A, %cond3A : i32
    scf.if %cond3A_1 {
      %broadcast_in_dim3A = arith.constant 0.000000e+00 : f32
      %broadcast_in_dim3A_89 = vector.broadcast %broadcast_in_dim3A : f32 to vector<2x128xf32>
      %swap3A_90 = arith.constant 0 : index
      %swap3A_91 = arith.constant 0 : index
      %swap3A_92 = vector.load %arg11[%swap3A_90, %swap3A_91] : memref<2x128xf32, #tpu.memory_space<vmem>>, vector<2x128xf32>
      tpu.vector_store %arg11[%swap3A_90, %swap3A_91], %broadcast_in_dim3A_89 {strides = array<i32>} : memref<2x128xf32, #tpu.memory_space<vmem>>, vector<2x128xf32>,
    } else {
    }
    %get3A = arith.constant 0 : index
    %get3A_2 = arith.constant 0 : index
    %get3A_3 = vector.load %arg3[%get3A, %get3A_2] : memref<2000x1xf32, #tpu.memory_space<vmem>>, vector<2000x1xf32>
    %get3A_4 = arith.constant 0 : index
    %get3A_5 = arith.constant 0 : index
    %get3A_6 = vector.load %arg1[%get3A_4, %get3A_5] : memref<2000x48xf32, #tpu.memory_space<vmem>>, vector<2000x48xf32>
    %get3A_7 = arith.constant 0 : index
    %get3A_8 = arith.constant 0 : index
    %get3A_9 = arith.constant 0 : index
    %get3A_10 = vector.load %arg2[%get3A_7, %get3A_8, %get3A_9] : memref<2x2000x48xf32, #tpu.memory_space<vmem>>, vector<1x2000x48xf32>
    %get3A_11 = vector.shape_cast %get3A_10 : vector<1x2000x48xf32> to vector<2000x48xf32>
    %get3A_12 = arith.constant 1 : index
    %get3A_13 = arith.constant 0 : index
    %get3A_14 = arith.constant 0 : index
    %get3A_15 = vector.load %arg2[%get3A_12, %get3A_13, %get3A_14] : memref<2x2000x48xf32, #tpu.memory_space<vmem>>, vector<1x2000x48xf32>
    %get3A_16 = vector.shape_cast %get3A_15 : vector<1x2000x48xf32> to vector<2000x48xf32>
    %add3A = arith.addf %get3A_11, %get3A_16 : vector<2000x48xf32>
    %mul3A = vector.broadcast %get3A_3 : vector<2000x1xf32> to vector<2000x48xf32>
    %mul3A_17 = arith.mulf %add3A, %mul3A : vector<2000x48xf32>
    %mul3A_18 = arith.mulf %get3A_3, %get3A_3 : vector<2000x1xf32>
    %mul3A_19 = vector.broadcast %mul3A_18 : vector<2000x1xf32> to vector<2000x48xf32>
    %mul3A_20 = arith.mulf %mul3A_19, %get3A_6 : vector<2000x48xf32>
    %add3A_21 = arith.addf %mul3A_17, %mul3A_20 : vector<2000x48xf32>
    %get3A_22 = arith.constant 0 : index
    %get3A_23 = arith.constant 0 : index
    %get3A_24 = vector.load %arg4[%get3A_22, %get3A_23] : memref<48x128xf32, #tpu.memory_space<vmem>>, vector<48x128xf32>
    %dot_general3A = arith.constant dense<0.000000e+00> : vector<2000x128xf32>
    %dot_general3A_25 = tpu.matmul %add3A_21, %get3A_24, %dot_general3A {dimension_numbers = #tpu.dot_dimension_numbers<[1], [0], [0], [1], [0, 0, 1, 1], [], []>, transpose_lhs_hint = false} : vector<2000x48xf32>, vector<48x128xf32>, vector<2000x128xf32> -> vector<2000x128xf32>
    %get3A_26 = arith.constant 0 : index
    %get3A_27 = arith.constant 0 : index
    %get3A_28 = vector.load %arg5[%get3A_26, %get3A_27] : memref<1x128xf32, #tpu.memory_space<vmem>>, vector<1x128xf32>
    %add3A_29 = vector.broadcast %get3A_28 : vector<1x128xf32> to vector<2000x128xf32>
    %add3A_30 = arith.addf %dot_general3A_25, %add3A_29 : vector<2000x128xf32>
    %tanh3A = math.tanh %add3A_30 : vector<2000x128xf32>
    %get3A_31 = arith.constant 0 : index
    %get3A_32 = arith.constant 0 : index
    %get3A_33 = vector.load %arg8[%get3A_31, %get3A_32] : memref<128x128xf32, #tpu.memory_space<vmem>>, vector<128x128xf32>
    %dot_general3A_34 = arith.constant dense<0.000000e+00> : vector<2000x128xf32>
    %dot_general3A_35 = tpu.matmul %tanh3A, %get3A_33, %dot_general3A_34 {dimension_numbers = #tpu.dot_dimension_numbers<[1], [0], [0], [1], [0, 0, 1, 1], [], []>, transpose_lhs_hint = false} : vector<2000x128xf32>, vector<128x128xf32>, vector<2000x128xf32> -> vector<2000x128xf32>
    %get3A_36 = arith.constant 0 : index
    %get3A_37 = arith.constant 0 : index
    %get3A_38 = vector.load %arg9[%get3A_36, %get3A_37] : memref<1x128xf32, #tpu.memory_space<vmem>>, vector<1x128xf32>
    %add3A_39 = vector.broadcast %get3A_38 : vector<1x128xf32> to vector<2000x128xf32>
    %add3A_40 = arith.addf %dot_general3A_35, %add3A_39 : vector<2000x128xf32>
    %logistic3A = arith.negf %add3A_40 : vector<2000x128xf32>
    %logistic3A_41 = math.exp %logistic3A : vector<2000x128xf32>
    %logistic3A_42 = arith.constant 1.000000e+00 : f32
    %logistic3A_43 = vector.broadcast %logistic3A_42 : f32 to vector<2000x128xf32>
    %logistic3A_44 = arith.addf %logistic3A_43, %logistic3A_41 : vector<2000x128xf32>
    %logistic3A_45 = arith.divf %logistic3A_43, %logistic3A_44 : vector<2000x128xf32>
    %get3A_46 = arith.constant 0 : index
    %get3A_47 = arith.constant 0 : index
    %get3A_48 = vector.load %arg6[%get3A_46, %get3A_47] : memref<48x128xf32, #tpu.memory_space<vmem>>, vector<48x128xf32>
    %dot_general3A_49 = arith.constant dense<0.000000e+00> : vector<2000x128xf32>
    %dot_general3A_50 = tpu.matmul %get3A_6, %get3A_48, %dot_general3A_49 {dimension_numbers = #tpu.dot_dimension_numbers<[1], [0], [0], [1], [0, 0, 1, 1], [], []>, transpose_lhs_hint = false} : vector<2000x48xf32>, vector<48x128xf32>, vector<2000x128xf32> -> vector<2000x128xf32>
    %get3A_51 = arith.constant 0 : index
    %get3A_52 = arith.constant 0 : index
    %get3A_53 = vector.load %arg7[%get3A_51, %get3A_52] : memref<1x128xf32, #tpu.memory_space<vmem>>, vector<1x128xf32>
    %add3A_54 = vector.broadcast %get3A_53 : vector<1x128xf32> to vector<2000x128xf32>
    %add3A_55 = arith.addf %dot_general3A_50, %add3A_54 : vector<2000x128xf32>
    %sub3A = arith.constant 1.000000e+00 : f32
    %sub3A_56 = vector.broadcast %sub3A : f32 to vector<2000x128xf32>
    %sub3A_57 = arith.subf %sub3A_56, %logistic3A_45 : vector<2000x128xf32>
    %mul3A_58 = arith.mulf %sub3A_57, %add3A_55 : vector<2000x128xf32>
    %mul3A_59 = arith.mulf %logistic3A_45, %tanh3A : vector<2000x128xf32>
    %add3A_60 = arith.addf %mul3A_58, %mul3A_59 : vector<2000x128xf32>
    %max3A = arith.constant 0.000000e+00 : f32
    %max3A_61 = vector.broadcast %max3A : f32 to vector<2000x128xf32>
    %max3A_62 = arith.maximumf %add3A_60, %max3A_61 : vector<2000x128xf32>
    %swap3A = arith.constant 0 : index
    %swap3A_63 = arith.constant 0 : index
    %swap3A_64 = vector.load %arg10[%swap3A, %swap3A_63] : memref<2000x128xf32, #tpu.memory_space<vmem>>, vector<2000x128xf32>
    tpu.vector_store %arg10[%swap3A, %swap3A_63], %max3A_62 {strides = array<i32>} : memref<2000x128xf32, #tpu.memory_space<vmem>>, vector<2000x128xf32>,
    %get3A_65 = arith.constant 0 : index
    %get3A_66 = arith.constant 0 : index
    %get3A_67 = vector.load %arg11[%get3A_65, %get3A_66] : memref<2x128xf32, #tpu.memory_space<vmem>>, vector<1x128xf32>
    %get3A_68 = vector.shape_cast %get3A_67 : vector<1x128xf32> to vector<128xf32>
    %reduce_sum3A = arith.constant dense<0.000000e+00> : vector<128xf32>
    %reduce_sum3A_69 = vector.multi_reduction <add>, %max3A_62, %reduce_sum3A [0] : vector<2000x128xf32> to vector<128xf32>
    %add3A_70 = arith.addf %get3A_68, %reduce_sum3A_69 : vector<128xf32>
    %swap3A_71 = arith.constant 0 : index
    %swap3A_72 = arith.constant 0 : index
    %swap3A_73 = vector.load %arg11[%swap3A_71, %swap3A_72] : memref<2x128xf32, #tpu.memory_space<vmem>>, vector<1x128xf32>
    %swap3A_74 = vector.shape_cast %swap3A_73 : vector<1x128xf32> to vector<128xf32>
    %swap3A_75 = vector.shape_cast %add3A_70 : vector<128xf32> to vector<1x128xf32>
    tpu.vector_store %arg11[%swap3A_71, %swap3A_72], %swap3A_75 {strides = array<i32>} : memref<2x128xf32, #tpu.memory_space<vmem>>, vector<1x128xf32>,
    %get3A_76 = arith.constant 1 : index
    %get3A_77 = arith.constant 0 : index
    %get3A_78 = vector.load %arg11[%get3A_76, %get3A_77] : memref<2x128xf32, #tpu.memory_space<vmem>>, vector<1x128xf32>
    %get3A_79 = vector.shape_cast %get3A_78 : vector<1x128xf32> to vector<128xf32>
    %mul3A_80 = arith.mulf %max3A_62, %max3A_62 : vector<2000x128xf32>
    %reduce_sum3A_81 = arith.constant dense<0.000000e+00> : vector<128xf32>
    %reduce_sum3A_82 = vector.multi_reduction <add>, %mul3A_80, %reduce_sum3A_81 [0] : vector<2000x128xf32> to vector<128xf32>
    %add3A_83 = arith.addf %get3A_79, %reduce_sum3A_82 : vector<128xf32>
    %swap3A_84 = arith.constant 1 : index
    %swap3A_85 = arith.constant 0 : index
    %swap3A_86 = vector.load %arg11[%swap3A_84, %swap3A_85] : memref<2x128xf32, #tpu.memory_space<vmem>>, vector<1x128xf32>
    %swap3A_87 = vector.shape_cast %swap3A_86 : vector<1x128xf32> to vector<128xf32>
    %swap3A_88 = vector.shape_cast %add3A_83 : vector<128xf32> to vector<1x128xf32>
    tpu.vector_store %arg11[%swap3A_84, %swap3A_85], %swap3A_88 {strides = array<i32>} : memref<2x128xf32, #tpu.memory_space<vmem>>, vector<1x128xf32>,
    return
  }
  func.func @transform_0(%arg0: i32) -> (i32, i32) {
    %c0_i32 = arith.constant 0 : i32
    %c0_i32_0 = arith.constant 0 : i32
    return %arg0, %c0_i32 : i32, i32
  }
  func.func @transform_1(%arg0: i32) -> (i32, i32, i32) {
    %c0_i32 = arith.constant 0 : i32
    %c0_i32_0 = arith.constant 0 : i32
    %c0_i32_1 = arith.constant 0 : i32
    return %c0_i32, %arg0, %c0_i32_0 : i32, i32, i32
  }
  func.func @transform_2(%arg0: i32) -> (i32, i32) {
    %c0_i32 = arith.constant 0 : i32
    %c0_i32_0 = arith.constant 0 : i32
    return %arg0, %c0_i32 : i32, i32
  }
  func.func @transform_3(%arg0: i32) -> (i32, i32) {
    %c0_i32 = arith.constant 0 : i32
    %c0_i32_0 = arith.constant 0 : i32
    %c0_i32_1 = arith.constant 0 : i32
    return %c0_i32, %c0_i32_0 : i32, i32
  }
  func.func @transform_4(%arg0: i32) -> (i32, i32) {
    %c0_i32 = arith.constant 0 : i32
    %c0_i32_0 = arith.constant 0 : i32
    %c0_i32_1 = arith.constant 0 : i32
    return %c0_i32, %c0_i32_0 : i32, i32
  }
  func.func @transform_5(%arg0: i32) -> (i32, i32) {
    %c0_i32 = arith.constant 0 : i32
    %c0_i32_0 = arith.constant 0 : i32
    %c0_i32_1 = arith.constant 0 : i32
    return %c0_i32, %c0_i32_0 : i32, i32
  }
  func.func @transform_6(%arg0: i32) -> (i32, i32) {
    %c0_i32 = arith.constant 0 : i32
    %c0_i32_0 = arith.constant 0 : i32
    %c0_i32_1 = arith.constant 0 : i32
    return %c0_i32, %c0_i32_0 : i32, i32
  }
  func.func @transform_7(%arg0: i32) -> (i32, i32) {
    %c0_i32 = arith.constant 0 : i32
    %c0_i32_0 = arith.constant 0 : i32
    %c0_i32_1 = arith.constant 0 : i32
    return %c0_i32, %c0_i32_0 : i32, i32
  }
  func.func @transform_8(%arg0: i32) -> (i32, i32) {
    %c0_i32 = arith.constant 0 : i32
    %c0_i32_0 = arith.constant 0 : i32
    %c0_i32_1 = arith.constant 0 : i32
    return %c0_i32, %c0_i32_0 : i32, i32
  }
  func.func @transform_9(%arg0: i32) -> (i32, i32) {
    %c0_i32 = arith.constant 0 : i32
    %c0_i32_0 = arith.constant 0 : i32
    return %arg0, %c0_i32 : i32, i32
  }
  func.func @transform_10(%arg0: i32) -> (i32, i32) {
    %c0_i32 = arith.constant 0 : i32
    %c0_i32_0 = arith.constant 0 : i32
    %c0_i32_1 = arith.constant 0 : i32
    return %c0_i32, %c0_i32_0 : i32, i32
  }
}

module attributes {stable_mosaic.version = 14 : i64} {
  func.func @_bn4_body(%arg0: i32, %arg1: memref<2000x128xf32, #tpu.memory_space<vmem>>, %arg2: memref<2x128xf32, #tpu.memory_space<vmem>>, %arg3: memref<2000x128xf32, #tpu.memory_space<vmem>>) attributes {dimension_semantics = [#tpu.dimension_semantics<arbitrary>], iteration_bounds = array<i64: 5>, scalar_prefetch = 0 : i64, scratch_operands = 0 : i64, tpu.core_type = #tpu.core_type<tc>, window_params = [{transform_indices = @transform_0, window_bounds = array<i64: 2000, 128>}, {pipeline_mode = #tpu.pipeline_mode<synchronous>, transform_indices = @transform_1, window_bounds = array<i64: 2, 128>}, {transform_indices = @transform_2, window_bounds = array<i64: 2000, 128>}]} {
    %get3A = arith.constant 0 : index
    %get3A_0 = arith.constant 0 : index
    %get3A_1 = vector.load %arg2[%get3A, %get3A_0] : memref<2x128xf32, #tpu.memory_space<vmem>>, vector<1x128xf32>
    %get3A_2 = arith.constant 0 : index
    %get3A_3 = arith.constant 0 : index
    %get3A_4 = vector.load %arg1[%get3A_2, %get3A_3] : memref<2000x128xf32, #tpu.memory_space<vmem>>, vector<2000x128xf32>
    %mul3A = vector.broadcast %get3A_1 : vector<1x128xf32> to vector<2000x128xf32>
    %mul3A_5 = arith.mulf %mul3A, %get3A_4 : vector<2000x128xf32>
    %get3A_6 = arith.constant 1 : index
    %get3A_7 = arith.constant 0 : index
    %get3A_8 = vector.load %arg2[%get3A_6, %get3A_7] : memref<2x128xf32, #tpu.memory_space<vmem>>, vector<1x128xf32>
    %add3A = vector.broadcast %get3A_8 : vector<1x128xf32> to vector<2000x128xf32>
    %add3A_9 = arith.addf %mul3A_5, %add3A : vector<2000x128xf32>
    %swap3A = arith.constant 0 : index
    %swap3A_10 = arith.constant 0 : index
    %swap3A_11 = vector.load %arg3[%swap3A, %swap3A_10] : memref<2000x128xf32, #tpu.memory_space<vmem>>, vector<2000x128xf32>
    tpu.vector_store %arg3[%swap3A, %swap3A_10], %add3A_9 {strides = array<i32>} : memref<2000x128xf32, #tpu.memory_space<vmem>>, vector<2000x128xf32>,
    return
  }
  func.func @transform_0(%arg0: i32) -> (i32, i32) {
    %c0_i32 = arith.constant 0 : i32
    %c0_i32_0 = arith.constant 0 : i32
    return %arg0, %c0_i32 : i32, i32
  }
  func.func @transform_1(%arg0: i32) -> (i32, i32) {
    %c0_i32 = arith.constant 0 : i32
    %c0_i32_0 = arith.constant 0 : i32
    %c0_i32_1 = arith.constant 0 : i32
    return %c0_i32, %c0_i32_0 : i32, i32
  }
  func.func @transform_2(%arg0: i32) -> (i32, i32) {
    %c0_i32 = arith.constant 0 : i32
    %c0_i32_0 = arith.constant 0 : i32
    return %arg0, %c0_i32 : i32, i32
  }
}

</mosaic_0001>

<sc_bundles>
// kernel: kernel.10.cloned.1.call-start
scs
__scs_entry_jumppad:
0x0: {  	(pc) =	sbr.rel $0x88, $3  }
0x1: {  	(tag) =	ssettag $0x0;
	lr =	simm.s32 $0x1  }
0x2: {  	[smem:$0x3F8B] =	sst lr;
	_ =	strace $0xD0000000  }
0x3: {  	_ = 	snop  }
0x4: {  	_ = 	snop  }
0x5: {  	_ = 	snop  }
0x6: {  	_ = 	snop  }
0x7: {  	_ = 	snop  }
__scs_overlays_trampoline_lowered:
0x8: {  	[smem:$0x3F9A] =	sst s0  }
0x9: {  	[smem:$0x3F9B] =	sst s1  }
0xa: {  	[smem:$0x3F9C] =	sst s2  }
0xb: {  	[smem:$0x3F9D] =	sst s3  }
0xc: {  	[smem:$0x3F9E] =	sst s4  }
0xd: {  	[smem:$0x3F9F] =	sst s5  }
0xe: {  	[smem:$0x3FA0] =	sst s6  }
0xf: {  	[smem:$0x3FA1] =	sst s7  }
0x10: {  	[smem:$0x3FA2] =	sst s8  }
0x11: {  	[smem:$0x3FA3] =	sst s9;
	s0 =	simm.s32 @!p0 $0x0  }
0x12: {  	s1 =	sld [smem:$0x3F89];
	s0 =	simm.s32 @p0 $0x1  }
0x13: {  	[smem:$0x3FA4] =	sst s0;
	s0 =	simm.s32 @!p1 $0x0  }
0x14: {  	s2 =	sld [smem:$0x3F88];
	s0 =	simm.s32 @p1 $0x1  }
0x15: {  	[smem:$0x3FA5] =	sst s0;
	s0 =	simm.s32 @!p2 $0x0  }
0x16: {  	s3 =	sld [smem:$0x3FDB];
	s0 =	simm.s32 @p2 $0x1  }
0x17: {  	s4 =	simm.s32 $0x1BF5;
	[smem:$0x3FA7] =	sst s0  }
0x18: {  	s0 =	sld [smem:$0x3F8A];
	_ =	swait.ge [sflag:s4], $0x0  }
0x19: {  	s7 =	sld [smem:$0x3F8B]  }
0x1a: {  	s8 =	sadd.s32 $0xFFFFE003, lr  }
0x1b: {  	s9 =	sadd.s32 $0xFFFFFEF7, lr;
	s5 =	simm.s32 $0xFFFFFFFF;
	p2 =	slt.u32 s8, $0xFFFFF086  }
0x1c: {  	p1 =	slt.u32 s9, $0xF7A;
	s5 =	simm.s32 @!p2 $0x0  }
0x1d: {  	s5 =	simm.s32 @p1 $0x1;
	p0 =	seq.s32 s7, s2  }
0x1e: {  	s7 =	smul.u32 @!p0 $0xF7A, s2;
	p2 =	seq.s32 @!p0 s5, $0x0  }
0x1f: {  	s9 =	smul.u32 $0xF7A, s1;
	s8 =	simm.s32 @!p0 $0x1BF5;
	p2 =	por !p2, p0  }
0x20: {  	[sflag:s8] =	ssyncset.s32 @!p0 $0xFFFFF086;
	s6 =	sadd.s32 @!p0 s3, s7;
	s7 =	simm.s32 @!p0 $0x108  }
0x21: {  	s3 =	sadd.s32 s3, s9;
	s6 =	sadd.s32 @!p0 $0x88, s6;
	s7 =	simm.s32 @p2 $0x1082  }
0x22: {  	[simem:s7], [sflag:s8] =	dma.local @!p0 [hbm:s6], $0xF7A  }
0x23: {  	s9 =	sor.u32 $0xD0000000, s2;
	s6 =	simm.s32 $0x108;
	_ =	swait.ge @!p0 [sflag:s8], $0x0  }
0x24: {  	s3 =	sadd.s32 $0x88, s3;
	s6 =	simm.s32 @!p1 $0x1082;
	[sflag:s4] =	ssyncset.s32 $0xFFFFF086  }
0x25: {  	[simem:s6], [sflag:s4] =	dma.local [hbm:s3], $0xF7A  }
0x26: {  	[smem:$0x3F8B] =	sst s1;
	(tag) =	ssettag s2;
	_ =	strace s9  }
0x27: {  	s1 =	sld [smem:$0x3F9B]  }
0x28: {  	s2 =	sld [smem:$0x3F9C]  }
0x29: {  	s4 =	sld [smem:$0x3F9E]  }
0x2a: {  	p0 =	seq.s32 s5, $0x0;
	s5 =	sld [smem:$0x3F9F]  }
0x2b: {  	s6 =	sld [smem:$0x3FA0]  }
0x2c: {  	s7 =	sld [smem:$0x3FA1]  }
0x2d: {  	s3 =	simm.s32 $0x108;
	s8 =	sld [smem:$0x3FA2]  }
0x2e: {  	s3 =	simm.s32 @!p0 $0x1082;
	s9 =	sld [smem:$0x3FA3]  }
0x2f: {  	lr =	sadd.s32 s0, s3;
	s0 =	sld [smem:$0x3F9A]  }
0x30: {  	s3 =	sld [smem:$0x3F9D]  }
0x31: {  	[smem:$0x3FA6] =	sst s10  }
0x32: {  	s10 =	sld [smem:$0x3FA4];
	_ =	sdelay $0x3  }
0x33: {  	p0 =	seq.s32 s10, $0x1;
	s10 =	sld [smem:$0x3FA6];
	_ =	sdelay $0x3  }
0x34: {  	[smem:$0x3FA6] =	sst s10  }
0x35: {  	s10 =	sld [smem:$0x3FA5];
	_ =	sdelay $0x3  }
0x36: {  	p1 =	seq.s32 s10, $0x1;
	s10 =	sld [smem:$0x3FA6];
	_ =	sdelay $0x3  }
0x37: {  	[smem:$0x3FA6] =	sst s10  }
0x38: {  	s10 =	sld [smem:$0x3FA7]  }
0x39: {  	_ = 	snop;
	(pc) =	sbr.ind lr, $3  }
0x3a: {  	_ = 	snop  }
0x3b: {  	_ = 	snop  }
0x3c: {  	p2 =	seq.s32 s10, $0x1;
	s10 =	sld [smem:$0x3FA6]  }
0x3d: {  	_ =	shalt  }
0x3e: {  	_ =	shalt  }
0x3f: {  	_ =	shalt  }
0x40: {  	_ =	shalt  }
0x41: {  	_ =	shalt  }
0x42: {  	_ =	shalt  }
0x43: {  	_ =	shalt  }
0x44: {  	_ =	shalt  }
0x45: {  	_ =	shalt  }
0x46: {  	_ =	shalt  }
0x47: {  	_ =	shalt  }
0x48: {  	_ =	shalt  }
0x49: {  	_ =	shalt  }
0x4a: {  	_ =	shalt  }
0x4b: {  	_ =	shalt  }
0x4c: {  	_ =	shalt  }
0x4d: {  	_ =	shalt  }
0x4e: {  	_ =	shalt  }
0x4f: {  	_ =	shalt  }
0x50: {  	_ =	shalt  }
0x51: {  	_ =	shalt  }
0x52: {  	_ =	shalt  }
0x53: {  	_ =	shalt  }
0x54: {  	_ =	shalt  }
0x55: {  	_ =	shalt  }
0x56: {  	_ =	shalt  }
0x57: {  	_ =	shalt  }
0x58: {  	_ =	shalt  }
0x59: {  	_ =	shalt  }
0x5a: {  	_ =	shalt  }
0x5b: {  	_ =	shalt  }
0x5c: {  	_ =	shalt  }
0x5d: {  	_ =	shalt  }
0x5e: {  	_ =	shalt  }
0x5f: {  	_ =	shalt  }
0x60: {  	_ =	shalt  }
0x61: {  	_ =	shalt  }
0x62: {  	_ =	shalt  }
0x63: {  	_ =	shalt  }
0x64: {  	_ =	shalt  }
0x65: {  	_ =	shalt  }
0x66: {  	_ =	shalt  }
0x67: {  	_ =	shalt  }
0x68: {  	_ =	shalt  }
0x69: {  	_ =	shalt  }
0x6a: {  	_ =	shalt  }
0x6b: {  	_ =	shalt  }
0x6c: {  	_ =	shalt  }
0x6d: {  	_ =	shalt  }
0x6e: {  	_ =	shalt  }
0x6f: {  	_ =	shalt  }
0x70: {  	_ =	shalt  }
0x71: {  	_ =	shalt  }
0x72: {  	_ =	shalt  }
0x73: {  	_ =	shalt  }
0x74: {  	_ =	shalt  }
0x75: {  	_ =	shalt  }
0x76: {  	_ =	shalt  }
0x77: {  	_ =	shalt  }
0x78: {  	_ =	shalt  }
0x79: {  	_ =	shalt  }
0x7a: {  	_ =	shalt  }
0x7b: {  	_ =	shalt  }
0x7c: {  	_ =	shalt  }
0x7d: {  	_ =	shalt  }
0x7e: {  	_ =	shalt  }
0x7f: {  	_ =	shalt  }
0x80: {  	_ =	shalt  }
0x81: {  	_ =	shalt  }
0x82: {  	_ =	shalt  }
0x83: {  	_ =	shalt  }
0x84: {  	_ =	shalt  }
0x85: {  	_ =	shalt  }
0x86: {  	_ =	shalt  }
0x87: {  	_ =	shalt  }
.Lfunc_end0:
.L_simem_size_0:
called_computation.1_lowered:
.L_overlay_start_0:
0x88: {  	s2 =	sld [smem:$0x3FD9]  }
0x89: {  	s3 =	sld [smem:$0x3FFE];
	_ =	sdelay $0x1  }
0x8a: {  	s1 =	srdreg.scid  }
0x8b: {  	s0 =	sand.u32 $0x1, s1  }
0x8c: {  	s17 =	sshll.u32 s0, $0xA;
	s2 =	sadd.s32 s3, s2  }
0x8d: {  	s2 =	sadd.s32 s2, s17  }
0x8e: {  	[smem:$0x3FB2] =	sst s2  }
0x8f: {  	_ = 	snop  }
0x90: {  	s18 =	sld [smem:$0x3FD0];
	(tm) =	ssettm $0x1  }
0x91: {  	s19 =	sld [smem:$0x3FFB];
	_ =	sdelay $0x3  }
0x92: {  	_ =	strace s19  }
0x93: {  	s2 =	sld [smem:$0x3FFC];
	_ =	sdelay $0x3  }
0x94: {  	_ =	strace s2  }
0x95: {  	s2 =	sld [smem:$0x3FFD];
	_ =	sdelay $0x3  }
0x96: {  	_ =	strace s2  }
0x97: {  	_ =	strace $0x8FFFFFFF  }
0x98: {  	s20 =	sld [smem:$0x3FDB];
	_ =	sdelay $0x1  }
0x99: {  	s4 =	simm.s32 $_scs_section_size  }
0x9a: {  	s5 =	simm.s32 $_size__tile_overlayer_lowered;
	s6 =	simm.s32 $_tile_overlayer_lowered  }
0x9b: {  	s7 =	simm.s32 $0x1BFF;
	s21 =	sshll.u32 s6, $0x1;
	s4 =	sadd.s32 s4, s20  }
0x9c: {  	s22 =	simm.s32 $0x0;
	s5 =	sshll.u32 s5, $0x1;
	s6 =	sadd.s32 s21, s4  }
0x9d: {  	[timem:s22], [sflag:s7] =	dma.local [hbm:s6], s5  }
0x9e: {  	_ =	swait.ge [sflag:s7], s5  }
0x9f: {  	s5 =	ssub.s32 $0x0, s5;
	[sflag:s7] =	ssyncset.done $0x0  }
0xa0: {  	[sflag:s7] =	ssyncadd.s32 s5;
	_ =	sdelay $0x1  }
0xa1: {  	s23 =	simm.s32 $0x1B8B  }
0xa2: {  	_ =	swait.ge [sflag:s23], $0x1  }
0xa3: {  	[sflag:s23] =	ssyncset.done $0x0  }
0xa4: {  	[sflag:s23] =	ssyncadd.s32 $0xFFFFFFFF  }
0xa5: {  	s5 =	sld [smem:$0x0]  }
0xa6: {  	s6 =	sand.u32 $0xFFFFFFFE, s1  }
0xa7: {  	p0 =	sne.s32 s1, s6  }
0xa8: {  	s6 =	sshll.u32 @p0 s6, $0xE  }
0xa9: {  	s6 =	sadd.s32 @p0 $0x11B8D, s6;
	s7 =	sshll.u32 @p0 s5, $0x11  }
0xaa: {  	s6 =	sor.u32 @p0 s7, s6  }
0xab: {  	[sflag:s6] =	ssyncadd.remote.s32 @p0 $0x1;
	_ =	sdelay $0x1  }
0xac: {  	s6 =	simm.s32 @p0 $0x1B8D  }
0xad: {  	_ =	swait.eq @p0 [sflag:s6], $0x1  }
0xae: {  	[sflag:s6] =	ssyncadd.s32 @p0 $0xFFFFFFFF  }
0xaf: {  	s7 =	sshll.u32 @!p0 s1, $0xE  }
0xb0: {  	s7 =	sor.u32 @!p0 $0x4000, s7;
	s6 =	simm.s32 @!p0 $0x1B8D  }
0xb1: {  	s5 =	sshll.u32 @!p0 s5, $0x11;
	s7 =	sadd.s32 @!p0 $0x11B8D, s7;
	_ =	swait.eq @!p0 [sflag:s6], $0x1  }
0xb2: {  	s5 =	sor.u32 @!p0 s5, s7;
	[sflag:s6] =	ssyncadd.s32 @!p0 $0xFFFFFFFF  }
0xb3: {  	s25 =	simm.s32 $0x1B8E;
	s24 =	sld [smem:$0x3FFE];
	[sflag:s5] =	ssyncadd.remote.s32 @!p0 $0x1  }
0xb4: {  	s26 =	simm.s32 $execute0_lowered;
	[smem:$0x3FD2] =	sst s25  }
0xb5: {  	s6 =	sshll.u32 s26, $0x1;
	_ =	strace $0x80000049;
	[dreg:$0x1] =	wrdreg $0xFFFFFFFF  }
0xb6: {  	s28 =	simm.s32 $_size_execute0_lowered;
	s4 =	sadd.s32 s4, s6;
	[dreg:$0x0] =	wrdreg $0x0  }
0xb7: {  	s6 =	sshll.u32 s28, $0x1;
	[dreg:$0x2] =	wrdreg s4  }
0xb8: {  	[dreg:$0x3] =	wrdreg s6  }
0xb9: {  	[dreg:$0x4] =	wrdreg $0xC0  }
0xba: {  	_ =	task [dreg:s22], $0x5FFFF  }
0xbb: {  	[dreg:$0x1] =	wrdreg $0xFFFFFFFF  }
0xbc: {  	[dreg:$0x0] =	wrdreg $0x60  }
0xbd: {  	[dreg:$0x2] =	wrdreg s24  }
0xbe: {  	[dreg:$0x3] =	wrdreg s18  }
0xbf: {  	[dreg:$0x4] =	wrdreg $0x58000  }
0xc0: {  	[dreg:$0x5] =	wrdreg $0xA  }
0xc1: {  	_ =	task.clear_ibuf [dreg:s22], $0x6FFFF;
	_ =	strace $0x90000049  }
0xc2: {  	s29 =	simm.s32 $0xA;
	_ =	strace $0x8000004B  }
0xc3: {  	_ =	swait.ge [sflag:s29], $0x1  }
0xc4: {  	[sflag:s29] =	ssyncadd.s32 $0xFFFFFFFF  }
0xc5: {  	_ =	strace $0x9000004B  }
0xc6: {  	_ =	sfence  }
0xc7: {  	s30 =	sld [smem:$0x0];
	_ =	sdelay $0x2  }
0xc8: {  	s31 =	sshll.u32 s1, $0xD;
	s1 =	sshrl.u32 s1, $0x2  }
0xc9: {  	s4 =	sand.u32 $0x4000, s31;
	s1 =	sadd.s32 s1, s30  }
0xca: {  	s0 =	sor.u32 s4, s0;
	s1 =	sshll.u32 s1, $0x11  }
0xcb: {  	s0 =	sor.u32 s1, s0  }
0xcc: {  	s0 =	sadd.s32 $0x8F2B, s0  }
0xcd: {  	[sflag:s0] =	ssyncadd.remote.s32 $0x1  }
0xce: {  	_ =	sfence.sel $0xFFFF  }
0xcf: {  	[dreg:$0x0] =	wrdreg $0xFFFFFFFF;
	(pc) =	sbr.abs _section_cstart, $3  }
0xd0: {  	[dreg:$0x1] =	wrdreg $0xFFFFFFFF  }
0xd1: {  	_ =	task.clear_ibuf [dreg:s22], $0x2FFFF;
	_ =	strace $0x9FFFFFFF  }
0xd2: {  	(tm) =	ssettm $0x7FFFFFFF  }
0xd3: {  	_ =	shalt  }
tec
execute0_lowered:
.L_overlay_start_1:
0x0: {  	(tag) =	ssettag $0x1  }
0x1: {  	s4 =	rddreg [dreg:$0x0]  }
0x2: {  	s1 =	srdreg.scid;
	s8 =	rddreg [dreg:$0x1]  }
0x3: {  	s0 =	stileid.u32;
	s2 =	rddreg [dreg:$0x2];
	s3 =	simm.s32 $0x0  }
0x4: {  	s13 =	simm.s32 $0x80;
	s5 =	sand.u32 $0x1, s1;
	s1 =	rddreg [dreg:$0x3]  }
0x5: {  	s14 =	simm.s32 $0x0;
	s28 =	sshll.u32 s0, $0x1;
	[smem:$0x7FF] =	sst s3  }
0x6: {  	s7 =	smul.u32 $0x2800, s0;
	s31 =	sshll.u32 s0, $0x6;
	s6 =	sor.u32 s5, s28  }
0x7: {  	_ =	strace $0x8000004A;
	s10 =	ssub.s32 $0x2, s5;
	s5 =	smul.u32 $0x28000, s5  }
0x8: {  	s6 =	smul.u32 $0xA00, s6;
	s29 =	sshrl.u32 s7, $0x3;
	s11 =	sshrl.u32 s10, $0x1  }
0x9: {  	s30 =	sadd.s32 s7, s2;
	s10 =	ssub.s32 s10, s11;
	s7 =	sadd.s32 s7, s5  }
0xa: {  	s11 =	simm.s32 $0x1;
	s9 =	sadd.s32 s6, s4;
	s6 =	sadd.s32 s29, s4  }
0xb: {  	s4 =	sadd.s32 $0xBD9C00, s4;
	s12 =	sshrl.u32 s7, $0x3;
	s5 =	sadd.s32 $0xBD4C00, s6  }
0xc: {  	s6 =	sor.u32 $0x1C01, s31;
	s7 =	sadd.s32 $0xBC0C00, s9;
	s8 =	sadd.s32 s8, s12  }
0xd: {  	s9 =	smax.u32 s10, $0x1;
	s10 =	sshrl.u32 s30, $0x3;
	s12 =	simm.s32 $0x5000  }
.LBB2_1:
0xe: {  	[spmem:s10], [sflag:s6] =	dma.local [hbm:s5], $0x500  }
0xf: {  	_ =	swait.ge [sflag:s11], $0x500  }
0x10: {  	[sflag:s11] =	ssyncset.done $0x0  }
0x11: {  	[sflag:s11] =	ssyncadd.s32 $0xFFFFFB00  }
0x12: {  	[tilespmem:s12], [sflag:$0x1] =	stream.linear.gather [hbm4b:s4+s3], $0x800, $0x38;
	[tilespmem:$0x8000] =	vst v63  }
0x13: {  	_ =	swait.ge [sflag:s11], $0x800  }
0x14: {  	[sflag:s11] =	ssyncset.done $0x0  }
0x15: {  	[sflag:s11] =	ssyncadd.s32 $0xFFFFF800  }
0x16: {  	[tilespmem:s3], [sflag:$0x1] =	stream.linear.gather [hbm4b:s7+s3], $0x5000, $0x38;
	[tilespmem:$0x8000] =	vst v63  }
0x17: {  	_ =	swait.ge [sflag:s11], $0x5000  }
0x18: {  	[sflag:s11] =	ssyncset.done $0x0  }
0x19: {  	[sflag:s11] =	ssyncadd.s32 $0xFFFFB000  }
0x1a: {  	s15 =	simm.s32 $0x0;
	[bflag:$0x0] =	sbarrier.arrive $0xFFFF  }
0x1b: {  	[spmem:s2] =	stream.indirect.scatter.add.f32 [tilespmem:s12], [sflag:$0x1], $0x10, s15, s13, $0xb8;
	[tilespmem:$0x8000] =	vst v63  }
0x1c: {  	_ =	swait.ge [sflag:s11], $0x800  }
0x1d: {  	s15 =	simm.s32 $0x200;
	[sflag:s11] =	ssyncset.done $0x0  }
.LBB2_2:
0x1e: {  	s16 =	sshra.s32 s15, $0x2;
	[sflag:s11] =	ssyncadd.s32 $0xFFFFF800;
	p0 =	sne.s32 s15, $0x13E00  }
0x1f: {  	[spmem:s2] =	stream.indirect.scatter.add.f32 [tilespmem:s12], [sflag:$0x1], $0x10, s16, s13, $0xb8;
	[tilespmem:$0x8000] =	vst v63  }
.Ltmp0:
0x20: {  	_ = 	snop;
	(pc) =	sbr.rel @p0 .LBB2_2-.Ltmp0, $4  }
0x21: {  	_ = 	snop  }
0x22: {  	s15 =	sadd.s32 $0x200, s15  }
0x23: {  	_ =	swait.ge [sflag:s11], $0x800  }
0x24: {  	[sflag:s11] =	ssyncset.done $0x0  }
0x25: {  	s14 =	sadd.s32 $0x1, s14  }
0x26: {  	[sflag:s11] =	ssyncadd.s32 $0xFFFFF800;
	p0 =	sne.s32 s14, s9  }
.Ltmp1:
0x27: {  	[bflag:$0x0] =	sbarrier.arrive $0xFFFF;
	(pc) =	sbr.rel @p0 .LBB2_1-.Ltmp1, $4  }
0x28: {  	[hbm:s8], [sflag:s6] =	dma.local [spmem:s10], $0x500  }
0x29: {  	_ =	swait.ge [sflag:s11], $0x500  }
0x2a: {  	[sflag:s11] =	ssyncset.done $0x0  }
0x2b: {  	[sflag:s11] =	ssyncadd.s32 $0xFFFFFB00  }
0x2c: {  	_ =	sfence.sel $0x180000  }
0x2d: {  	[bflag:$0x0] =	sbarrier.arrive $0xFFFF  }
0x2e: {  	p0 =	sne.s32 s0, $0x0;
	_ =	strace $0x9000004A  }
0x2f: {  	s0 =	sadd.s32 @!p0 $0x100000, s1;
	[bflag:$0x2] =	sbarrier.arrive $0xFFFF  }
0x30: {  	[sflag:s0] =	ssyncadd.tile.s32 @!p0 $0x1;
	_ =	shalt  }
.Lfunc_end2:
_tile_overlayer_lowered:
.L_overlay_start_2:
0x31: {  	(tag) =	ssettag $0x2  }
0x32: {  	s0 =	rddreg [dreg:$0x0];
	s2 =	stileid.u32  }
0x33: {  	s1 =	rddreg [dreg:$0x1];
	p0 =	sne.s32 s2, $0x0  }
0x34: {  	s3 =	rddreg [dreg:$0x2];
	[bflag:$0x3] =	sbarrier.arrive $0xFFFF;
	s2 =	simm.s32 @!p0 $0x1C01  }
0x35: {  	[timem:s3], [sflag:s2] =	dma.local @!p0 [hbm:s0], s1  }
0x36: {  	s0 =	simm.s32 @!p0 $0x1  }
0x37: {  	_ =	swait.ge @!p0 [sflag:s0], s1  }
0x38: {  	s1 =	ssub.s32 @!p0 $0x0, s1;
	[sflag:s0] =	ssyncset.done @!p0 $0x0  }
0x39: {  	[sflag:s0] =	ssyncadd.s32 @!p0 s1  }
0x3a: {  	[bflag:$0x3] =	sbarrier.arrive $0xFFFF  }
0x3b: {  	_ =	shalt  }

// kernel: kernel.13.cloned.1.call-start
scs
__scs_entry_jumppad:
0x0: {  	(pc) =	sbr.rel $0x88, $3  }
0x1: {  	(tag) =	ssettag $0x0;
	lr =	simm.s32 $0x1  }
0x2: {  	[smem:$0x3F8B] =	sst lr;
	_ =	strace $0xD0000000  }
0x3: {  	_ = 	snop  }
0x4: {  	_ = 	snop  }
0x5: {  	_ = 	snop  }
0x6: {  	_ = 	snop  }
0x7: {  	_ = 	snop  }
__scs_overlays_trampoline_lowered:
0x8: {  	[smem:$0x3F9A] =	sst s0  }
0x9: {  	[smem:$0x3F9B] =	sst s1  }
0xa: {  	[smem:$0x3F9C] =	sst s2  }
0xb: {  	[smem:$0x3F9D] =	sst s3  }
0xc: {  	[smem:$0x3F9E] =	sst s4  }
0xd: {  	[smem:$0x3F9F] =	sst s5  }
0xe: {  	[smem:$0x3FA0] =	sst s6  }
0xf: {  	[smem:$0x3FA1] =	sst s7  }
0x10: {  	[smem:$0x3FA2] =	sst s8  }
0x11: {  	[smem:$0x3FA3] =	sst s9;
	s0 =	simm.s32 @!p0 $0x0  }
0x12: {  	s1 =	sld [smem:$0x3F89];
	s0 =	simm.s32 @p0 $0x1  }
0x13: {  	[smem:$0x3FA4] =	sst s0;
	s0 =	simm.s32 @!p1 $0x0  }
0x14: {  	s2 =	sld [smem:$0x3F88];
	s0 =	simm.s32 @p1 $0x1  }
0x15: {  	[smem:$0x3FA5] =	sst s0;
	s0 =	simm.s32 @!p2 $0x0  }
0x16: {  	s3 =	sld [smem:$0x3FDB];
	s0 =	simm.s32 @p2 $0x1  }
0x17: {  	s4 =	simm.s32 $0x1BF5;
	[smem:$0x3FA7] =	sst s0  }
0x18: {  	s0 =	sld [smem:$0x3F8A];
	_ =	swait.ge [sflag:s4], $0x0  }
0x19: {  	s7 =	sld [smem:$0x3F8B]  }
0x1a: {  	s8 =	sadd.s32 $0xFFFFE003, lr  }
0x1b: {  	s9 =	sadd.s32 $0xFFFFFEF7, lr;
	s5 =	simm.s32 $0xFFFFFFFF;
	p2 =	slt.u32 s8, $0xFFFFF086  }
0x1c: {  	p1 =	slt.u32 s9, $0xF7A;
	s5 =	simm.s32 @!p2 $0x0  }
0x1d: {  	s5 =	simm.s32 @p1 $0x1;
	p0 =	seq.s32 s7, s2  }
0x1e: {  	s7 =	smul.u32 @!p0 $0xF7A, s2;
	p2 =	seq.s32 @!p0 s5, $0x0  }
0x1f: {  	s9 =	smul.u32 $0xF7A, s1;
	s8 =	simm.s32 @!p0 $0x1BF5;
	p2 =	por !p2, p0  }
0x20: {  	[sflag:s8] =	ssyncset.s32 @!p0 $0xFFFFF086;
	s6 =	sadd.s32 @!p0 s3, s7;
	s7 =	simm.s32 @!p0 $0x108  }
0x21: {  	s3 =	sadd.s32 s3, s9;
	s6 =	sadd.s32 @!p0 $0x88, s6;
	s7 =	simm.s32 @p2 $0x1082  }
0x22: {  	[simem:s7], [sflag:s8] =	dma.local @!p0 [hbm:s6], $0xF7A  }
0x23: {  	s9 =	sor.u32 $0xD0000000, s2;
	s6 =	simm.s32 $0x108;
	_ =	swait.ge @!p0 [sflag:s8], $0x0  }
0x24: {  	s3 =	sadd.s32 $0x88, s3;
	s6 =	simm.s32 @!p1 $0x1082;
	[sflag:s4] =	ssyncset.s32 $0xFFFFF086  }
0x25: {  	[simem:s6], [sflag:s4] =	dma.local [hbm:s3], $0xF7A  }
0x26: {  	[smem:$0x3F8B] =	sst s1;
	(tag) =	ssettag s2;
	_ =	strace s9  }
0x27: {  	s1 =	sld [smem:$0x3F9B]  }
0x28: {  	s2 =	sld [smem:$0x3F9C]  }
0x29: {  	s4 =	sld [smem:$0x3F9E]  }
0x2a: {  	p0 =	seq.s32 s5, $0x0;
	s5 =	sld [smem:$0x3F9F]  }
0x2b: {  	s6 =	sld [smem:$0x3FA0]  }
0x2c: {  	s7 =	sld [smem:$0x3FA1]  }
0x2d: {  	s3 =	simm.s32 $0x108;
	s8 =	sld [smem:$0x3FA2]  }
0x2e: {  	s3 =	simm.s32 @!p0 $0x1082;
	s9 =	sld [smem:$0x3FA3]  }
0x2f: {  	lr =	sadd.s32 s0, s3;
	s0 =	sld [smem:$0x3F9A]  }
0x30: {  	s3 =	sld [smem:$0x3F9D]  }
0x31: {  	[smem:$0x3FA6] =	sst s10  }
0x32: {  	s10 =	sld [smem:$0x3FA4];
	_ =	sdelay $0x3  }
0x33: {  	p0 =	seq.s32 s10, $0x1;
	s10 =	sld [smem:$0x3FA6];
	_ =	sdelay $0x3  }
0x34: {  	[smem:$0x3FA6] =	sst s10  }
0x35: {  	s10 =	sld [smem:$0x3FA5];
	_ =	sdelay $0x3  }
0x36: {  	p1 =	seq.s32 s10, $0x1;
	s10 =	sld [smem:$0x3FA6];
	_ =	sdelay $0x3  }
0x37: {  	[smem:$0x3FA6] =	sst s10  }
0x38: {  	s10 =	sld [smem:$0x3FA7]  }
0x39: {  	_ = 	snop;
	(pc) =	sbr.ind lr, $3  }
0x3a: {  	_ = 	snop  }
0x3b: {  	_ = 	snop  }
0x3c: {  	p2 =	seq.s32 s10, $0x1;
	s10 =	sld [smem:$0x3FA6]  }
0x3d: {  	_ =	shalt  }
0x3e: {  	_ =	shalt  }
0x3f: {  	_ =	shalt  }
0x40: {  	_ =	shalt  }
0x41: {  	_ =	shalt  }
0x42: {  	_ =	shalt  }
0x43: {  	_ =	shalt  }
0x44: {  	_ =	shalt  }
0x45: {  	_ =	shalt  }
0x46: {  	_ =	shalt  }
0x47: {  	_ =	shalt  }
0x48: {  	_ =	shalt  }
0x49: {  	_ =	shalt  }
0x4a: {  	_ =	shalt  }
0x4b: {  	_ =	shalt  }
0x4c: {  	_ =	shalt  }
0x4d: {  	_ =	shalt  }
0x4e: {  	_ =	shalt  }
0x4f: {  	_ =	shalt  }
0x50: {  	_ =	shalt  }
0x51: {  	_ =	shalt  }
0x52: {  	_ =	shalt  }
0x53: {  	_ =	shalt  }
0x54: {  	_ =	shalt  }
0x55: {  	_ =	shalt  }
0x56: {  	_ =	shalt  }
0x57: {  	_ =	shalt  }
0x58: {  	_ =	shalt  }
0x59: {  	_ =	shalt  }
0x5a: {  	_ =	shalt  }
0x5b: {  	_ =	shalt  }
0x5c: {  	_ =	shalt  }
0x5d: {  	_ =	shalt  }
0x5e: {  	_ =	shalt  }
0x5f: {  	_ =	shalt  }
0x60: {  	_ =	shalt  }
0x61: {  	_ =	shalt  }
0x62: {  	_ =	shalt  }
0x63: {  	_ =	shalt  }
0x64: {  	_ =	shalt  }
0x65: {  	_ =	shalt  }
0x66: {  	_ =	shalt  }
0x67: {  	_ =	shalt  }
0x68: {  	_ =	shalt  }
0x69: {  	_ =	shalt  }
0x6a: {  	_ =	shalt  }
0x6b: {  	_ =	shalt  }
0x6c: {  	_ =	shalt  }
0x6d: {  	_ =	shalt  }
0x6e: {  	_ =	shalt  }
0x6f: {  	_ =	shalt  }
0x70: {  	_ =	shalt  }
0x71: {  	_ =	shalt  }
0x72: {  	_ =	shalt  }
0x73: {  	_ =	shalt  }
0x74: {  	_ =	shalt  }
0x75: {  	_ =	shalt  }
0x76: {  	_ =	shalt  }
0x77: {  	_ =	shalt  }
0x78: {  	_ =	shalt  }
0x79: {  	_ =	shalt  }
0x7a: {  	_ =	shalt  }
0x7b: {  	_ =	shalt  }
0x7c: {  	_ =	shalt  }
0x7d: {  	_ =	shalt  }
0x7e: {  	_ =	shalt  }
0x7f: {  	_ =	shalt  }
0x80: {  	_ =	shalt  }
0x81: {  	_ =	shalt  }
0x82: {  	_ =	shalt  }
0x83: {  	_ =	shalt  }
0x84: {  	_ =	shalt  }
0x85: {  	_ =	shalt  }
0x86: {  	_ =	shalt  }
0x87: {  	_ =	shalt  }
.Lfunc_end0:
.L_simem_size_0:
called_computation.2_lowered:
.L_overlay_start_0:
0x88: {  	s2 =	sld [smem:$0x3FD9]  }
0x89: {  	s3 =	sld [smem:$0x3FFE];
	_ =	sdelay $0x1  }
0x8a: {  	s1 =	srdreg.scid  }
0x8b: {  	s0 =	sand.u32 $0x1, s1  }
0x8c: {  	s17 =	sshll.u32 s0, $0xA;
	s2 =	sadd.s32 s3, s2  }
0x8d: {  	s2 =	sadd.s32 s2, s17  }
0x8e: {  	[smem:$0x3FB2] =	sst s2  }
0x8f: {  	_ = 	snop  }
0x90: {  	s2 =	sld [smem:$0x3FD0];
	(tm) =	ssettm $0x1  }
0x91: {  	s18 =	sld [smem:$0x3FFB];
	_ =	sdelay $0x3  }
0x92: {  	_ =	strace s18  }
0x93: {  	s3 =	sld [smem:$0x3FFC];
	_ =	sdelay $0x3  }
0x94: {  	_ =	strace s3  }
0x95: {  	s3 =	sld [smem:$0x3FFD];
	_ =	sdelay $0x3  }
0x96: {  	_ =	strace s3  }
0x97: {  	_ =	strace $0x8FFFFFFF  }
0x98: {  	s19 =	sld [smem:$0x3FDB];
	_ =	sdelay $0x1  }
0x99: {  	s4 =	simm.s32 $_scs_section_size  }
0x9a: {  	s5 =	simm.s32 $_size__tile_overlayer_lowered;
	s6 =	simm.s32 $_tile_overlayer_lowered  }
0x9b: {  	s22 =	simm.s32 $0x1BFF;
	s21 =	sshll.u32 s6, $0x1;
	s3 =	sadd.s32 s4, s19  }
0x9c: {  	s7 =	simm.s32 $0x0;
	s20 =	sshll.u32 s5, $0x1;
	s5 =	sadd.s32 s21, s3  }
0x9d: {  	[timem:s7], [sflag:s22] =	dma.local [hbm:s5], s20  }
0x9e: {  	_ =	swait.ge [sflag:s22], s20  }
0x9f: {  	s4 =	ssub.s32 $0x0, s20;
	[sflag:s22] =	ssyncset.done $0x0  }
0xa0: {  	[sflag:s22] =	ssyncadd.s32 s4;
	_ =	sdelay $0x1  }
0xa1: {  	s23 =	simm.s32 $0x1B8B  }
0xa2: {  	_ =	swait.ge [sflag:s23], $0x1  }
0xa3: {  	[sflag:s23] =	ssyncset.done $0x0  }
0xa4: {  	s25 =	simm.s32 $0x1B8E;
	s24 =	sld [smem:$0x3FFE];
	[sflag:s23] =	ssyncadd.s32 $0xFFFFFFFF  }
0xa5: {  	s26 =	simm.s32 $execute0_lowered;
	[smem:$0x3FD2] =	sst s25  }
0xa6: {  	s5 =	sshll.u32 s26, $0x1;
	_ =	strace $0x8000004C;
	[dreg:$0x1] =	wrdreg $0xFFFFFFFF  }
0xa7: {  	s28 =	simm.s32 $_size_execute0_lowered;
	s3 =	sadd.s32 s3, s5;
	[dreg:$0x0] =	wrdreg $0x0  }
0xa8: {  	s5 =	sshll.u32 s28, $0x1;
	[dreg:$0x2] =	wrdreg s3  }
0xa9: {  	[dreg:$0x3] =	wrdreg s5  }
0xaa: {  	[dreg:$0x4] =	wrdreg $0xC0  }
0xab: {  	_ =	task [dreg:s7], $0x5FFFF  }
0xac: {  	[dreg:$0x1] =	wrdreg $0xFFFFFFFF  }
0xad: {  	[dreg:$0x0] =	wrdreg $0x60  }
0xae: {  	[dreg:$0x2] =	wrdreg s24  }
0xaf: {  	[dreg:$0x3] =	wrdreg s2  }
0xb0: {  	[dreg:$0x4] =	wrdreg $0xD0000  }
0xb1: {  	[dreg:$0x5] =	wrdreg $0x9  }
0xb2: {  	_ =	task.clear_ibuf [dreg:s7], $0x6FFFF;
	_ =	strace $0x9000004C  }
0xb3: {  	s29 =	simm.s32 $0x9;
	_ =	strace $0x8000004E  }
0xb4: {  	_ =	swait.ge [sflag:s29], $0x1  }
0xb5: {  	[sflag:s29] =	ssyncadd.s32 $0xFFFFFFFF  }
0xb6: {  	_ =	strace $0x9000004E  }
0xb7: {  	_ =	sfence  }
0xb8: {  	s30 =	sld [smem:$0x0];
	_ =	sdelay $0x2  }
0xb9: {  	s31 =	sshll.u32 s1, $0xD;
	s1 =	sshrl.u32 s1, $0x2  }
0xba: {  	s3 =	sand.u32 $0x4000, s31;
	s1 =	sadd.s32 s1, s30  }
0xbb: {  	s0 =	sor.u32 s3, s0;
	s1 =	sshll.u32 s1, $0x11  }
0xbc: {  	s0 =	sor.u32 s1, s0  }
0xbd: {  	s0 =	sadd.s32 $0x8F2B, s0  }
0xbe: {  	[sflag:s0] =	ssyncadd.remote.s32 $0x1  }
0xbf: {  	_ =	sfence.sel $0xFFFF  }
0xc0: {  	[dreg:$0x0] =	wrdreg $0xFFFFFFFF;
	(pc) =	sbr.abs _section_cstart, $3  }
0xc1: {  	[dreg:$0x1] =	wrdreg $0xFFFFFFFF  }
0xc2: {  	_ =	task.clear_ibuf [dreg:s7], $0x2FFFF;
	_ =	strace $0x9FFFFFFF  }
0xc3: {  	(tm) =	ssettm $0x7FFFFFFF  }
tec
execute0_lowered:
.L_overlay_start_1:
0x0: {  	(tag) =	ssettag $0x1  }
0x1: {  	s5 =	rddreg [dreg:$0x0]  }
0x2: {  	s9 =	rddreg [dreg:$0x1];
	s1 =	srdreg.scid  }
0x3: {  	s0 =	stileid.u32;
	s2 =	rddreg [dreg:$0x2]  }
0x4: {  	s3 =	simm.s32 $0x0;
	s14 =	simm.s32 $0x80;
	s15 =	simm.s32 $0xA000  }
0x5: {  	s16 =	simm.s32 $0xB800;
	s17 =	simm.s32 $0x1;
	s18 =	simm.s32 $0x2  }
0x6: {  	s19 =	simm.s32 $0x0;
	s6 =	sand.u32 $0x1, s1;
	s1 =	rddreg [dreg:$0x3]  }
0x7: {  	s4 =	sshll.u32 s0, $0x1;
	[smem:$0x7FF] =	sst s3;
	s7 =	smul.u32 $0x7800, s0  }
0x8: {  	s4 =	sor.u32 s6, s4;
	s10 =	ssub.s32 $0x2, s6;
	s6 =	smul.u32 $0x78000, s6  }
0x9: {  	s30 =	sshll.u32 s0, $0x6;
	_ =	strace $0x8000004D;
	s4 =	smul.u32 $0xA00, s4  }
0xa: {  	s11 =	sshrl.u32 s7, $0x3;
	s12 =	sshrl.u32 s10, $0x1;
	s29 =	sadd.s32 s7, s2  }
0xb: {  	s10 =	ssub.s32 s10, s12;
	s13 =	sadd.s32 s7, s6;
	s6 =	sor.u32 $0x1C03, s30  }
0xc: {  	s12 =	simm.s32 $0x3;
	s8 =	sadd.s32 s4, s5;
	s4 =	sadd.s32 $0x1800, s5  }
0xd: {  	s5 =	sadd.s32 s11, s5;
	s31 =	sshrl.u32 s13, $0x3;
	s10 =	smax.u32 s10, $0x1  }
0xe: {  	s11 =	sshrl.u32 s29, $0x3;
	s13 =	simm.s32 $0x5000;
	s5 =	sadd.s32 $0x10800, s5  }
0xf: {  	s7 =	sadd.s32 $0xBACC00, s8;
	s8 =	sadd.s32 $0xBC0C00, s8;
	s9 =	sadd.s32 s9, s31  }
.LBB2_1:
0x10: {  	[spmem:s11], [sflag:s6] =	dma.local [hbm:s5], $0xF00  }
0x11: {  	_ =	swait.ge [sflag:s12], $0xF00  }
0x12: {  	[sflag:s12] =	ssyncset.done $0x0  }
0x13: {  	[sflag:s12] =	ssyncadd.s32 $0xFFFFF100  }
0x14: {  	[tilespmem:s3], [sflag:$0x3] =	stream.linear.gather [hbm4b:s7+s3], $0x5000, $0x38;
	[tilespmem:$0x14800] =	vst v63  }
0x15: {  	_ =	swait.ge [sflag:s12], $0x5000  }
0x16: {  	[sflag:s12] =	ssyncset.done $0x0  }
0x17: {  	[sflag:s12] =	ssyncadd.s32 $0xFFFFB000  }
0x18: {  	[tilespmem:s13], [sflag:$0x3] =	stream.linear.gather [hbm4b:s8+s3], $0x5000, $0x38;
	[tilespmem:$0x14800] =	vst v63  }
0x19: {  	_ =	swait.ge [sflag:s12], $0x5000  }
0x1a: {  	[sflag:s12] =	ssyncset.done $0x0  }
0x1b: {  	[sflag:s12] =	ssyncadd.s32 $0xFFFFB000  }
0x1c: {  	s20 =	simm.s32 $0x0;
	[bflag:$0x0] =	sbarrier.arrive $0xFFFF  }
0x1d: {  	[tilespmem:s15], [sflag:$0x1] =	stream.indirect.gather [hbm4b:s4+s14], $0x30, s20, s14, $0xb8;
	[tilespmem:$0x14800] =	vst v63  }
0x1e: {  	s29 =	simm.s32 $0x80  }
0x1f: {  	[tilespmem:s16], [sflag:$0x2] =	stream.indirect.gather [hbm4b:s4+s14], $0x30, s29, s14, $0xb8;
	[tilespmem:$0x14800] =	vst v63  }
0x20: {  	_ =	swait.ge [sflag:s17], $0x1800  }
0x21: {  	[sflag:s17] =	ssyncset.done $0x0  }
0x22: {  	s30 =	simm.s32 $0x5000;
	[sflag:s17] =	ssyncadd.s32 $0xFFFFE800  }
0x23: {  	[spmem:s2] =	stream.indirect.scatter.add.f32 [tilespmem:s15], [sflag:$0x3], $0x30, s30, s14, $0xb8;
	[tilespmem:$0x14800] =	vst v63  }
0x24: {  	_ =	swait.ge [sflag:s12], $0x1800  }
0x25: {  	[sflag:s12] =	ssyncset.done $0x0  }
0x26: {  	[sflag:s12] =	ssyncadd.s32 $0xFFFFE800  }
0x27: {  	_ =	swait.ge [sflag:s18], $0x1800  }
0x28: {  	[sflag:s18] =	ssyncset.done $0x0  }
0x29: {  	s31 =	simm.s32 $0x5080;
	[sflag:s18] =	ssyncadd.s32 $0xFFFFE800  }
0x2a: {  	[spmem:s2] =	stream.indirect.scatter.add.f32 [tilespmem:s16], [sflag:$0x3], $0x30, s31, s14, $0xb8;
	[tilespmem:$0x14800] =	vst v63  }
0x2b: {  	_ =	swait.ge [sflag:s12], $0x1800  }
0x2c: {  	s21 =	simm.s32 $0x800;
	s20 =	simm.s32 $0x400;
	[sflag:s12] =	ssyncset.done $0x0  }
.LBB2_2:
0x2d: {  	s22 =	sshra.s32 s20, $0x2  }
0x2e: {  	[sflag:s12] =	ssyncadd.s32 $0xFFFFE800;
	s20 =	smov.u32 s21;
	s23 =	sadd.s32 $0x400, s21  }
0x2f: {  	[tilespmem:s15], [sflag:$0x1] =	stream.indirect.gather [hbm4b:s4+s14], $0x30, s22, s14, $0xb8;
	[tilespmem:$0x14800] =	vst v63  }
0x30: {  	p0 =	sne.s32 s21, $0x13C00;
	s21 =	sadd.s32 $0x80, s22  }
0x31: {  	[tilespmem:s16], [sflag:$0x2] =	stream.indirect.gather [hbm4b:s4+s14], $0x30, s21, s14, $0xb8;
	[tilespmem:$0x14800] =	vst v63  }
0x32: {  	_ =	swait.ge [sflag:s17], $0x1800  }
0x33: {  	[sflag:s17] =	ssyncset.done $0x0  }
0x34: {  	s21 =	sadd.s32 $0x5000, s22;
	[sflag:s17] =	ssyncadd.s32 $0xFFFFE800  }
0x35: {  	[spmem:s2] =	stream.indirect.scatter.add.f32 [tilespmem:s15], [sflag:$0x3], $0x30, s21, s14, $0xb8;
	[tilespmem:$0x14800] =	vst v63  }
0x36: {  	_ =	swait.ge [sflag:s12], $0x1800  }
0x37: {  	[sflag:s12] =	ssyncset.done $0x0  }
0x38: {  	[sflag:s12] =	ssyncadd.s32 $0xFFFFE800  }
0x39: {  	_ =	swait.ge [sflag:s18], $0x1800  }
.Ltmp0:
0x3a: {  	[sflag:s18] =	ssyncset.done $0x0;
	(pc) =	sbr.rel @p0 .LBB2_2-.Ltmp0, $4  }
0x3b: {  	s21 =	sadd.s32 $0x5080, s22;
	[sflag:s18] =	ssyncadd.s32 $0xFFFFE800  }
0x3c: {  	[spmem:s2] =	stream.indirect.scatter.add.f32 [tilespmem:s16], [sflag:$0x3], $0x30, s21, s14, $0xb8;
	[tilespmem:$0x14800] =	vst v63  }
0x3d: {  	_ =	swait.ge [sflag:s12], $0x1800  }
0x3e: {  	s21 =	smov.u32 s23;
	[sflag:s12] =	ssyncset.done $0x0  }
0x3f: {  	s20 =	sshra.s32 s20, $0x2;
	[sflag:s12] =	ssyncadd.s32 $0xFFFFE800  }
0x40: {  	[tilespmem:s15], [sflag:$0x1] =	stream.indirect.gather [hbm4b:s4+s14], $0x30, s20, s14, $0xb8;
	[tilespmem:$0x14800] =	vst v63  }
0x41: {  	s21 =	sadd.s32 $0x80, s20  }
0x42: {  	[tilespmem:s16], [sflag:$0x2] =	stream.indirect.gather [hbm4b:s4+s14], $0x30, s21, s14, $0xb8;
	[tilespmem:$0x14800] =	vst v63  }
0x43: {  	_ =	swait.ge [sflag:s17], $0x1800  }
0x44: {  	[sflag:s17] =	ssyncset.done $0x0  }
0x45: {  	s31 =	sadd.s32 $0x5000, s20;
	[sflag:s17] =	ssyncadd.s32 $0xFFFFE800  }
0x46: {  	[spmem:s2] =	stream.indirect.scatter.add.f32 [tilespmem:s15], [sflag:$0x3], $0x30, s31, s14, $0xb8;
	[tilespmem:$0x14800] =	vst v63  }
0x47: {  	_ =	swait.ge [sflag:s12], $0x1800  }
0x48: {  	[sflag:s12] =	ssyncset.done $0x0  }
0x49: {  	[sflag:s12] =	ssyncadd.s32 $0xFFFFE800  }
0x4a: {  	_ =	swait.ge [sflag:s18], $0x1800  }
0x4b: {  	[sflag:s18] =	ssyncset.done $0x0  }
0x4c: {  	s20 =	sadd.s32 $0x5080, s20;
	[sflag:s18] =	ssyncadd.s32 $0xFFFFE800  }
0x4d: {  	[spmem:s2] =	stream.indirect.scatter.add.f32 [tilespmem:s16], [sflag:$0x3], $0x30, s20, s14, $0xb8;
	[tilespmem:$0x14800] =	vst v63  }
0x4e: {  	_ =	swait.ge [sflag:s12], $0x1800  }
0x4f: {  	s19 =	sadd.s32 $0x1, s19;
	[sflag:s12] =	ssyncset.done $0x0  }
0x50: {  	p0 =	sne.s32 s19, s10;
	[sflag:s12] =	ssyncadd.s32 $0xFFFFE800  }
.Ltmp1:
0x51: {  	[bflag:$0x0] =	sbarrier.arrive $0xFFFF;
	(pc) =	sbr.rel @p0 .LBB2_1-.Ltmp1, $4  }
0x52: {  	[hbm:s9], [sflag:s6] =	dma.local [spmem:s11], $0xF00  }
0x53: {  	_ =	swait.ge [sflag:s12], $0xF00  }
0x54: {  	[sflag:s12] =	ssyncset.done $0x0  }
0x55: {  	[sflag:s12] =	ssyncadd.s32 $0xFFFFF100  }
0x56: {  	_ =	sfence.sel $0x180000  }
0x57: {  	[bflag:$0x0] =	sbarrier.arrive $0xFFFF  }
0x58: {  	p0 =	sne.s32 s0, $0x0;
	_ =	strace $0x9000004D  }
0x59: {  	s0 =	sadd.s32 @!p0 $0x100000, s1;
	[bflag:$0x2] =	sbarrier.arrive $0xFFFF  }
0x5a: {  	[sflag:s0] =	ssyncadd.tile.s32 @!p0 $0x1;
	_ =	shalt  }
.Lfunc_end2:
_tile_overlayer_lowered:
.L_overlay_start_2:
0x5b: {  	(tag) =	ssettag $0x2  }
0x5c: {  	s0 =	rddreg [dreg:$0x0];
	s2 =	stileid.u32  }
0x5d: {  	s1 =	rddreg [dreg:$0x1];
	p0 =	sne.s32 s2, $0x0  }
0x5e: {  	s3 =	rddreg [dreg:$0x2];
	[bflag:$0x3] =	sbarrier.arrive $0xFFFF;
	s2 =	simm.s32 @!p0 $0x1C03  }
0x5f: {  	[timem:s3], [sflag:s2] =	dma.local @!p0 [hbm:s0], s1  }
0x60: {  	s0 =	simm.s32 @!p0 $0x3  }
0x61: {  	_ =	swait.ge @!p0 [sflag:s0], s1  }
0x62: {  	s1 =	ssub.s32 @!p0 $0x0, s1;
	[sflag:s0] =	ssyncset.done @!p0 $0x0  }
0x63: {  	[sflag:s0] =	ssyncadd.s32 @!p0 s1  }
0x64: {  	[bflag:$0x3] =	sbarrier.arrive $0xFFFF  }
0x65: {  	_ =	shalt  }

// kernel: sparse-core-data-format-call.cloned.1.call-start
scs
called_computation_lowered:
.L_overlay_start_0:
0x0: {  	s1 =	sld [smem:$0x3FD9]  }
0x1: {  	s2 =	sld [smem:$0x3FFE];
	_ =	sdelay $0x1  }
0x2: {  	s3 =	srdreg.scid  }
0x3: {  	s0 =	sand.u32 $0x1, s3  }
0x4: {  	s17 =	sshll.u32 s0, $0xA;
	s1 =	sadd.s32 s2, s1  }
0x5: {  	s1 =	sadd.s32 s1, s17  }
0x6: {  	[smem:$0x3FB2] =	sst s1  }
0x7: {  	_ = 	snop  }
0x8: {  	(tm) =	ssettm $0x1  }
0x9: {  	s18 =	sld [smem:$0x3FFB];
	_ =	sdelay $0x3  }
0xa: {  	_ =	strace s18  }
0xb: {  	s1 =	sld [smem:$0x3FFC];
	_ =	sdelay $0x3  }
0xc: {  	_ =	strace s1  }
0xd: {  	s1 =	sld [smem:$0x3FFD];
	_ =	sdelay $0x3  }
0xe: {  	_ =	strace s1  }
0xf: {  	_ =	strace $0x8FFFFFFF  }
0x10: {  	s19 =	sld [smem:$0x3FDB];
	_ =	sdelay $0x1  }
0x11: {  	s20 =	simm.s32 $_scs_section_size  }
0x12: {  	s4 =	simm.s32 $_size__tile_overlayer_lowered;
	s5 =	simm.s32 $_tile_overlayer_lowered  }
0x13: {  	s23 =	simm.s32 $0x1BFF;
	s22 =	sshll.u32 s5, $0x1;
	s1 =	sadd.s32 s20, s19  }
0x14: {  	s6 =	simm.s32 $0x0;
	s21 =	sshll.u32 s4, $0x1;
	s4 =	sadd.s32 s22, s1  }
0x15: {  	[timem:s6], [sflag:s23] =	dma.local [hbm:s4], s21  }
0x16: {  	_ =	swait.ge [sflag:s23], s21  }
0x17: {  	s2 =	ssub.s32 $0x0, s21;
	[sflag:s23] =	ssyncset.done $0x0  }
0x18: {  	[sflag:s23] =	ssyncadd.s32 s2;
	_ =	sdelay $0x1  }
0x19: {  	s24 =	simm.s32 $0x1B8B  }
0x1a: {  	_ =	swait.ge [sflag:s24], $0x1  }
0x1b: {  	[sflag:s24] =	ssyncset.done $0x0  }
0x1c: {  	s26 =	simm.s32 $0x1B8E;
	s25 =	sld [smem:$0x3FFE];
	[sflag:s24] =	ssyncadd.s32 $0xFFFFFFFF  }
0x1d: {  	s27 =	simm.s32 $execute0_lowered;
	[smem:$0x3FD2] =	sst s26  }
0x1e: {  	s4 =	sshll.u32 s27, $0x1;
	_ =	strace $0x80000046;
	[dreg:$0x1] =	wrdreg $0xFFFFFFFF  }
0x1f: {  	s28 =	simm.s32 $_size_execute0_lowered;
	s1 =	sadd.s32 s1, s4;
	[dreg:$0x0] =	wrdreg $0x0  }
0x20: {  	s4 =	sshll.u32 s28, $0x1;
	[dreg:$0x2] =	wrdreg s1  }
0x21: {  	[dreg:$0x3] =	wrdreg s4  }
0x22: {  	[dreg:$0x4] =	wrdreg $0xC0  }
0x23: {  	_ =	task [dreg:s6], $0x5FFFF  }
0x24: {  	[dreg:$0x1] =	wrdreg $0xFFFFFFFF  }
0x25: {  	[dreg:$0x0] =	wrdreg $0x60  }
0x26: {  	[dreg:$0x2] =	wrdreg s25  }
0x27: {  	[dreg:$0x3] =	wrdreg $0x9  }
0x28: {  	_ =	task.clear_ibuf [dreg:s6], $0x4FFFF;
	_ =	strace $0x90000046  }
0x29: {  	s29 =	simm.s32 $0x9;
	_ =	strace $0x80000048  }
0x2a: {  	_ =	swait.ge [sflag:s29], $0x1  }
0x2b: {  	[sflag:s29] =	ssyncadd.s32 $0xFFFFFFFF  }
0x2c: {  	_ =	strace $0x90000048  }
0x2d: {  	_ =	sfence  }
0x2e: {  	s30 =	sld [smem:$0x0];
	_ =	sdelay $0x2  }
0x2f: {  	s31 =	sshll.u32 s3, $0xD;
	s3 =	sshrl.u32 s3, $0x2  }
0x30: {  	s2 =	sand.u32 $0x4000, s31;
	s1 =	sadd.s32 s3, s30  }
0x31: {  	s0 =	sor.u32 s2, s0;
	s1 =	sshll.u32 s1, $0x11  }
0x32: {  	s0 =	sor.u32 s1, s0  }
0x33: {  	s0 =	sadd.s32 $0x8F2B, s0  }
0x34: {  	[sflag:s0] =	ssyncadd.remote.s32 $0x1  }
0x35: {  	_ =	sfence.sel $0xFFFF  }
0x36: {  	[dreg:$0x0] =	wrdreg $0xFFFFFFFF;
	(pc) =	sbr.abs _section_cstart, $3  }
0x37: {  	[dreg:$0x1] =	wrdreg $0xFFFFFFFF  }
0x38: {  	_ =	task.clear_ibuf [dreg:s6], $0x2FFFF;
	_ =	strace $0x9FFFFFFF  }
0x39: {  	(tm) =	ssettm $0x7FFFFFFF  }
tec
execute0_lowered:
.L_overlay_start_1:
0x0: {  	(tag) =	ssettag $0x1  }
0x1: {  	s0 =	srdreg.scid;
	s5 =	rddreg [dreg:$0x0];
	s6 =	simm.s32 $0x2  }
0x2: {  	s18 =	simm.s32 $0x0;
	s8 =	simm.s32 $0x9E00;
	s9 =	simm.s32 $0x2EE800  }
0x3: {  	s10 =	simm.s32 $0x0;
	s16 =	simm.s32 $0x0;
	s1 =	sshll.u32 s0, $0x4  }
0x4: {  	s17 =	simm.s32 $0x0;
	s0 =	stileid.u32;
	s1 =	sand.u32 $0x10, s1  }
0x5: {  	s19 =	simm.s32 $0x0;
	s11 =	simm.s32 $0x0;
	s1 =	sor.u32 s0, s1  }
0x6: {  	s13 =	simm.s32 $0x0;
	s14 =	simm.s32 $0x0;
	s2 =	sshll.u32 s1, $0x7  }
.Ltmp0:
0x7: {  	s15 =	simm.s32 $0x0;
	s3 =	ssub.s32 $0x2700, s2;
	(pc) =	sbr.rel .LBB1_1-.Ltmp0, $4  }
0x8: {  	s1 =	rddreg [dreg:$0x1];
	_ =	strace $0x80000047;
	s4 =	sshrl.u32 s3, $0xC  }
0x9: {  	s12 =	smov.u32 s2;
	s3 =	simm.s32 $0x1;
	s7 =	smul.u32 $0x26, s4  }
0xa: {  	s4 =	sadd.s32 $0x1800, s5;
	[sflag:s3] =	ssyncpa.u1 $0x0;
	s5 =	sadd.s32 $0x5CFC00, s5  }
0xb: {  	[sflag:s6] =	ssyncpa.u1 $0x0;
	s6 =	sadd.s32 $0x26, s7;
	s7 =	sadd.s32 $0x27, s7  }
.LBB1_11:
0xc: {  	s20 =	sadd.s32 $0x1000, s12  }
0xd: {  	s16 =	sadd.s32 $0x4, s11;
	s21 =	smov.u32 s11;
	p1 =	sgt.s32 s20, $0x270F  }
0xe: {  	s21 =	smov.u32 @p1 s16  }
0xf: {  	s22 =	smov.u32 s13;
	s16 =	sadd.s32 $0x4, s13;
	p2 =	sgt.s32 s21, $0x3  }
0x10: {  	s22 =	smov.u32 @p2 s16  }
0x11: {  	s23 =	smov.u32 s14;
	s16 =	sadd.s32 $0x8, s14;
	p3 =	sgt.s32 s22, $0x3  }
0x12: {  	p0 =	slt.u32 s15, $0x2;
	s23 =	smov.u32 @p3 s16  }
0x13: {  	s18 =	smov.u32 s12;
	s20 =	smov.u32 @p1 s2;
	p1 =	sgt.s32 s23, $0x12C  }
0x14: {  	s24 =	simm.s32 @!p0 $0x2;
	s23 =	simm.s32 @p1 $0x0;
	p1 =	sne.s32 s15, s7  }
.Ltmp1:
0x15: {  	s17 =	smov.u32 s13;
	_ =	swait.ge @!p0 [sflag:s24], $0x4000;
	(pc) =	sbr.rel @!p1 .LBB1_12-.Ltmp1, $4  }
0x16: {  	s19 =	smov.u32 s14;
	s10 =	sadd.s32 $0x4000, s10;
	[sflag:s24] =	ssyncset.done @!p0 $0x0  }
0x17: {  	s12 =	smov.u32 s20;
	s21 =	simm.s32 @p2 $0x0;
	[sflag:s24] =	ssyncadd.s32 @!p0 $0xFFFFC000  }
0x18: {  	s22 =	simm.s32 @p3 $0x0;
	s16 =	smov.u32 s11;
	s11 =	smov.u32 s21  }
0x19: {  	s13 =	smov.u32 s22;
	s15 =	sadd.s32 $0x1, s15;
	s14 =	smov.u32 s23  }
.LBB1_1:
0x1a: {  	p0 =	sge.u32 s15, s6  }
.Ltmp2:
0x1b: {  	_ = 	snop;
	(pc) =	sbr.rel @p0 .LBB1_3-.Ltmp2, $1  }
0x1c: {  	_ =	sdelay $0x3  }
0x1d: {  	s20 =	sshrl.u32 s11, $0x2  }
0x1e: {  	s21 =	sshll.u32 s12, $0x2;
	s20 =	smul.u32 $0x9E00, s20  }
0x1f: {  	s22 =	sshll.u32 s11, $0x7;
	s21 =	sand.u32 $0xFFFFFE00, s21  }
0x20: {  	s30 =	sand.u32 $0x7F, s12;
	s29 =	sand.u32 $0x180, s22;
	s20 =	sadd.s32 s20, s21  }
0x21: {  	p0 =	sgt.s32 s14, $0x125;
	s23 =	smov.u32 s14;
	s20 =	sor.u32 s29, s20  }
0x22: {  	s24 =	sshra.s32 s14, $0x1F;
	s25 =	sxor.u32 $0xFFFFFFFF, s15;
	s21 =	sor.u32 s30, s20  }
0x23: {  	s23 =	simm.s32 @!p0 $0x125;
	s24 =	sand.u32 s24, s14;
	s22 =	smulhi.u32 $0xCF6474A9, s21  }
0x24: {  	s27 =	ssub.s32 $0x0, s13;
	s31 =	sshll.u32 s25, $0xE;
	s23 =	ssub.s32 s23, s24  }
0x25: {  	s28 =	smin.u32 s13, s27;
	s26 =	sadd.s32 $0xFFFFFEDB, s23;
	s22 =	sshrl.u32 s22, $0xD  }
0x26: {  	s23 =	ssub.s32 $0x12D, s23;
	p0 =	sgt.s32 s26, $0x7;
	s22 =	smul.u32 $0x2780, s22  }
0x27: {  	s29 =	ssub.s32 $0x0, s11;
	s26 =	sshra.s32 s12, $0x1F;
	s23 =	simm.s32 @p0 $0x0  }
0x28: {  	p0 =	sgt.s32 s28, $0x3;
	s21 =	ssub.s32 s21, s22;
	s22 =	ssub.s32 $0x4, s28  }
0x29: {  	s20 =	smulhi.u32 $0xCF6474A9, s20;
	s25 =	smin.u32 s11, s29;
	s22 =	simm.s32 @p0 $0x0  }
0x2a: {  	p0 =	sgt.s32 s25, $0x3;
	s22 =	smul.u32 s22, s23;
	s23 =	ssub.s32 $0x4, s25  }
0x2b: {  	s25 =	smov.u32 s12;
	s23 =	simm.s32 @p0 $0x0;
	p0 =	sgt.s32 s12, $0x2700  }
0x2c: {  	s27 =	smul.u32 $0x13C0, s13;
	s26 =	sand.u32 s26, s12;
	s25 =	simm.s32 @!p0 $0x2700  }
0x2d: {  	s24 =	sand.u32 $0x4000, s31;
	s20 =	sshrl.u32 s20, $0xD;
	s30 =	ssub.s32 s25, s26  }
0x2e: {  	s31 =	smul.u32 $0x4F00, s14;
	s20 =	sand.u32 $0x3, s20;
	s25 =	sadd.s32 $0xFFFFD900, s30  }
0x2f: {  	s22 =	smul.u32 s23, s22;
	s23 =	ssub.s32 $0x2780, s30;
	p0 =	sgt.s32 s25, $0x7F  }
0x30: {  	s20 =	smul.u32 $0x4F0, s20;
	s26 =	sadd.s32 s4, s31;
	s23 =	simm.s32 @p0 $0x0  }
0x31: {  	s29 =	sand.u32 $0x7, s21;
	s28 =	sadd.s32 s27, s26;
	s22 =	smul.u32 s23, s22  }
0x32: {  	s21 =	sshrl.u32 s21, $0x3;
	s30 =	sshll.u32 s29, $0x12;
	s20 =	sadd.s32 s20, s28  }
0x33: {  	s31 =	sor.u32 $0x200, s30;
	s20 =	sadd.s32 s21, s20;
	s22 =	sand.u32 $0x3FFFFFFF, s22  }
0x34: {  	[tilespmem:s24], [sflag:$0x1] =	stream.strided.gather [hbm4b:s20+s31], s22, s8, s31, $0x38;
	[tilespmem:$0x10000] =	vst v63  }
.LBB1_3:
0x35: {  	p0 =	seq.s32 s15, $0x0  }
0x36: {  	p1 =	sge.u32 @!p0 s15, s7  }
0x37: {  	p0 =	por p0, p1  }
.Ltmp3:
0x38: {  	_ = 	snop;
	(pc) =	sbr.rel @p0 .LBB1_11-.Ltmp3, $1  }
0x39: {  	_ =	sdelay $0x3  }
0x3a: {  	p0 =	sgt.s32 s19, $0x125;
	s20 =	smov.u32 s19  }
0x3b: {  	s21 =	sshra.s32 s19, $0x1F;
	s22 =	ssub.s32 $0x0, s17;
	s29 =	ssub.s32 $0x0, s16  }
0x3c: {  	s23 =	sshra.s32 s18, $0x1F;
	s20 =	simm.s32 @!p0 $0x125;
	s21 =	sand.u32 s21, s19  }
0x3d: {  	s28 =	smin.u32 s17, s22;
	s22 =	smov.u32 s18;
	s20 =	ssub.s32 s20, s21  }
0x3e: {  	s23 =	sand.u32 s23, s18;
	p1 =	sgt.s32 s28, $0x3;
	s21 =	sadd.s32 $0xFFFFFEDB, s20  }
0x3f: {  	s20 =	ssub.s32 $0x12D, s20;
	p0 =	sgt.s32 s21, $0x7;
	s21 =	ssub.s32 $0x4, s28  }
0x40: {  	s20 =	simm.s32 @p0 $0x0;
	s21 =	simm.s32 @p1 $0x0;
	p0 =	sgt.s32 s18, $0x2700  }
0x41: {  	s20 =	smul.u32 s21, s20;
	s21 =	smin.u32 s16, s29;
	s22 =	simm.s32 @!p0 $0x2700  }
0x42: {  	p0 =	sgt.s32 s21, $0x3;
	s21 =	ssub.s32 $0x4, s21;
	s22 =	ssub.s32 s22, s23  }
0x43: {  	s21 =	simm.s32 @p0 $0x0;
	s23 =	sadd.s32 $0xFFFFD900, s22  }
0x44: {  	s20 =	smul.u32 s21, s20;
	p0 =	sgt.s32 s23, $0x7F;
	s21 =	ssub.s32 $0x2780, s22  }
0x45: {  	s21 =	simm.s32 @p0 $0x0  }
0x46: {  	s20 =	smul.u32 s21, s20;
	_ =	sdelay $0x1  }
0x47: {  	s30 =	sand.u32 $0x4000, s10;
	s31 =	sshll.u32 s15, $0xE;
	s20 =	sand.u32 $0x3FFFFFFF, s20  }
0x48: {  	s22 =	sor.u32 $0x40, s30;
	s23 =	sand.u32 $0x4000, s31;
	_ =	swait.ge [sflag:s3], s20  }
0x49: {  	s21 =	sor.u32 $0x8040, s30;
	s20 =	ssub.s32 $0x0, s20;
	[sflag:s3] =	ssyncset.done $0x0  }
0x4a: {  	[sflag:s3] =	ssyncadd.s32 s20;
	s20 =	sor.u32 $0x8000, s23;
	s23 =	simm.s32 $0x0  }
.LBB1_5:
0x4b: {  	s24 =	smov.u32 s22;
	s25 =	smov.u32 s21;
	s26 =	simm.s32 $0x0  }
.LBB1_6:
0x4c: {  	v0 =	vmov s24;
	_ =	sdelay $0x3  }
0x4d: {  	s28 =	simm.s32 $0x0  }
0x4e: {  	v6 =	vld.idx.msk [tilespmem:v0+s28+$0x30 ss:$0x1], $0xffff  }
0x4f: {  	v7 =	vld.idx.msk [tilespmem:v0+s28+$0xFFFFFFC0 ss:$0x1], $0xffff  }
0x50: {  	v5 =	vld.idx.msk [tilespmem:v0+s28+$0xFFFFFFD0 ss:$0x1], $0xffff  }
0x51: {  	v4 =	vld.idx.msk [tilespmem:v0+s28+$0xFFFFFFE0 ss:$0x1], $0xffff  }
0x52: {  	v3 =	vld.idx.msk [tilespmem:v0+s28+$0xFFFFFFF0 ss:$0x1], $0xffff  }
0x53: {  	v1 =	vld.idx.msk [tilespmem:v0+s28+$0x0 ss:$0x1], $0xffff  }
0x54: {  	v2 =	vld.idx.msk [tilespmem:v0+s28+$0x10 ss:$0x1], $0xffff;
	[tilespmem:s25+$0x30] =	vst v6  }
0x55: {  	s27 =	simm.s32 $0x80;
	s29 =	simm.s32 $0x400;
	[tilespmem:s25+$0xFFFFFFC0] =	vst v7;
	v6 =	vld.idx.msk [tilespmem:v0+s28+$0x20 ss:$0x1], $0xffff;
	s28 =	smov.u32 s25  }
.LBB1_7:
0x56: {  	p0 =	sne.s32 s29, $0x600;
	v7 =	vld.idx.msk [tilespmem:v0+s27+$0x30 ss:$0x1], $0xffff;
	[tilespmem:s28+$0xFFFFFFD0] =	vst v5  }
0x57: {  	v8 =	vld.idx.msk [tilespmem:v0+s27+$0xFFFFFFC0 ss:$0x1], $0xffff;
	[tilespmem:s28+$0xFFFFFFE0] =	vst v4  }
0x58: {  	v5 =	vld.idx.msk [tilespmem:v0+s27+$0xFFFFFFD0 ss:$0x1], $0xffff;
	[tilespmem:s28+$0xFFFFFFF0] =	vst v3  }
.Ltmp4:
0x59: {  	v4 =	vld.idx.msk [tilespmem:v0+s27+$0xFFFFFFE0 ss:$0x1], $0xffff;
	[tilespmem:s28+$0x0] =	vst v1;
	(pc) =	sbr.rel @p0 .LBB1_7-.Ltmp4, $4  }
0x5a: {  	v3 =	vld.idx.msk [tilespmem:v0+s27+$0xFFFFFFF0 ss:$0x1], $0xffff;
	[tilespmem:s28+$0x10] =	vst v2  }
0x5b: {  	v1 =	vld.idx.msk [tilespmem:v0+s27+$0x0 ss:$0x1], $0xffff;
	[tilespmem:s28+$0x20] =	vst v6;
	s28 =	sadd.s32 $0x400, s28  }
0x5c: {  	v2 =	vld.idx.msk [tilespmem:v0+s27+$0x10 ss:$0x1], $0xffff;
	[tilespmem:s28+$0x30] =	vst v7  }
0x5d: {  	[tilespmem:s28+$0xFFFFFFC0] =	vst v8;
	v6 =	vld.idx.msk [tilespmem:v0+s27+$0x20 ss:$0x1], $0xffff;
	s27 =	sshra.s32 s29, $0x2;
	s29 =	sadd.s32 $0x200, s29  }
0x5e: {  	_ =	sdelay $0x2  }
0x5f: {  	[tilespmem:s28+$0xFFFFFFD0] =	vst v5  }
0x60: {  	v56 =	vld.idx.msk [tilespmem:v0+s27+$0x30 ss:$0x1], $0xffff;
	[tilespmem:s28+$0xFFFFFFE0] =	vst v4  }
0x61: {  	v57 =	vld.idx.msk [tilespmem:v0+s27+$0xFFFFFFC0 ss:$0x1], $0xffff;
	[tilespmem:s28+$0xFFFFFFF0] =	vst v3  }
0x62: {  	v58 =	vld.idx.msk [tilespmem:v0+s27+$0xFFFFFFD0 ss:$0x1], $0xffff;
	[tilespmem:s28+$0x0] =	vst v1  }
0x63: {  	v59 =	vld.idx.msk [tilespmem:v0+s27+$0xFFFFFFE0 ss:$0x1], $0xffff;
	[tilespmem:s28+$0x10] =	vst v2  }
0x64: {  	v60 =	vld.idx.msk [tilespmem:v0+s27+$0xFFFFFFF0 ss:$0x1], $0xffff;
	s31 =	sadd.s32 $0x400, s28;
	[tilespmem:s28+$0x20] =	vst v6  }
0x65: {  	v61 =	vld.idx.msk [tilespmem:v0+s27+$0x0 ss:$0x1], $0xffff;
	[tilespmem:s31+$0x30] =	vst v56  }
0x66: {  	v62 =	vld.idx.msk [tilespmem:v0+s27+$0x10 ss:$0x1], $0xffff;
	s26 =	sadd.s32 $0x1, s26;
	[tilespmem:s31+$0xFFFFFFC0] =	vst v57  }
0x67: {  	v63 =	vld.idx.msk [tilespmem:v0+s27+$0x20 ss:$0x1], $0xffff;
	p0 =	sne.s32 s26, $0x4;
	[tilespmem:s31+$0xFFFFFFD0] =	vst v58  }
.Ltmp5:
0x68: {  	[tilespmem:s31+$0xFFFFFFE0] =	vst v59;
	(pc) =	sbr.rel @p0 .LBB1_6-.Ltmp5, $4  }
0x69: {  	[tilespmem:s31+$0xFFFFFFF0] =	vst v60  }
0x6a: {  	[tilespmem:s31+$0x0] =	vst v61  }
0x6b: {  	[tilespmem:s31+$0x10] =	vst v62  }
0x6c: {  	s25 =	sadd.s32 $0x1000, s25;
	s24 =	sadd.s32 $0x200, s24;
	[tilespmem:s31+$0x20] =	vst v63  }
0x6d: {  	s23 =	sadd.s32 $0x1, s23  }
0x6e: {  	p0 =	sne.s32 s23, $0x8  }
.Ltmp6:
0x6f: {  	_ = 	snop;
	(pc) =	sbr.rel @p0 .LBB1_5-.Ltmp6, $2  }
0x70: {  	_ =	sdelay $0x2  }
0x71: {  	s21 =	sadd.s32 $0x80, s21;
	s22 =	sadd.s32 $0x800, s22  }
0x72: {  	s21 =	sshrl.u32 s19, $0x3  }
0x73: {  	s22 =	sshll.u32 s18, $0x3;
	s21 =	smul.u32 $0x13C00, s21  }
0x74: {  	s27 =	sshll.u32 s19, $0x7;
	s22 =	sand.u32 $0xFFFFFC00, s22  }
0x75: {  	s19 =	sand.u32 $0x380, s27;
	s21 =	sadd.s32 s21, s22  }
0x76: {  	s28 =	sand.u32 $0x7F, s18;
	s19 =	sor.u32 s19, s21  }
0x77: {  	s18 =	sor.u32 s28, s19;
	s19 =	smulhi.u32 $0xCF6474A9, s19;
	_ =	sdelay $0x1  }
0x78: {  	s17 =	smul.u32 $0x177400, s17;
	s19 =	sshrl.u32 s19, $0xD  }
0x79: {  	s30 =	smulhi.u32 $0xD79436, s19  }
0x7a: {  	s29 =	smulhi.u32 $0xCF6474A9, s18  }
0x7b: {  	s22 =	smul.u32 $0x130, s30  }
0x7c: {  	s16 =	smul.u32 $0x5DD00, s16;
	s21 =	sshrl.u32 s29, $0xD  }
0x7d: {  	s21 =	smul.u32 $0x2780, s21;
	s19 =	ssub.s32 s19, s22  }
0x7e: {  	s19 =	smul.u32 $0x4F0, s19  }
.Ltmp7:
0x7f: {  	s17 =	sadd.s32 s5, s17;
	s18 =	ssub.s32 s18, s21;
	(pc) =	sbr.rel .LBB1_11-.Ltmp7, $4  }
0x80: {  	s16 =	sadd.s32 s16, s17;
	s31 =	sand.u32 $0x7, s18  }
0x81: {  	s18 =	sshrl.u32 s18, $0x3;
	s17 =	sshll.u32 s31, $0x12;
	s16 =	sadd.s32 s19, s16  }
0x82: {  	s17 =	sor.u32 $0x400, s17;
	s16 =	sadd.s32 s18, s16  }
0x83: {  	[hbm4b:s16+s17] =	stream.strided.scatter [tilespmem:s20], [sflag:$0x2], $0x4000, s9, s17, $0x38;
	[tilespmem:$0x10000] =	vst v63  }
.LBB1_12:
0x84: {  	_ =	sfence.sel $0x180000  }
0x85: {  	s2 =	simm.s32 $0x1;
	[bflag:$0x0] =	sbarrier.arrive $0xFFFF  }
0x86: {  	s31 =	simm.s32 $0x2;
	[sflag:s2] =	ssyncpa.u1 $0x1  }
0x87: {  	[sflag:s31] =	ssyncpa.u1 $0x1  }
0x88: {  	p0 =	sne.s32 s0, $0x0;
	_ =	strace $0x90000047  }
0x89: {  	s0 =	sadd.s32 @!p0 $0x100000, s1;
	[bflag:$0x2] =	sbarrier.arrive $0xFFFF  }
0x8a: {  	[sflag:s0] =	ssyncadd.tile.s32 @!p0 $0x1;
	_ =	shalt  }
.Lfunc_end1:
_tile_overlayer_lowered:
.L_overlay_start_2:
0x8b: {  	(tag) =	ssettag $0x2  }
0x8c: {  	s0 =	rddreg [dreg:$0x0];
	s2 =	stileid.u32  }
0x8d: {  	s1 =	rddreg [dreg:$0x1];
	p0 =	sne.s32 s2, $0x0  }
0x8e: {  	s3 =	rddreg [dreg:$0x2];
	[bflag:$0x3] =	sbarrier.arrive $0xFFFF;
	s2 =	simm.s32 @!p0 $0x1C01  }
0x8f: {  	[timem:s3], [sflag:s2] =	dma.local @!p0 [hbm:s0], s1  }
0x90: {  	s0 =	simm.s32 @!p0 $0x1  }
0x91: {  	_ =	swait.ge @!p0 [sflag:s0], s1  }
0x92: {  	s1 =	ssub.s32 @!p0 $0x0, s1;
	[sflag:s0] =	ssyncset.done @!p0 $0x0  }
0x93: {  	[sflag:s0] =	ssyncadd.s32 @!p0 s1  }
0x94: {  	[bflag:$0x3] =	sbarrier.arrive $0xFFFF  }
0x95: {  	_ =	shalt  }

</sc_bundles>
